<compile_context>
chip_gen: v7x
topology: tpu7x:2x2x1
jax: 0.10.2.dev20260603
libtpu: 0.0.44.dev20260713+nightly
codegen_flags: <defaults>
</compile_context>

<pallas_src>
import functools

import jax
import jax.numpy as jnp
from jax import lax
from jax.experimental import pallas as pl
from jax.experimental.pallas import tpu as pltpu
from jax.experimental.pallas import tpu_sc as plsc

_BATCH = 16384

_NS = 16
_CHUNK = 128
_BW = _BATCH // _NS
_NCHUNK = _BW // _CHUNK


def _mf_body(x_hbm, y_hbm, u0_hbm, u1_hbm, i0_hbm, i1_hbm, out_hbm,
             xv, yv, u0b, u1b, i0b, i1b, accv, allv, outv,
             usem, vsem):
    wid = lax.axis_index("s")

    pltpu.sync_copy(x_hbm.at[pl.ds(wid * _BW, _BW)], xv)
    pltpu.sync_copy(y_hbm.at[pl.ds(wid * _BW, _BW)], yv)

    copies = []
    for c in range(_NCHUNK):
        xi = xv.at[pl.ds(c * _CHUNK, _CHUNK)]
        yi = yv.at[pl.ds(c * _CHUNK, _CHUNK)]
        copies.append(pltpu.async_copy(u0_hbm.at[xi], u0b.at[c], usem))
        copies.append(pltpu.async_copy(u1_hbm.at[xi], u1b.at[c], usem))
        copies.append(pltpu.async_copy(i0_hbm.at[yi], i0b.at[c], vsem))
        copies.append(pltpu.async_copy(i1_hbm.at[yi], i1b.at[c], vsem))
    for cp in copies:
        cp.wait()

    acc = jnp.zeros((16,), jnp.float32)
    for c in range(_NCHUNK):
        for k in range(_CHUNK // 16):
            sl = pl.ds(16 * k, 16)
            acc = acc + u0b[c, sl] * i0b[c, sl] + u1b[c, sl] * i1b[c, sl]

    accv[...] = acc
    pltpu.sync_copy(accv, out_hbm.at[pl.ds(wid * 16, 16)])
    plsc.subcore_barrier()

    @pl.when(wid == 0)
    def _():
        pltpu.sync_copy(out_hbm.at[pl.ds(0, _NS * 16)], allv)
        tot = jnp.zeros((16,), jnp.float32)
        for r in range(_NS):
            tot = tot + allv[pl.ds(16 * r, 16)]
        s = tot[0]
        for l in range(1, 16):
            s = s + tot[l]
        outv[...] = jnp.broadcast_to(s, (16,))
        pltpu.sync_copy(outv, out_hbm.at[pl.ds(_NS * 16, 16)])


@functools.partial(
    pl.kernel,
    mesh=plsc.VectorSubcoreMesh(core_axis_name="c", subcore_axis_name="s",
                                num_cores=1),
    out_type=jax.ShapeDtypeStruct(((_NS + 1) * 16,), jnp.float32),
    scratch_types=[
        pltpu.VMEM((_BW,), jnp.int32),
        pltpu.VMEM((_BW,), jnp.int32),
        pltpu.VMEM((_NCHUNK, _CHUNK), jnp.float32),
        pltpu.VMEM((_NCHUNK, _CHUNK), jnp.float32),
        pltpu.VMEM((_NCHUNK, _CHUNK), jnp.float32),
        pltpu.VMEM((_NCHUNK, _CHUNK), jnp.float32),
        pltpu.VMEM((16,), jnp.float32),
        pltpu.VMEM((_NS * 16,), jnp.float32),
        pltpu.VMEM((16,), jnp.float32),
        pltpu.SemaphoreType.DMA,
        pltpu.SemaphoreType.DMA,
    ],
)
def _mf(x_hbm, y_hbm, u0_hbm, u1_hbm, i0_hbm, i1_hbm, out_hbm, *scratch):
    _mf_body(x_hbm, y_hbm, u0_hbm, u1_hbm, i0_hbm, i1_hbm, out_hbm, *scratch)


def kernel(x, y, user_table, item_table):
    out = _mf(x, y,
              user_table[:, 0], user_table[:, 1],
              item_table[:, 0], item_table[:, 1])
    return out[_NS * 16]

# --- scband reference (transcript-rebuilt; emitter-appended) ---
"""Pipeline reference for scband-mf-88691074662925 (READ-ONLY COPY).

The authoritative reference and input builder live on the scoring server;
editing this copy changes nothing except your own understanding.
"""

import jax, jax.numpy as jnp
import numpy as np

USER_NUM = 1000000
ITEM_NUM = 100000
EMBED_DIM = 2
BATCH = 16384

def setup_inputs(seed: int = 0) -> dict:
    key = jax.random.key(seed)
    k1, k2, k3, k4 = jax.random.split(key, 4)
    x = jax.random.randint(k1, (BATCH,), 0, USER_NUM, dtype=jnp.int64 if jax.config.jax_enable_x64 else jnp.int32)
    y = jax.random.randint(k2, (BATCH,), 0, ITEM_NUM, dtype=jnp.int64 if jax.config.jax_enable_x64 else jnp.int32)
    # nn.Embedding default init: N(0, 1)
    user_table = jax.random.normal(k3, (USER_NUM, EMBED_DIM), dtype=jnp.float32)
    item_table = jax.random.normal(k4, (ITEM_NUM, EMBED_DIM), dtype=jnp.float32)
    return {"x": x, "y": y, "user_table": user_table, "item_table": item_table}

def reference(x, y, user_table, item_table):
    # rating = torch.sum(self.user(x) * self.item(y))
    u = jnp.take(user_table, x, axis=0)  # [B, 2] gather
    v = jnp.take(item_table, y, axis=0)  # [B, 2] gather
    rating = jnp.sum(u * v)
    return rating

if __name__ == "__main__":
    import jax
    _d = setup_inputs()
    print(jax.jit(kernel)(*tuple(_d.values())))

</pallas_src>

<mosaic_0001>
#map = affine_map<(d0, d1) -> (0)>
module attributes {stable_mosaic.version = 14 : i64} {
  func.func @_mf(%arg0: i32, %arg1: i32, %arg2: memref<16384xi32, #tpu.memory_space<hbm>>, %arg3: memref<16384xi32, #tpu.memory_space<hbm>>, %arg4: memref<1000000xf32, #tpu.memory_space<hbm>>, %arg5: memref<1000000xf32, #tpu.memory_space<hbm>>, %arg6: memref<100000xf32, #tpu.memory_space<hbm>>, %arg7: memref<100000xf32, #tpu.memory_space<hbm>>, %arg8: memref<272xf32, #tpu.memory_space<hbm>>, %arg9: memref<1024xi32, #tpu.memory_space<vmem>>, %arg10: memref<1024xi32, #tpu.memory_space<vmem>>, %arg11: memref<8x128xf32, #tpu.memory_space<vmem>>, %arg12: memref<8x128xf32, #tpu.memory_space<vmem>>, %arg13: memref<8x128xf32, #tpu.memory_space<vmem>>, %arg14: memref<8x128xf32, #tpu.memory_space<vmem>>, %arg15: memref<16xf32, #tpu.memory_space<vmem>>, %arg16: memref<256xf32, #tpu.memory_space<vmem>>, %arg17: memref<16xf32, #tpu.memory_space<vmem>>, %arg18: memref<!tpu.dma_semaphore, #tpu.memory_space<semaphore_mem>>, %arg19: memref<!tpu.dma_semaphore, #tpu.memory_space<semaphore_mem>>) attributes {dimension_semantics = [#tpu.dimension_semantics<core_parallel>, #tpu.dimension_semantics<subcore_parallel>], iteration_bounds = array<i64: 1, 16>, scalar_prefetch = 0 : i64, scratch_operands = 11 : i64, tpu.core_type = #tpu.core_type<sc_vector_subcore>, window_params = [{transform_indices = #map}, {transform_indices = #map}, {transform_indices = #map}, {transform_indices = #map}, {transform_indices = #map}, {transform_indices = #map}, {transform_indices = #map}]} {
    %mul3A = arith.constant 1024 : i32
    %mul3A_0 = arith.muli %arg1, %mul3A : i32
    "tpu.region"() ({
      %run_scoped3A = tpu.sem_alloc : memref<!tpu.dma_semaphore, #tpu.memory_space<semaphore_mem>>
      %dma_start3A_2055 = tpu.memref_slice %arg2[%mul3A_0] : memref<16384xi32, #tpu.memory_space<hbm>> -> memref<1024xi32, #tpu.memory_space<hbm>>
      %dma_start3A_2056 = tpu.memref_slice %arg2[%mul3A_0] : memref<16384xi32, #tpu.memory_space<hbm>> -> memref<1024xi32, #tpu.memory_space<hbm>>
      tpu.enqueue_dma source(%dma_start3A_2056 : memref<1024xi32, #tpu.memory_space<hbm>>) target(%arg9 : memref<1024xi32, #tpu.memory_space<vmem>>) target_semaphore(%run_scoped3A : memref<!tpu.dma_semaphore, #tpu.memory_space<semaphore_mem>>)
      %dma_wait3A_2057 = tpu.memref_slice %arg2[%mul3A_0] : memref<16384xi32, #tpu.memory_space<hbm>> -> memref<1024xi32, #tpu.memory_space<hbm>>
      %dma_wait3A_2058 = tpu.memref_slice %arg2[%mul3A_0] : memref<16384xi32, #tpu.memory_space<hbm>> -> memref<1024xi32, #tpu.memory_space<hbm>>
      tpu.wait_dma2 semaphore(%run_scoped3A : memref<!tpu.dma_semaphore, #tpu.memory_space<semaphore_mem>>) src(%dma_wait3A_2058 : memref<1024xi32, #tpu.memory_space<hbm>>) dst(%arg9 : memref<1024xi32, #tpu.memory_space<vmem>>)
      tpu.yield
    }) : () -> ()
    %mul3A_1 = arith.constant 1024 : i32
    %mul3A_2 = arith.muli %arg1, %mul3A_1 : i32
    "tpu.region"() ({
      %run_scoped3A = tpu.sem_alloc : memref<!tpu.dma_semaphore, #tpu.memory_space<semaphore_mem>>
      %dma_start3A_2055 = tpu.memref_slice %arg3[%mul3A_2] : memref<16384xi32, #tpu.memory_space<hbm>> -> memref<1024xi32, #tpu.memory_space<hbm>>
      %dma_start3A_2056 = tpu.memref_slice %arg3[%mul3A_2] : memref<16384xi32, #tpu.memory_space<hbm>> -> memref<1024xi32, #tpu.memory_space<hbm>>
      tpu.enqueue_dma source(%dma_start3A_2056 : memref<1024xi32, #tpu.memory_space<hbm>>) target(%arg10 : memref<1024xi32, #tpu.memory_space<vmem>>) target_semaphore(%run_scoped3A : memref<!tpu.dma_semaphore, #tpu.memory_space<semaphore_mem>>)
      %dma_wait3A_2057 = tpu.memref_slice %arg3[%mul3A_2] : memref<16384xi32, #tpu.memory_space<hbm>> -> memref<1024xi32, #tpu.memory_space<hbm>>
      %dma_wait3A_2058 = tpu.memref_slice %arg3[%mul3A_2] : memref<16384xi32, #tpu.memory_space<hbm>> -> memref<1024xi32, #tpu.memory_space<hbm>>
      tpu.wait_dma2 semaphore(%run_scoped3A : memref<!tpu.dma_semaphore, #tpu.memory_space<semaphore_mem>>) src(%dma_wait3A_2058 : memref<1024xi32, #tpu.memory_space<hbm>>) dst(%arg10 : memref<1024xi32, #tpu.memory_space<vmem>>)
      tpu.yield
    }) : () -> ()
    %dma_start3A = arith.constant 0 : i32
    %dma_start3A_3 = arith.constant 0 : i32
    %dma_start3A_4 = tpu.memref_slice %arg11[%dma_start3A, %dma_start3A_3] : memref<8x128xf32, #tpu.memory_space<vmem>> -> memref<1x128xf32, #tpu.memory_space<vmem>>
    %dma_start3A_5 = tpu.memref_squeeze %dma_start3A_4 : memref<1x128xf32, #tpu.memory_space<vmem>> -> memref<128xf32, #tpu.memory_space<vmem>>
    %dma_start3A_6 = arith.constant 0 : i32
    %dma_start3A_7 = tpu.memref_slice %arg9[%dma_start3A_6] : memref<1024xi32, #tpu.memory_space<vmem>> -> memref<128xi32, #tpu.memory_space<vmem>>
    %dma_start3A_8 = arith.constant 0 : i32
    %dma_start3A_9 = tpu.memref_slice %arg4[%dma_start3A_8] : memref<1000000xf32, #tpu.memory_space<hbm>> -> memref<1000000xf32, #tpu.memory_space<hbm>>
    tpu.enqueue_indirect_dma source(%dma_start3A_9 : memref<1000000xf32, #tpu.memory_space<hbm>>) target(%dma_start3A_5 : memref<128xf32, #tpu.memory_space<vmem>>) offsets(%dma_start3A_7 : memref<128xi32, #tpu.memory_space<vmem>>) semaphore(%arg18 : memref<!tpu.dma_semaphore, #tpu.memory_space<semaphore_mem>>)
    %dma_start3A_10 = arith.constant 0 : i32
    %dma_start3A_11 = arith.constant 0 : i32
    %dma_start3A_12 = tpu.memref_slice %arg12[%dma_start3A_10, %dma_start3A_11] : memref<8x128xf32, #tpu.memory_space<vmem>> -> memref<1x128xf32, #tpu.memory_space<vmem>>
    %dma_start3A_13 = tpu.memref_squeeze %dma_start3A_12 : memref<1x128xf32, #tpu.memory_space<vmem>> -> memref<128xf32, #tpu.memory_space<vmem>>
    %dma_start3A_14 = arith.constant 0 : i32
    %dma_start3A_15 = tpu.memref_slice %arg9[%dma_start3A_14] : memref<1024xi32, #tpu.memory_space<vmem>> -> memref<128xi32, #tpu.memory_space<vmem>>
    %dma_start3A_16 = arith.constant 0 : i32
    %dma_start3A_17 = tpu.memref_slice %arg5[%dma_start3A_16] : memref<1000000xf32, #tpu.memory_space<hbm>> -> memref<1000000xf32, #tpu.memory_space<hbm>>
    tpu.enqueue_indirect_dma source(%dma_start3A_17 : memref<1000000xf32, #tpu.memory_space<hbm>>) target(%dma_start3A_13 : memref<128xf32, #tpu.memory_space<vmem>>) offsets(%dma_start3A_15 : memref<128xi32, #tpu.memory_space<vmem>>) semaphore(%arg18 : memref<!tpu.dma_semaphore, #tpu.memory_space<semaphore_mem>>)
    %dma_start3A_18 = arith.constant 0 : i32
    %dma_start3A_19 = arith.constant 0 : i32
    %dma_start3A_20 = tpu.memref_slice %arg13[%dma_start3A_18, %dma_start3A_19] : memref<8x128xf32, #tpu.memory_space<vmem>> -> memref<1x128xf32, #tpu.memory_space<vmem>>
    %dma_start3A_21 = tpu.memref_squeeze %dma_start3A_20 : memref<1x128xf32, #tpu.memory_space<vmem>> -> memref<128xf32, #tpu.memory_space<vmem>>
    %dma_start3A_22 = arith.constant 0 : i32
    %dma_start3A_23 = tpu.memref_slice %arg10[%dma_start3A_22] : memref<1024xi32, #tpu.memory_space<vmem>> -> memref<128xi32, #tpu.memory_space<vmem>>
    %dma_start3A_24 = arith.constant 0 : i32
    %dma_start3A_25 = tpu.memref_slice %arg6[%dma_start3A_24] : memref<100000xf32, #tpu.memory_space<hbm>> -> memref<100000xf32, #tpu.memory_space<hbm>>
    tpu.enqueue_indirect_dma source(%dma_start3A_25 : memref<100000xf32, #tpu.memory_space<hbm>>) target(%dma_start3A_21 : memref<128xf32, #tpu.memory_space<vmem>>) offsets(%dma_start3A_23 : memref<128xi32, #tpu.memory_space<vmem>>) semaphore(%arg19 : memref<!tpu.dma_semaphore, #tpu.memory_space<semaphore_mem>>)
    %dma_start3A_26 = arith.constant 0 : i32
    %dma_start3A_27 = arith.constant 0 : i32
    %dma_start3A_28 = tpu.memref_slice %arg14[%dma_start3A_26, %dma_start3A_27] : memref<8x128xf32, #tpu.memory_space<vmem>> -> memref<1x128xf32, #tpu.memory_space<vmem>>
    %dma_start3A_29 = tpu.memref_squeeze %dma_start3A_28 : memref<1x128xf32, #tpu.memory_space<vmem>> -> memref<128xf32, #tpu.memory_space<vmem>>
    %dma_start3A_30 = arith.constant 0 : i32
    %dma_start3A_31 = tpu.memref_slice %arg10[%dma_start3A_30] : memref<1024xi32, #tpu.memory_space<vmem>> -> memref<128xi32, #tpu.memory_space<vmem>>
    %dma_start3A_32 = arith.constant 0 : i32
    %dma_start3A_33 = tpu.memref_slice %arg7[%dma_start3A_32] : memref<100000xf32, #tpu.memory_space<hbm>> -> memref<100000xf32, #tpu.memory_space<hbm>>
    tpu.enqueue_indirect_dma source(%dma_start3A_33 : memref<100000xf32, #tpu.memory_space<hbm>>) target(%dma_start3A_29 : memref<128xf32, #tpu.memory_space<vmem>>) offsets(%dma_start3A_31 : memref<128xi32, #tpu.memory_space<vmem>>) semaphore(%arg19 : memref<!tpu.dma_semaphore, #tpu.memory_space<semaphore_mem>>)
    %dma_start3A_34 = arith.constant 1 : i32
    %dma_start3A_35 = arith.constant 0 : i32
    %dma_start3A_36 = tpu.memref_slice %arg11[%dma_start3A_34, %dma_start3A_35] : memref<8x128xf32, #tpu.memory_space<vmem>> -> memref<1x128xf32, #tpu.memory_space<vmem>>
    %dma_start3A_37 = tpu.memref_squeeze %dma_start3A_36 : memref<1x128xf32, #tpu.memory_space<vmem>> -> memref<128xf32, #tpu.memory_space<vmem>>
    %dma_start3A_38 = arith.constant 128 : i32
    %dma_start3A_39 = tpu.memref_slice %arg9[%dma_start3A_38] : memref<1024xi32, #tpu.memory_space<vmem>> -> memref<128xi32, #tpu.memory_space<vmem>>
    %dma_start3A_40 = arith.constant 0 : i32
    %dma_start3A_41 = tpu.memref_slice %arg4[%dma_start3A_40] : memref<1000000xf32, #tpu.memory_space<hbm>> -> memref<1000000xf32, #tpu.memory_space<hbm>>
    tpu.enqueue_indirect_dma source(%dma_start3A_41 : memref<1000000xf32, #tpu.memory_space<hbm>>) target(%dma_start3A_37 : memref<128xf32, #tpu.memory_space<vmem>>) offsets(%dma_start3A_39 : memref<128xi32, #tpu.memory_space<vmem>>) semaphore(%arg18 : memref<!tpu.dma_semaphore, #tpu.memory_space<semaphore_mem>>)
    %dma_start3A_42 = arith.constant 1 : i32
    %dma_start3A_43 = arith.constant 0 : i32
    %dma_start3A_44 = tpu.memref_slice %arg12[%dma_start3A_42, %dma_start3A_43] : memref<8x128xf32, #tpu.memory_space<vmem>> -> memref<1x128xf32, #tpu.memory_space<vmem>>
    %dma_start3A_45 = tpu.memref_squeeze %dma_start3A_44 : memref<1x128xf32, #tpu.memory_space<vmem>> -> memref<128xf32, #tpu.memory_space<vmem>>
    %dma_start3A_46 = arith.constant 128 : i32
    %dma_start3A_47 = tpu.memref_slice %arg9[%dma_start3A_46] : memref<1024xi32, #tpu.memory_space<vmem>> -> memref<128xi32, #tpu.memory_space<vmem>>
    %dma_start3A_48 = arith.constant 0 : i32
    %dma_start3A_49 = tpu.memref_slice %arg5[%dma_start3A_48] : memref<1000000xf32, #tpu.memory_space<hbm>> -> memref<1000000xf32, #tpu.memory_space<hbm>>
    tpu.enqueue_indirect_dma source(%dma_start3A_49 : memref<1000000xf32, #tpu.memory_space<hbm>>) target(%dma_start3A_45 : memref<128xf32, #tpu.memory_space<vmem>>) offsets(%dma_start3A_47 : memref<128xi32, #tpu.memory_space<vmem>>) semaphore(%arg18 : memref<!tpu.dma_semaphore, #tpu.memory_space<semaphore_mem>>)
    %dma_start3A_50 = arith.constant 1 : i32
    %dma_start3A_51 = arith.constant 0 : i32
    %dma_start3A_52 = tpu.memref_slice %arg13[%dma_start3A_50, %dma_start3A_51] : memref<8x128xf32, #tpu.memory_space<vmem>> -> memref<1x128xf32, #tpu.memory_space<vmem>>
    %dma_start3A_53 = tpu.memref_squeeze %dma_start3A_52 : memref<1x128xf32, #tpu.memory_space<vmem>> -> memref<128xf32, #tpu.memory_space<vmem>>
    %dma_start3A_54 = arith.constant 128 : i32
    %dma_start3A_55 = tpu.memref_slice %arg10[%dma_start3A_54] : memref<1024xi32, #tpu.memory_space<vmem>> -> memref<128xi32, #tpu.memory_space<vmem>>
    %dma_start3A_56 = arith.constant 0 : i32
    %dma_start3A_57 = tpu.memref_slice %arg6[%dma_start3A_56] : memref<100000xf32, #tpu.memory_space<hbm>> -> memref<100000xf32, #tpu.memory_space<hbm>>
    tpu.enqueue_indirect_dma source(%dma_start3A_57 : memref<100000xf32, #tpu.memory_space<hbm>>) target(%dma_start3A_53 : memref<128xf32, #tpu.memory_space<vmem>>) offsets(%dma_start3A_55 : memref<128xi32, #tpu.memory_space<vmem>>) semaphore(%arg19 : memref<!tpu.dma_semaphore, #tpu.memory_space<semaphore_mem>>)
    %dma_start3A_58 = arith.constant 1 : i32
    %dma_start3A_59 = arith.constant 0 : i32
    %dma_start3A_60 = tpu.memref_slice %arg14[%dma_start3A_58, %dma_start3A_59] : memref<8x128xf32, #tpu.memory_space<vmem>> -> memref<1x128xf32, #tpu.memory_space<vmem>>
    %dma_start3A_61 = tpu.memref_squeeze %dma_start3A_60 : memref<1x128xf32, #tpu.memory_space<vmem>> -> memref<128xf32, #tpu.memory_space<vmem>>
    %dma_start3A_62 = arith.constant 128 : i32
    %dma_start3A_63 = tpu.memref_slice %arg10[%dma_start3A_62] : memref<1024xi32, #tpu.memory_space<vmem>> -> memref<128xi32, #tpu.memory_space<vmem>>
    %dma_start3A_64 = arith.constant 0 : i32
    %dma_start3A_65 = tpu.memref_slice %arg7[%dma_start3A_64] : memref<100000xf32, #tpu.memory_space<hbm>> -> memref<100000xf32, #tpu.memory_space<hbm>>
    tpu.enqueue_indirect_dma source(%dma_start3A_65 : memref<100000xf32, #tpu.memory_space<hbm>>) target(%dma_start3A_61 : memref<128xf32, #tpu.memory_space<vmem>>) offsets(%dma_start3A_63 : memref<128xi32, #tpu.memory_space<vmem>>) semaphore(%arg19 : memref<!tpu.dma_semaphore, #tpu.memory_space<semaphore_mem>>)
    %dma_start3A_66 = arith.constant 2 : i32
    %dma_start3A_67 = arith.constant 0 : i32
    %dma_start3A_68 = tpu.memref_slice %arg11[%dma_start3A_66, %dma_start3A_67] : memref<8x128xf32, #tpu.memory_space<vmem>> -> memref<1x128xf32, #tpu.memory_space<vmem>>
    %dma_start3A_69 = tpu.memref_squeeze %dma_start3A_68 : memref<1x128xf32, #tpu.memory_space<vmem>> -> memref<128xf32, #tpu.memory_space<vmem>>
    %dma_start3A_70 = arith.constant 256 : i32
    %dma_start3A_71 = tpu.memref_slice %arg9[%dma_start3A_70] : memref<1024xi32, #tpu.memory_space<vmem>> -> memref<128xi32, #tpu.memory_space<vmem>>
    %dma_start3A_72 = arith.constant 0 : i32
    %dma_start3A_73 = tpu.memref_slice %arg4[%dma_start3A_72] : memref<1000000xf32, #tpu.memory_space<hbm>> -> memref<1000000xf32, #tpu.memory_space<hbm>>
    tpu.enqueue_indirect_dma source(%dma_start3A_73 : memref<1000000xf32, #tpu.memory_space<hbm>>) target(%dma_start3A_69 : memref<128xf32, #tpu.memory_space<vmem>>) offsets(%dma_start3A_71 : memref<128xi32, #tpu.memory_space<vmem>>) semaphore(%arg18 : memref<!tpu.dma_semaphore, #tpu.memory_space<semaphore_mem>>)
    %dma_start3A_74 = arith.constant 2 : i32
    %dma_start3A_75 = arith.constant 0 : i32
    %dma_start3A_76 = tpu.memref_slice %arg12[%dma_start3A_74, %dma_start3A_75] : memref<8x128xf32, #tpu.memory_space<vmem>> -> memref<1x128xf32, #tpu.memory_space<vmem>>
    %dma_start3A_77 = tpu.memref_squeeze %dma_start3A_76 : memref<1x128xf32, #tpu.memory_space<vmem>> -> memref<128xf32, #tpu.memory_space<vmem>>
    %dma_start3A_78 = arith.constant 256 : i32
    %dma_start3A_79 = tpu.memref_slice %arg9[%dma_start3A_78] : memref<1024xi32, #tpu.memory_space<vmem>> -> memref<128xi32, #tpu.memory_space<vmem>>
    %dma_start3A_80 = arith.constant 0 : i32
    %dma_start3A_81 = tpu.memref_slice %arg5[%dma_start3A_80] : memref<1000000xf32, #tpu.memory_space<hbm>> -> memref<1000000xf32, #tpu.memory_space<hbm>>
    tpu.enqueue_indirect_dma source(%dma_start3A_81 : memref<1000000xf32, #tpu.memory_space<hbm>>) target(%dma_start3A_77 : memref<128xf32, #tpu.memory_space<vmem>>) offsets(%dma_start3A_79 : memref<128xi32, #tpu.memory_space<vmem>>) semaphore(%arg18 : memref<!tpu.dma_semaphore, #tpu.memory_space<semaphore_mem>>)
    %dma_start3A_82 = arith.constant 2 : i32
    %dma_start3A_83 = arith.constant 0 : i32
    %dma_start3A_84 = tpu.memref_slice %arg13[%dma_start3A_82, %dma_start3A_83] : memref<8x128xf32, #tpu.memory_space<vmem>> -> memref<1x128xf32, #tpu.memory_space<vmem>>
    %dma_start3A_85 = tpu.memref_squeeze %dma_start3A_84 : memref<1x128xf32, #tpu.memory_space<vmem>> -> memref<128xf32, #tpu.memory_space<vmem>>
    %dma_start3A_86 = arith.constant 256 : i32
    %dma_start3A_87 = tpu.memref_slice %arg10[%dma_start3A_86] : memref<1024xi32, #tpu.memory_space<vmem>> -> memref<128xi32, #tpu.memory_space<vmem>>
    %dma_start3A_88 = arith.constant 0 : i32
    %dma_start3A_89 = tpu.memref_slice %arg6[%dma_start3A_88] : memref<100000xf32, #tpu.memory_space<hbm>> -> memref<100000xf32, #tpu.memory_space<hbm>>
    tpu.enqueue_indirect_dma source(%dma_start3A_89 : memref<100000xf32, #tpu.memory_space<hbm>>) target(%dma_start3A_85 : memref<128xf32, #tpu.memory_space<vmem>>) offsets(%dma_start3A_87 : memref<128xi32, #tpu.memory_space<vmem>>) semaphore(%arg19 : memref<!tpu.dma_semaphore, #tpu.memory_space<semaphore_mem>>)
    %dma_start3A_90 = arith.constant 2 : i32
    %dma_start3A_91 = arith.constant 0 : i32
    %dma_start3A_92 = tpu.memref_slice %arg14[%dma_start3A_90, %dma_start3A_91] : memref<8x128xf32, #tpu.memory_space<vmem>> -> memref<1x128xf32, #tpu.memory_space<vmem>>
    %dma_start3A_93 = tpu.memref_squeeze %dma_start3A_92 : memref<1x128xf32, #tpu.memory_space<vmem>> -> memref<128xf32, #tpu.memory_space<vmem>>
    %dma_start3A_94 = arith.constant 256 : i32
    %dma_start3A_95 = tpu.memref_slice %arg10[%dma_start3A_94] : memref<1024xi32, #tpu.memory_space<vmem>> -> memref<128xi32, #tpu.memory_space<vmem>>
    %dma_start3A_96 = arith.constant 0 : i32
    %dma_start3A_97 = tpu.memref_slice %arg7[%dma_start3A_96] : memref<100000xf32, #tpu.memory_space<hbm>> -> memref<100000xf32, #tpu.memory_space<hbm>>
    tpu.enqueue_indirect_dma source(%dma_start3A_97 : memref<100000xf32, #tpu.memory_space<hbm>>) target(%dma_start3A_93 : memref<128xf32, #tpu.memory_space<vmem>>) offsets(%dma_start3A_95 : memref<128xi32, #tpu.memory_space<vmem>>) semaphore(%arg19 : memref<!tpu.dma_semaphore, #tpu.memory_space<semaphore_mem>>)
    %dma_start3A_98 = arith.constant 3 : i32
    %dma_start3A_99 = arith.constant 0 : i32
    %dma_start3A_100 = tpu.memref_slice %arg11[%dma_start3A_98, %dma_start3A_99] : memref<8x128xf32, #tpu.memory_space<vmem>> -> memref<1x128xf32, #tpu.memory_space<vmem>>
    %dma_start3A_101 = tpu.memref_squeeze %dma_start3A_100 : memref<1x128xf32, #tpu.memory_space<vmem>> -> memref<128xf32, #tpu.memory_space<vmem>>
    %dma_start3A_102 = arith.constant 384 : i32
    %dma_start3A_103 = tpu.memref_slice %arg9[%dma_start3A_102] : memref<1024xi32, #tpu.memory_space<vmem>> -> memref<128xi32, #tpu.memory_space<vmem>>
    %dma_start3A_104 = arith.constant 0 : i32
    %dma_start3A_105 = tpu.memref_slice %arg4[%dma_start3A_104] : memref<1000000xf32, #tpu.memory_space<hbm>> -> memref<1000000xf32, #tpu.memory_space<hbm>>
    tpu.enqueue_indirect_dma source(%dma_start3A_105 : memref<1000000xf32, #tpu.memory_space<hbm>>) target(%dma_start3A_101 : memref<128xf32, #tpu.memory_space<vmem>>) offsets(%dma_start3A_103 : memref<128xi32, #tpu.memory_space<vmem>>) semaphore(%arg18 : memref<!tpu.dma_semaphore, #tpu.memory_space<semaphore_mem>>)
    %dma_start3A_106 = arith.constant 3 : i32
    %dma_start3A_107 = arith.constant 0 : i32
    %dma_start3A_108 = tpu.memref_slice %arg12[%dma_start3A_106, %dma_start3A_107] : memref<8x128xf32, #tpu.memory_space<vmem>> -> memref<1x128xf32, #tpu.memory_space<vmem>>
    %dma_start3A_109 = tpu.memref_squeeze %dma_start3A_108 : memref<1x128xf32, #tpu.memory_space<vmem>> -> memref<128xf32, #tpu.memory_space<vmem>>
    %dma_start3A_110 = arith.constant 384 : i32
    %dma_start3A_111 = tpu.memref_slice %arg9[%dma_start3A_110] : memref<1024xi32, #tpu.memory_space<vmem>> -> memref<128xi32, #tpu.memory_space<vmem>>
    %dma_start3A_112 = arith.constant 0 : i32
    %dma_start3A_113 = tpu.memref_slice %arg5[%dma_start3A_112] : memref<1000000xf32, #tpu.memory_space<hbm>> -> memref<1000000xf32, #tpu.memory_space<hbm>>
    tpu.enqueue_indirect_dma source(%dma_start3A_113 : memref<1000000xf32, #tpu.memory_space<hbm>>) target(%dma_start3A_109 : memref<128xf32, #tpu.memory_space<vmem>>) offsets(%dma_start3A_111 : memref<128xi32, #tpu.memory_space<vmem>>) semaphore(%arg18 : memref<!tpu.dma_semaphore, #tpu.memory_space<semaphore_mem>>)
    %dma_start3A_114 = arith.constant 3 : i32
    %dma_start3A_115 = arith.constant 0 : i32
    %dma_start3A_116 = tpu.memref_slice %arg13[%dma_start3A_114, %dma_start3A_115] : memref<8x128xf32, #tpu.memory_space<vmem>> -> memref<1x128xf32, #tpu.memory_space<vmem>>
    %dma_start3A_117 = tpu.memref_squeeze %dma_start3A_116 : memref<1x128xf32, #tpu.memory_space<vmem>> -> memref<128xf32, #tpu.memory_space<vmem>>
    %dma_start3A_118 = arith.constant 384 : i32
    %dma_start3A_119 = tpu.memref_slice %arg10[%dma_start3A_118] : memref<1024xi32, #tpu.memory_space<vmem>> -> memref<128xi32, #tpu.memory_space<vmem>>
    %dma_start3A_120 = arith.constant 0 : i32
    %dma_start3A_121 = tpu.memref_slice %arg6[%dma_start3A_120] : memref<100000xf32, #tpu.memory_space<hbm>> -> memref<100000xf32, #tpu.memory_space<hbm>>
    tpu.enqueue_indirect_dma source(%dma_start3A_121 : memref<100000xf32, #tpu.memory_space<hbm>>) target(%dma_start3A_117 : memref<128xf32, #tpu.memory_space<vmem>>) offsets(%dma_start3A_119 : memref<128xi32, #tpu.memory_space<vmem>>) semaphore(%arg19 : memref<!tpu.dma_semaphore, #tpu.memory_space<semaphore_mem>>)
    %dma_start3A_122 = arith.constant 3 : i32
    %dma_start3A_123 = arith.constant 0 : i32
    %dma_start3A_124 = tpu.memref_slice %arg14[%dma_start3A_122, %dma_start3A_123] : memref<8x128xf32, #tpu.memory_space<vmem>> -> memref<1x128xf32, #tpu.memory_space<vmem>>
    %dma_start3A_125 = tpu.memref_squeeze %dma_start3A_124 : memref<1x128xf32, #tpu.memory_space<vmem>> -> memref<128xf32, #tpu.memory_space<vmem>>
    %dma_start3A_126 = arith.constant 384 : i32
    %dma_start3A_127 = tpu.memref_slice %arg10[%dma_start3A_126] : memref<1024xi32, #tpu.memory_space<vmem>> -> memref<128xi32, #tpu.memory_space<vmem>>
    %dma_start3A_128 = arith.constant 0 : i32
    %dma_start3A_129 = tpu.memref_slice %arg7[%dma_start3A_128] : memref<100000xf32, #tpu.memory_space<hbm>> -> memref<100000xf32, #tpu.memory_space<hbm>>
    tpu.enqueue_indirect_dma source(%dma_start3A_129 : memref<100000xf32, #tpu.memory_space<hbm>>) target(%dma_start3A_125 : memref<128xf32, #tpu.memory_space<vmem>>) offsets(%dma_start3A_127 : memref<128xi32, #tpu.memory_space<vmem>>) semaphore(%arg19 : memref<!tpu.dma_semaphore, #tpu.memory_space<semaphore_mem>>)
    %dma_start3A_130 = arith.constant 4 : i32
    %dma_start3A_131 = arith.constant 0 : i32
    %dma_start3A_132 = tpu.memref_slice %arg11[%dma_start3A_130, %dma_start3A_131] : memref<8x128xf32, #tpu.memory_space<vmem>> -> memref<1x128xf32, #tpu.memory_space<vmem>>
    %dma_start3A_133 = tpu.memref_squeeze %dma_start3A_132 : memref<1x128xf32, #tpu.memory_space<vmem>> -> memref<128xf32, #tpu.memory_space<vmem>>
    %dma_start3A_134 = arith.constant 512 : i32
    %dma_start3A_135 = tpu.memref_slice %arg9[%dma_start3A_134] : memref<1024xi32, #tpu.memory_space<vmem>> -> memref<128xi32, #tpu.memory_space<vmem>>
    %dma_start3A_136 = arith.constant 0 : i32
    %dma_start3A_137 = tpu.memref_slice %arg4[%dma_start3A_136] : memref<1000000xf32, #tpu.memory_space<hbm>> -> memref<1000000xf32, #tpu.memory_space<hbm>>
    tpu.enqueue_indirect_dma source(%dma_start3A_137 : memref<1000000xf32, #tpu.memory_space<hbm>>) target(%dma_start3A_133 : memref<128xf32, #tpu.memory_space<vmem>>) offsets(%dma_start3A_135 : memref<128xi32, #tpu.memory_space<vmem>>) semaphore(%arg18 : memref<!tpu.dma_semaphore, #tpu.memory_space<semaphore_mem>>)
    %dma_start3A_138 = arith.constant 4 : i32
    %dma_start3A_139 = arith.constant 0 : i32
    %dma_start3A_140 = tpu.memref_slice %arg12[%dma_start3A_138, %dma_start3A_139] : memref<8x128xf32, #tpu.memory_space<vmem>> -> memref<1x128xf32, #tpu.memory_space<vmem>>
    %dma_start3A_141 = tpu.memref_squeeze %dma_start3A_140 : memref<1x128xf32, #tpu.memory_space<vmem>> -> memref<128xf32, #tpu.memory_space<vmem>>
    %dma_start3A_142 = arith.constant 512 : i32
    %dma_start3A_143 = tpu.memref_slice %arg9[%dma_start3A_142] : memref<1024xi32, #tpu.memory_space<vmem>> -> memref<128xi32, #tpu.memory_space<vmem>>
    %dma_start3A_144 = arith.constant 0 : i32
    %dma_start3A_145 = tpu.memref_slice %arg5[%dma_start3A_144] : memref<1000000xf32, #tpu.memory_space<hbm>> -> memref<1000000xf32, #tpu.memory_space<hbm>>
    tpu.enqueue_indirect_dma source(%dma_start3A_145 : memref<1000000xf32, #tpu.memory_space<hbm>>) target(%dma_start3A_141 : memref<128xf32, #tpu.memory_space<vmem>>) offsets(%dma_start3A_143 : memref<128xi32, #tpu.memory_space<vmem>>) semaphore(%arg18 : memref<!tpu.dma_semaphore, #tpu.memory_space<semaphore_mem>>)
    %dma_start3A_146 = arith.constant 4 : i32
    %dma_start3A_147 = arith.constant 0 : i32
    %dma_start3A_148 = tpu.memref_slice %arg13[%dma_start3A_146, %dma_start3A_147] : memref<8x128xf32, #tpu.memory_space<vmem>> -> memref<1x128xf32, #tpu.memory_space<vmem>>
    %dma_start3A_149 = tpu.memref_squeeze %dma_start3A_148 : memref<1x128xf32, #tpu.memory_space<vmem>> -> memref<128xf32, #tpu.memory_space<vmem>>
    %dma_start3A_150 = arith.constant 512 : i32
    %dma_start3A_151 = tpu.memref_slice %arg10[%dma_start3A_150] : memref<1024xi32, #tpu.memory_space<vmem>> -> memref<128xi32, #tpu.memory_space<vmem>>
    %dma_start3A_152 = arith.constant 0 : i32
    %dma_start3A_153 = tpu.memref_slice %arg6[%dma_start3A_152] : memref<100000xf32, #tpu.memory_space<hbm>> -> memref<100000xf32, #tpu.memory_space<hbm>>
    tpu.enqueue_indirect_dma source(%dma_start3A_153 : memref<100000xf32, #tpu.memory_space<hbm>>) target(%dma_start3A_149 : memref<128xf32, #tpu.memory_space<vmem>>) offsets(%dma_start3A_151 : memref<128xi32, #tpu.memory_space<vmem>>) semaphore(%arg19 : memref<!tpu.dma_semaphore, #tpu.memory_space<semaphore_mem>>)
    %dma_start3A_154 = arith.constant 4 : i32
    %dma_start3A_155 = arith.constant 0 : i32
    %dma_start3A_156 = tpu.memref_slice %arg14[%dma_start3A_154, %dma_start3A_155] : memref<8x128xf32, #tpu.memory_space<vmem>> -> memref<1x128xf32, #tpu.memory_space<vmem>>
    %dma_start3A_157 = tpu.memref_squeeze %dma_start3A_156 : memref<1x128xf32, #tpu.memory_space<vmem>> -> memref<128xf32, #tpu.memory_space<vmem>>
    %dma_start3A_158 = arith.constant 512 : i32
    %dma_start3A_159 = tpu.memref_slice %arg10[%dma_start3A_158] : memref<1024xi32, #tpu.memory_space<vmem>> -> memref<128xi32, #tpu.memory_space<vmem>>
    %dma_start3A_160 = arith.constant 0 : i32
    %dma_start3A_161 = tpu.memref_slice %arg7[%dma_start3A_160] : memref<100000xf32, #tpu.memory_space<hbm>> -> memref<100000xf32, #tpu.memory_space<hbm>>
    tpu.enqueue_indirect_dma source(%dma_start3A_161 : memref<100000xf32, #tpu.memory_space<hbm>>) target(%dma_start3A_157 : memref<128xf32, #tpu.memory_space<vmem>>) offsets(%dma_start3A_159 : memref<128xi32, #tpu.memory_space<vmem>>) semaphore(%arg19 : memref<!tpu.dma_semaphore, #tpu.memory_space<semaphore_mem>>)
    %dma_start3A_162 = arith.constant 5 : i32
    %dma_start3A_163 = arith.constant 0 : i32
    %dma_start3A_164 = tpu.memref_slice %arg11[%dma_start3A_162, %dma_start3A_163] : memref<8x128xf32, #tpu.memory_space<vmem>> -> memref<1x128xf32, #tpu.memory_space<vmem>>
    %dma_start3A_165 = tpu.memref_squeeze %dma_start3A_164 : memref<1x128xf32, #tpu.memory_space<vmem>> -> memref<128xf32, #tpu.memory_space<vmem>>
    %dma_start3A_166 = arith.constant 640 : i32
    %dma_start3A_167 = tpu.memref_slice %arg9[%dma_start3A_166] : memref<1024xi32, #tpu.memory_space<vmem>> -> memref<128xi32, #tpu.memory_space<vmem>>
    %dma_start3A_168 = arith.constant 0 : i32
    %dma_start3A_169 = tpu.memref_slice %arg4[%dma_start3A_168] : memref<1000000xf32, #tpu.memory_space<hbm>> -> memref<1000000xf32, #tpu.memory_space<hbm>>
    tpu.enqueue_indirect_dma source(%dma_start3A_169 : memref<1000000xf32, #tpu.memory_space<hbm>>) target(%dma_start3A_165 : memref<128xf32, #tpu.memory_space<vmem>>) offsets(%dma_start3A_167 : memref<128xi32, #tpu.memory_space<vmem>>) semaphore(%arg18 : memref<!tpu.dma_semaphore, #tpu.memory_space<semaphore_mem>>)
    %dma_start3A_170 = arith.constant 5 : i32
    %dma_start3A_171 = arith.constant 0 : i32
    %dma_start3A_172 = tpu.memref_slice %arg12[%dma_start3A_170, %dma_start3A_171] : memref<8x128xf32, #tpu.memory_space<vmem>> -> memref<1x128xf32, #tpu.memory_space<vmem>>
    %dma_start3A_173 = tpu.memref_squeeze %dma_start3A_172 : memref<1x128xf32, #tpu.memory_space<vmem>> -> memref<128xf32, #tpu.memory_space<vmem>>
    %dma_start3A_174 = arith.constant 640 : i32
    %dma_start3A_175 = tpu.memref_slice %arg9[%dma_start3A_174] : memref<1024xi32, #tpu.memory_space<vmem>> -> memref<128xi32, #tpu.memory_space<vmem>>
    %dma_start3A_176 = arith.constant 0 : i32
    %dma_start3A_177 = tpu.memref_slice %arg5[%dma_start3A_176] : memref<1000000xf32, #tpu.memory_space<hbm>> -> memref<1000000xf32, #tpu.memory_space<hbm>>
    tpu.enqueue_indirect_dma source(%dma_start3A_177 : memref<1000000xf32, #tpu.memory_space<hbm>>) target(%dma_start3A_173 : memref<128xf32, #tpu.memory_space<vmem>>) offsets(%dma_start3A_175 : memref<128xi32, #tpu.memory_space<vmem>>) semaphore(%arg18 : memref<!tpu.dma_semaphore, #tpu.memory_space<semaphore_mem>>)
    %dma_start3A_178 = arith.constant 5 : i32
    %dma_start3A_179 = arith.constant 0 : i32
    %dma_start3A_180 = tpu.memref_slice %arg13[%dma_start3A_178, %dma_start3A_179] : memref<8x128xf32, #tpu.memory_space<vmem>> -> memref<1x128xf32, #tpu.memory_space<vmem>>
    %dma_start3A_181 = tpu.memref_squeeze %dma_start3A_180 : memref<1x128xf32, #tpu.memory_space<vmem>> -> memref<128xf32, #tpu.memory_space<vmem>>
    %dma_start3A_182 = arith.constant 640 : i32
    %dma_start3A_183 = tpu.memref_slice %arg10[%dma_start3A_182] : memref<1024xi32, #tpu.memory_space<vmem>> -> memref<128xi32, #tpu.memory_space<vmem>>
    %dma_start3A_184 = arith.constant 0 : i32
    %dma_start3A_185 = tpu.memref_slice %arg6[%dma_start3A_184] : memref<100000xf32, #tpu.memory_space<hbm>> -> memref<100000xf32, #tpu.memory_space<hbm>>
    tpu.enqueue_indirect_dma source(%dma_start3A_185 : memref<100000xf32, #tpu.memory_space<hbm>>) target(%dma_start3A_181 : memref<128xf32, #tpu.memory_space<vmem>>) offsets(%dma_start3A_183 : memref<128xi32, #tpu.memory_space<vmem>>) semaphore(%arg19 : memref<!tpu.dma_semaphore, #tpu.memory_space<semaphore_mem>>)
    %dma_start3A_186 = arith.constant 5 : i32
    %dma_start3A_187 = arith.constant 0 : i32
    %dma_start3A_188 = tpu.memref_slice %arg14[%dma_start3A_186, %dma_start3A_187] : memref<8x128xf32, #tpu.memory_space<vmem>> -> memref<1x128xf32, #tpu.memory_space<vmem>>
    %dma_start3A_189 = tpu.memref_squeeze %dma_start3A_188 : memref<1x128xf32, #tpu.memory_space<vmem>> -> memref<128xf32, #tpu.memory_space<vmem>>
    %dma_start3A_190 = arith.constant 640 : i32
    %dma_start3A_191 = tpu.memref_slice %arg10[%dma_start3A_190] : memref<1024xi32, #tpu.memory_space<vmem>> -> memref<128xi32, #tpu.memory_space<vmem>>
    %dma_start3A_192 = arith.constant 0 : i32
    %dma_start3A_193 = tpu.memref_slice %arg7[%dma_start3A_192] : memref<100000xf32, #tpu.memory_space<hbm>> -> memref<100000xf32, #tpu.memory_space<hbm>>
    tpu.enqueue_indirect_dma source(%dma_start3A_193 : memref<100000xf32, #tpu.memory_space<hbm>>) target(%dma_start3A_189 : memref<128xf32, #tpu.memory_space<vmem>>) offsets(%dma_start3A_191 : memref<128xi32, #tpu.memory_space<vmem>>) semaphore(%arg19 : memref<!tpu.dma_semaphore, #tpu.memory_space<semaphore_mem>>)
    %dma_start3A_194 = arith.constant 6 : i32
    %dma_start3A_195 = arith.constant 0 : i32
    %dma_start3A_196 = tpu.memref_slice %arg11[%dma_start3A_194, %dma_start3A_195] : memref<8x128xf32, #tpu.memory_space<vmem>> -> memref<1x128xf32, #tpu.memory_space<vmem>>
    %dma_start3A_197 = tpu.memref_squeeze %dma_start3A_196 : memref<1x128xf32, #tpu.memory_space<vmem>> -> memref<128xf32, #tpu.memory_space<vmem>>
    %dma_start3A_198 = arith.constant 768 : i32
    %dma_start3A_199 = tpu.memref_slice %arg9[%dma_start3A_198] : memref<1024xi32, #tpu.memory_space<vmem>> -> memref<128xi32, #tpu.memory_space<vmem>>
    %dma_start3A_200 = arith.constant 0 : i32
    %dma_start3A_201 = tpu.memref_slice %arg4[%dma_start3A_200] : memref<1000000xf32, #tpu.memory_space<hbm>> -> memref<1000000xf32, #tpu.memory_space<hbm>>
    tpu.enqueue_indirect_dma source(%dma_start3A_201 : memref<1000000xf32, #tpu.memory_space<hbm>>) target(%dma_start3A_197 : memref<128xf32, #tpu.memory_space<vmem>>) offsets(%dma_start3A_199 : memref<128xi32, #tpu.memory_space<vmem>>) semaphore(%arg18 : memref<!tpu.dma_semaphore, #tpu.memory_space<semaphore_mem>>)
    %dma_start3A_202 = arith.constant 6 : i32
    %dma_start3A_203 = arith.constant 0 : i32
    %dma_start3A_204 = tpu.memref_slice %arg12[%dma_start3A_202, %dma_start3A_203] : memref<8x128xf32, #tpu.memory_space<vmem>> -> memref<1x128xf32, #tpu.memory_space<vmem>>
    %dma_start3A_205 = tpu.memref_squeeze %dma_start3A_204 : memref<1x128xf32, #tpu.memory_space<vmem>> -> memref<128xf32, #tpu.memory_space<vmem>>
    %dma_start3A_206 = arith.constant 768 : i32
    %dma_start3A_207 = tpu.memref_slice %arg9[%dma_start3A_206] : memref<1024xi32, #tpu.memory_space<vmem>> -> memref<128xi32, #tpu.memory_space<vmem>>
    %dma_start3A_208 = arith.constant 0 : i32
    %dma_start3A_209 = tpu.memref_slice %arg5[%dma_start3A_208] : memref<1000000xf32, #tpu.memory_space<hbm>> -> memref<1000000xf32, #tpu.memory_space<hbm>>
    tpu.enqueue_indirect_dma source(%dma_start3A_209 : memref<1000000xf32, #tpu.memory_space<hbm>>) target(%dma_start3A_205 : memref<128xf32, #tpu.memory_space<vmem>>) offsets(%dma_start3A_207 : memref<128xi32, #tpu.memory_space<vmem>>) semaphore(%arg18 : memref<!tpu.dma_semaphore, #tpu.memory_space<semaphore_mem>>)
    %dma_start3A_210 = arith.constant 6 : i32
    %dma_start3A_211 = arith.constant 0 : i32
    %dma_start3A_212 = tpu.memref_slice %arg13[%dma_start3A_210, %dma_start3A_211] : memref<8x128xf32, #tpu.memory_space<vmem>> -> memref<1x128xf32, #tpu.memory_space<vmem>>
    %dma_start3A_213 = tpu.memref_squeeze %dma_start3A_212 : memref<1x128xf32, #tpu.memory_space<vmem>> -> memref<128xf32, #tpu.memory_space<vmem>>
    %dma_start3A_214 = arith.constant 768 : i32
    %dma_start3A_215 = tpu.memref_slice %arg10[%dma_start3A_214] : memref<1024xi32, #tpu.memory_space<vmem>> -> memref<128xi32, #tpu.memory_space<vmem>>
    %dma_start3A_216 = arith.constant 0 : i32
    %dma_start3A_217 = tpu.memref_slice %arg6[%dma_start3A_216] : memref<100000xf32, #tpu.memory_space<hbm>> -> memref<100000xf32, #tpu.memory_space<hbm>>
    tpu.enqueue_indirect_dma source(%dma_start3A_217 : memref<100000xf32, #tpu.memory_space<hbm>>) target(%dma_start3A_213 : memref<128xf32, #tpu.memory_space<vmem>>) offsets(%dma_start3A_215 : memref<128xi32, #tpu.memory_space<vmem>>) semaphore(%arg19 : memref<!tpu.dma_semaphore, #tpu.memory_space<semaphore_mem>>)
    %dma_start3A_218 = arith.constant 6 : i32
    %dma_start3A_219 = arith.constant 0 : i32
    %dma_start3A_220 = tpu.memref_slice %arg14[%dma_start3A_218, %dma_start3A_219] : memref<8x128xf32, #tpu.memory_space<vmem>> -> memref<1x128xf32, #tpu.memory_space<vmem>>
    %dma_start3A_221 = tpu.memref_squeeze %dma_start3A_220 : memref<1x128xf32, #tpu.memory_space<vmem>> -> memref<128xf32, #tpu.memory_space<vmem>>
    %dma_start3A_222 = arith.constant 768 : i32
    %dma_start3A_223 = tpu.memref_slice %arg10[%dma_start3A_222] : memref<1024xi32, #tpu.memory_space<vmem>> -> memref<128xi32, #tpu.memory_space<vmem>>
    %dma_start3A_224 = arith.constant 0 : i32
    %dma_start3A_225 = tpu.memref_slice %arg7[%dma_start3A_224] : memref<100000xf32, #tpu.memory_space<hbm>> -> memref<100000xf32, #tpu.memory_space<hbm>>
    tpu.enqueue_indirect_dma source(%dma_start3A_225 : memref<100000xf32, #tpu.memory_space<hbm>>) target(%dma_start3A_221 : memref<128xf32, #tpu.memory_space<vmem>>) offsets(%dma_start3A_223 : memref<128xi32, #tpu.memory_space<vmem>>) semaphore(%arg19 : memref<!tpu.dma_semaphore, #tpu.memory_space<semaphore_mem>>)
    %dma_start3A_226 = arith.constant 7 : i32
    %dma_start3A_227 = arith.constant 0 : i32
    %dma_start3A_228 = tpu.memref_slice %arg11[%dma_start3A_226, %dma_start3A_227] : memref<8x128xf32, #tpu.memory_space<vmem>> -> memref<1x128xf32, #tpu.memory_space<vmem>>
    %dma_start3A_229 = tpu.memref_squeeze %dma_start3A_228 : memref<1x128xf32, #tpu.memory_space<vmem>> -> memref<128xf32, #tpu.memory_space<vmem>>
    %dma_start3A_230 = arith.constant 896 : i32
    %dma_start3A_231 = tpu.memref_slice %arg9[%dma_start3A_230] : memref<1024xi32, #tpu.memory_space<vmem>> -> memref<128xi32, #tpu.memory_space<vmem>>
    %dma_start3A_232 = arith.constant 0 : i32
    %dma_start3A_233 = tpu.memref_slice %arg4[%dma_start3A_232] : memref<1000000xf32, #tpu.memory_space<hbm>> -> memref<1000000xf32, #tpu.memory_space<hbm>>
    tpu.enqueue_indirect_dma source(%dma_start3A_233 : memref<1000000xf32, #tpu.memory_space<hbm>>) target(%dma_start3A_229 : memref<128xf32, #tpu.memory_space<vmem>>) offsets(%dma_start3A_231 : memref<128xi32, #tpu.memory_space<vmem>>) semaphore(%arg18 : memref<!tpu.dma_semaphore, #tpu.memory_space<semaphore_mem>>)
    %dma_start3A_234 = arith.constant 7 : i32
    %dma_start3A_235 = arith.constant 0 : i32
    %dma_start3A_236 = tpu.memref_slice %arg12[%dma_start3A_234, %dma_start3A_235] : memref<8x128xf32, #tpu.memory_space<vmem>> -> memref<1x128xf32, #tpu.memory_space<vmem>>
    %dma_start3A_237 = tpu.memref_squeeze %dma_start3A_236 : memref<1x128xf32, #tpu.memory_space<vmem>> -> memref<128xf32, #tpu.memory_space<vmem>>
    %dma_start3A_238 = arith.constant 896 : i32
    %dma_start3A_239 = tpu.memref_slice %arg9[%dma_start3A_238] : memref<1024xi32, #tpu.memory_space<vmem>> -> memref<128xi32, #tpu.memory_space<vmem>>
    %dma_start3A_240 = arith.constant 0 : i32
    %dma_start3A_241 = tpu.memref_slice %arg5[%dma_start3A_240] : memref<1000000xf32, #tpu.memory_space<hbm>> -> memref<1000000xf32, #tpu.memory_space<hbm>>
    tpu.enqueue_indirect_dma source(%dma_start3A_241 : memref<1000000xf32, #tpu.memory_space<hbm>>) target(%dma_start3A_237 : memref<128xf32, #tpu.memory_space<vmem>>) offsets(%dma_start3A_239 : memref<128xi32, #tpu.memory_space<vmem>>) semaphore(%arg18 : memref<!tpu.dma_semaphore, #tpu.memory_space<semaphore_mem>>)
    %dma_start3A_242 = arith.constant 7 : i32
    %dma_start3A_243 = arith.constant 0 : i32
    %dma_start3A_244 = tpu.memref_slice %arg13[%dma_start3A_242, %dma_start3A_243] : memref<8x128xf32, #tpu.memory_space<vmem>> -> memref<1x128xf32, #tpu.memory_space<vmem>>
    %dma_start3A_245 = tpu.memref_squeeze %dma_start3A_244 : memref<1x128xf32, #tpu.memory_space<vmem>> -> memref<128xf32, #tpu.memory_space<vmem>>
    %dma_start3A_246 = arith.constant 896 : i32
    %dma_start3A_247 = tpu.memref_slice %arg10[%dma_start3A_246] : memref<1024xi32, #tpu.memory_space<vmem>> -> memref<128xi32, #tpu.memory_space<vmem>>
    %dma_start3A_248 = arith.constant 0 : i32
    %dma_start3A_249 = tpu.memref_slice %arg6[%dma_start3A_248] : memref<100000xf32, #tpu.memory_space<hbm>> -> memref<100000xf32, #tpu.memory_space<hbm>>
    tpu.enqueue_indirect_dma source(%dma_start3A_249 : memref<100000xf32, #tpu.memory_space<hbm>>) target(%dma_start3A_245 : memref<128xf32, #tpu.memory_space<vmem>>) offsets(%dma_start3A_247 : memref<128xi32, #tpu.memory_space<vmem>>) semaphore(%arg19 : memref<!tpu.dma_semaphore, #tpu.memory_space<semaphore_mem>>)
    %dma_start3A_250 = arith.constant 7 : i32
    %dma_start3A_251 = arith.constant 0 : i32
    %dma_start3A_252 = tpu.memref_slice %arg14[%dma_start3A_250, %dma_start3A_251] : memref<8x128xf32, #tpu.memory_space<vmem>> -> memref<1x128xf32, #tpu.memory_space<vmem>>
    %dma_start3A_253 = tpu.memref_squeeze %dma_start3A_252 : memref<1x128xf32, #tpu.memory_space<vmem>> -> memref<128xf32, #tpu.memory_space<vmem>>
    %dma_start3A_254 = arith.constant 896 : i32
    %dma_start3A_255 = tpu.memref_slice %arg10[%dma_start3A_254] : memref<1024xi32, #tpu.memory_space<vmem>> -> memref<128xi32, #tpu.memory_space<vmem>>
    %dma_start3A_256 = arith.constant 0 : i32
    %dma_start3A_257 = tpu.memref_slice %arg7[%dma_start3A_256] : memref<100000xf32, #tpu.memory_space<hbm>> -> memref<100000xf32, #tpu.memory_space<hbm>>
    tpu.enqueue_indirect_dma source(%dma_start3A_257 : memref<100000xf32, #tpu.memory_space<hbm>>) target(%dma_start3A_253 : memref<128xf32, #tpu.memory_space<vmem>>) offsets(%dma_start3A_255 : memref<128xi32, #tpu.memory_space<vmem>>) semaphore(%arg19 : memref<!tpu.dma_semaphore, #tpu.memory_space<semaphore_mem>>)
    %dma_wait3A = arith.constant 0 : i32
    %dma_wait3A_258 = arith.constant 0 : i32
    %dma_wait3A_259 = tpu.memref_slice %arg11[%dma_wait3A, %dma_wait3A_258] : memref<8x128xf32, #tpu.memory_space<vmem>> -> memref<1x128xf32, #tpu.memory_space<vmem>>
    %dma_wait3A_260 = tpu.memref_squeeze %dma_wait3A_259 : memref<1x128xf32, #tpu.memory_space<vmem>> -> memref<128xf32, #tpu.memory_space<vmem>>
    %dma_wait3A_261 = arith.constant 0 : i32
    %dma_wait3A_262 = tpu.memref_slice %arg9[%dma_wait3A_261] : memref<1024xi32, #tpu.memory_space<vmem>> -> memref<128xi32, #tpu.memory_space<vmem>>
    %dma_wait3A_263 = arith.constant 0 : i32
    %dma_wait3A_264 = tpu.memref_slice %arg4[%dma_wait3A_263] : memref<1000000xf32, #tpu.memory_space<hbm>> -> memref<1000000xf32, #tpu.memory_space<hbm>>
    tpu.wait_indirect_dma semaphore(%arg18 : memref<!tpu.dma_semaphore, #tpu.memory_space<semaphore_mem>>) src(%dma_wait3A_264 : memref<1000000xf32, #tpu.memory_space<hbm>>) dst(%dma_wait3A_260 : memref<128xf32, #tpu.memory_space<vmem>>)
    %dma_wait3A_265 = arith.constant 0 : i32
    %dma_wait3A_266 = arith.constant 0 : i32
    %dma_wait3A_267 = tpu.memref_slice %arg12[%dma_wait3A_265, %dma_wait3A_266] : memref<8x128xf32, #tpu.memory_space<vmem>> -> memref<1x128xf32, #tpu.memory_space<vmem>>
    %dma_wait3A_268 = tpu.memref_squeeze %dma_wait3A_267 : memref<1x128xf32, #tpu.memory_space<vmem>> -> memref<128xf32, #tpu.memory_space<vmem>>
    %dma_wait3A_269 = arith.constant 0 : i32
    %dma_wait3A_270 = tpu.memref_slice %arg9[%dma_wait3A_269] : memref<1024xi32, #tpu.memory_space<vmem>> -> memref<128xi32, #tpu.memory_space<vmem>>
    %dma_wait3A_271 = arith.constant 0 : i32
    %dma_wait3A_272 = tpu.memref_slice %arg5[%dma_wait3A_271] : memref<1000000xf32, #tpu.memory_space<hbm>> -> memref<1000000xf32, #tpu.memory_space<hbm>>
    tpu.wait_indirect_dma semaphore(%arg18 : memref<!tpu.dma_semaphore, #tpu.memory_space<semaphore_mem>>) src(%dma_wait3A_272 : memref<1000000xf32, #tpu.memory_space<hbm>>) dst(%dma_wait3A_268 : memref<128xf32, #tpu.memory_space<vmem>>)
    %dma_wait3A_273 = arith.constant 0 : i32
    %dma_wait3A_274 = arith.constant 0 : i32
    %dma_wait3A_275 = tpu.memref_slice %arg13[%dma_wait3A_273, %dma_wait3A_274] : memref<8x128xf32, #tpu.memory_space<vmem>> -> memref<1x128xf32, #tpu.memory_space<vmem>>
    %dma_wait3A_276 = tpu.memref_squeeze %dma_wait3A_275 : memref<1x128xf32, #tpu.memory_space<vmem>> -> memref<128xf32, #tpu.memory_space<vmem>>
    %dma_wait3A_277 = arith.constant 0 : i32
    %dma_wait3A_278 = tpu.memref_slice %arg10[%dma_wait3A_277] : memref<1024xi32, #tpu.memory_space<vmem>> -> memref<128xi32, #tpu.memory_space<vmem>>
    %dma_wait3A_279 = arith.constant 0 : i32
    %dma_wait3A_280 = tpu.memref_slice %arg6[%dma_wait3A_279] : memref<100000xf32, #tpu.memory_space<hbm>> -> memref<100000xf32, #tpu.memory_space<hbm>>
    tpu.wait_indirect_dma semaphore(%arg19 : memref<!tpu.dma_semaphore, #tpu.memory_space<semaphore_mem>>) src(%dma_wait3A_280 : memref<100000xf32, #tpu.memory_space<hbm>>) dst(%dma_wait3A_276 : memref<128xf32, #tpu.memory_space<vmem>>)
    %dma_wait3A_281 = arith.constant 0 : i32
    %dma_wait3A_282 = arith.constant 0 : i32
    %dma_wait3A_283 = tpu.memref_slice %arg14[%dma_wait3A_281, %dma_wait3A_282] : memref<8x128xf32, #tpu.memory_space<vmem>> -> memref<1x128xf32, #tpu.memory_space<vmem>>
    %dma_wait3A_284 = tpu.memref_squeeze %dma_wait3A_283 : memref<1x128xf32, #tpu.memory_space<vmem>> -> memref<128xf32, #tpu.memory_space<vmem>>
    %dma_wait3A_285 = arith.constant 0 : i32
    %dma_wait3A_286 = tpu.memref_slice %arg10[%dma_wait3A_285] : memref<1024xi32, #tpu.memory_space<vmem>> -> memref<128xi32, #tpu.memory_space<vmem>>
    %dma_wait3A_287 = arith.constant 0 : i32
    %dma_wait3A_288 = tpu.memref_slice %arg7[%dma_wait3A_287] : memref<100000xf32, #tpu.memory_space<hbm>> -> memref<100000xf32, #tpu.memory_space<hbm>>
    tpu.wait_indirect_dma semaphore(%arg19 : memref<!tpu.dma_semaphore, #tpu.memory_space<semaphore_mem>>) src(%dma_wait3A_288 : memref<100000xf32, #tpu.memory_space<hbm>>) dst(%dma_wait3A_284 : memref<128xf32, #tpu.memory_space<vmem>>)
    %dma_wait3A_289 = arith.constant 1 : i32
    %dma_wait3A_290 = arith.constant 0 : i32
    %dma_wait3A_291 = tpu.memref_slice %arg11[%dma_wait3A_289, %dma_wait3A_290] : memref<8x128xf32, #tpu.memory_space<vmem>> -> memref<1x128xf32, #tpu.memory_space<vmem>>
    %dma_wait3A_292 = tpu.memref_squeeze %dma_wait3A_291 : memref<1x128xf32, #tpu.memory_space<vmem>> -> memref<128xf32, #tpu.memory_space<vmem>>
    %dma_wait3A_293 = arith.constant 128 : i32
    %dma_wait3A_294 = tpu.memref_slice %arg9[%dma_wait3A_293] : memref<1024xi32, #tpu.memory_space<vmem>> -> memref<128xi32, #tpu.memory_space<vmem>>
    %dma_wait3A_295 = arith.constant 0 : i32
    %dma_wait3A_296 = tpu.memref_slice %arg4[%dma_wait3A_295] : memref<1000000xf32, #tpu.memory_space<hbm>> -> memref<1000000xf32, #tpu.memory_space<hbm>>
    tpu.wait_indirect_dma semaphore(%arg18 : memref<!tpu.dma_semaphore, #tpu.memory_space<semaphore_mem>>) src(%dma_wait3A_296 : memref<1000000xf32, #tpu.memory_space<hbm>>) dst(%dma_wait3A_292 : memref<128xf32, #tpu.memory_space<vmem>>)
    %dma_wait3A_297 = arith.constant 1 : i32
    %dma_wait3A_298 = arith.constant 0 : i32
    %dma_wait3A_299 = tpu.memref_slice %arg12[%dma_wait3A_297, %dma_wait3A_298] : memref<8x128xf32, #tpu.memory_space<vmem>> -> memref<1x128xf32, #tpu.memory_space<vmem>>
    %dma_wait3A_300 = tpu.memref_squeeze %dma_wait3A_299 : memref<1x128xf32, #tpu.memory_space<vmem>> -> memref<128xf32, #tpu.memory_space<vmem>>
    %dma_wait3A_301 = arith.constant 128 : i32
    %dma_wait3A_302 = tpu.memref_slice %arg9[%dma_wait3A_301] : memref<1024xi32, #tpu.memory_space<vmem>> -> memref<128xi32, #tpu.memory_space<vmem>>
    %dma_wait3A_303 = arith.constant 0 : i32
    %dma_wait3A_304 = tpu.memref_slice %arg5[%dma_wait3A_303] : memref<1000000xf32, #tpu.memory_space<hbm>> -> memref<1000000xf32, #tpu.memory_space<hbm>>
    tpu.wait_indirect_dma semaphore(%arg18 : memref<!tpu.dma_semaphore, #tpu.memory_space<semaphore_mem>>) src(%dma_wait3A_304 : memref<1000000xf32, #tpu.memory_space<hbm>>) dst(%dma_wait3A_300 : memref<128xf32, #tpu.memory_space<vmem>>)
    %dma_wait3A_305 = arith.constant 1 : i32
    %dma_wait3A_306 = arith.constant 0 : i32
    %dma_wait3A_307 = tpu.memref_slice %arg13[%dma_wait3A_305, %dma_wait3A_306] : memref<8x128xf32, #tpu.memory_space<vmem>> -> memref<1x128xf32, #tpu.memory_space<vmem>>
    %dma_wait3A_308 = tpu.memref_squeeze %dma_wait3A_307 : memref<1x128xf32, #tpu.memory_space<vmem>> -> memref<128xf32, #tpu.memory_space<vmem>>
    %dma_wait3A_309 = arith.constant 128 : i32
    %dma_wait3A_310 = tpu.memref_slice %arg10[%dma_wait3A_309] : memref<1024xi32, #tpu.memory_space<vmem>> -> memref<128xi32, #tpu.memory_space<vmem>>
    %dma_wait3A_311 = arith.constant 0 : i32
    %dma_wait3A_312 = tpu.memref_slice %arg6[%dma_wait3A_311] : memref<100000xf32, #tpu.memory_space<hbm>> -> memref<100000xf32, #tpu.memory_space<hbm>>
    tpu.wait_indirect_dma semaphore(%arg19 : memref<!tpu.dma_semaphore, #tpu.memory_space<semaphore_mem>>) src(%dma_wait3A_312 : memref<100000xf32, #tpu.memory_space<hbm>>) dst(%dma_wait3A_308 : memref<128xf32, #tpu.memory_space<vmem>>)
    %dma_wait3A_313 = arith.constant 1 : i32
    %dma_wait3A_314 = arith.constant 0 : i32
    %dma_wait3A_315 = tpu.memref_slice %arg14[%dma_wait3A_313, %dma_wait3A_314] : memref<8x128xf32, #tpu.memory_space<vmem>> -> memref<1x128xf32, #tpu.memory_space<vmem>>
    %dma_wait3A_316 = tpu.memref_squeeze %dma_wait3A_315 : memref<1x128xf32, #tpu.memory_space<vmem>> -> memref<128xf32, #tpu.memory_space<vmem>>
    %dma_wait3A_317 = arith.constant 128 : i32
    %dma_wait3A_318 = tpu.memref_slice %arg10[%dma_wait3A_317] : memref<1024xi32, #tpu.memory_space<vmem>> -> memref<128xi32, #tpu.memory_space<vmem>>
    %dma_wait3A_319 = arith.constant 0 : i32
    %dma_wait3A_320 = tpu.memref_slice %arg7[%dma_wait3A_319] : memref<100000xf32, #tpu.memory_space<hbm>> -> memref<100000xf32, #tpu.memory_space<hbm>>
    tpu.wait_indirect_dma semaphore(%arg19 : memref<!tpu.dma_semaphore, #tpu.memory_space<semaphore_mem>>) src(%dma_wait3A_320 : memref<100000xf32, #tpu.memory_space<hbm>>) dst(%dma_wait3A_316 : memref<128xf32, #tpu.memory_space<vmem>>)
    %dma_wait3A_321 = arith.constant 2 : i32
    %dma_wait3A_322 = arith.constant 0 : i32
    %dma_wait3A_323 = tpu.memref_slice %arg11[%dma_wait3A_321, %dma_wait3A_322] : memref<8x128xf32, #tpu.memory_space<vmem>> -> memref<1x128xf32, #tpu.memory_space<vmem>>
    %dma_wait3A_324 = tpu.memref_squeeze %dma_wait3A_323 : memref<1x128xf32, #tpu.memory_space<vmem>> -> memref<128xf32, #tpu.memory_space<vmem>>
    %dma_wait3A_325 = arith.constant 256 : i32
    %dma_wait3A_326 = tpu.memref_slice %arg9[%dma_wait3A_325] : memref<1024xi32, #tpu.memory_space<vmem>> -> memref<128xi32, #tpu.memory_space<vmem>>
    %dma_wait3A_327 = arith.constant 0 : i32
    %dma_wait3A_328 = tpu.memref_slice %arg4[%dma_wait3A_327] : memref<1000000xf32, #tpu.memory_space<hbm>> -> memref<1000000xf32, #tpu.memory_space<hbm>>
    tpu.wait_indirect_dma semaphore(%arg18 : memref<!tpu.dma_semaphore, #tpu.memory_space<semaphore_mem>>) src(%dma_wait3A_328 : memref<1000000xf32, #tpu.memory_space<hbm>>) dst(%dma_wait3A_324 : memref<128xf32, #tpu.memory_space<vmem>>)
    %dma_wait3A_329 = arith.constant 2 : i32
    %dma_wait3A_330 = arith.constant 0 : i32
    %dma_wait3A_331 = tpu.memref_slice %arg12[%dma_wait3A_329, %dma_wait3A_330] : memref<8x128xf32, #tpu.memory_space<vmem>> -> memref<1x128xf32, #tpu.memory_space<vmem>>
    %dma_wait3A_332 = tpu.memref_squeeze %dma_wait3A_331 : memref<1x128xf32, #tpu.memory_space<vmem>> -> memref<128xf32, #tpu.memory_space<vmem>>
    %dma_wait3A_333 = arith.constant 256 : i32
    %dma_wait3A_334 = tpu.memref_slice %arg9[%dma_wait3A_333] : memref<1024xi32, #tpu.memory_space<vmem>> -> memref<128xi32, #tpu.memory_space<vmem>>
    %dma_wait3A_335 = arith.constant 0 : i32
    %dma_wait3A_336 = tpu.memref_slice %arg5[%dma_wait3A_335] : memref<1000000xf32, #tpu.memory_space<hbm>> -> memref<1000000xf32, #tpu.memory_space<hbm>>
    tpu.wait_indirect_dma semaphore(%arg18 : memref<!tpu.dma_semaphore, #tpu.memory_space<semaphore_mem>>) src(%dma_wait3A_336 : memref<1000000xf32, #tpu.memory_space<hbm>>) dst(%dma_wait3A_332 : memref<128xf32, #tpu.memory_space<vmem>>)
    %dma_wait3A_337 = arith.constant 2 : i32
    %dma_wait3A_338 = arith.constant 0 : i32
    %dma_wait3A_339 = tpu.memref_slice %arg13[%dma_wait3A_337, %dma_wait3A_338] : memref<8x128xf32, #tpu.memory_space<vmem>> -> memref<1x128xf32, #tpu.memory_space<vmem>>
    %dma_wait3A_340 = tpu.memref_squeeze %dma_wait3A_339 : memref<1x128xf32, #tpu.memory_space<vmem>> -> memref<128xf32, #tpu.memory_space<vmem>>
    %dma_wait3A_341 = arith.constant 256 : i32
    %dma_wait3A_342 = tpu.memref_slice %arg10[%dma_wait3A_341] : memref<1024xi32, #tpu.memory_space<vmem>> -> memref<128xi32, #tpu.memory_space<vmem>>
    %dma_wait3A_343 = arith.constant 0 : i32
    %dma_wait3A_344 = tpu.memref_slice %arg6[%dma_wait3A_343] : memref<100000xf32, #tpu.memory_space<hbm>> -> memref<100000xf32, #tpu.memory_space<hbm>>
    tpu.wait_indirect_dma semaphore(%arg19 : memref<!tpu.dma_semaphore, #tpu.memory_space<semaphore_mem>>) src(%dma_wait3A_344 : memref<100000xf32, #tpu.memory_space<hbm>>) dst(%dma_wait3A_340 : memref<128xf32, #tpu.memory_space<vmem>>)
    %dma_wait3A_345 = arith.constant 2 : i32
    %dma_wait3A_346 = arith.constant 0 : i32
    %dma_wait3A_347 = tpu.memref_slice %arg14[%dma_wait3A_345, %dma_wait3A_346] : memref<8x128xf32, #tpu.memory_space<vmem>> -> memref<1x128xf32, #tpu.memory_space<vmem>>
    %dma_wait3A_348 = tpu.memref_squeeze %dma_wait3A_347 : memref<1x128xf32, #tpu.memory_space<vmem>> -> memref<128xf32, #tpu.memory_space<vmem>>
    %dma_wait3A_349 = arith.constant 256 : i32
    %dma_wait3A_350 = tpu.memref_slice %arg10[%dma_wait3A_349] : memref<1024xi32, #tpu.memory_space<vmem>> -> memref<128xi32, #tpu.memory_space<vmem>>
    %dma_wait3A_351 = arith.constant 0 : i32
    %dma_wait3A_352 = tpu.memref_slice %arg7[%dma_wait3A_351] : memref<100000xf32, #tpu.memory_space<hbm>> -> memref<100000xf32, #tpu.memory_space<hbm>>
    tpu.wait_indirect_dma semaphore(%arg19 : memref<!tpu.dma_semaphore, #tpu.memory_space<semaphore_mem>>) src(%dma_wait3A_352 : memref<100000xf32, #tpu.memory_space<hbm>>) dst(%dma_wait3A_348 : memref<128xf32, #tpu.memory_space<vmem>>)
    %dma_wait3A_353 = arith.constant 3 : i32
    %dma_wait3A_354 = arith.constant 0 : i32
    %dma_wait3A_355 = tpu.memref_slice %arg11[%dma_wait3A_353, %dma_wait3A_354] : memref<8x128xf32, #tpu.memory_space<vmem>> -> memref<1x128xf32, #tpu.memory_space<vmem>>
    %dma_wait3A_356 = tpu.memref_squeeze %dma_wait3A_355 : memref<1x128xf32, #tpu.memory_space<vmem>> -> memref<128xf32, #tpu.memory_space<vmem>>
    %dma_wait3A_357 = arith.constant 384 : i32
    %dma_wait3A_358 = tpu.memref_slice %arg9[%dma_wait3A_357] : memref<1024xi32, #tpu.memory_space<vmem>> -> memref<128xi32, #tpu.memory_space<vmem>>
    %dma_wait3A_359 = arith.constant 0 : i32
    %dma_wait3A_360 = tpu.memref_slice %arg4[%dma_wait3A_359] : memref<1000000xf32, #tpu.memory_space<hbm>> -> memref<1000000xf32, #tpu.memory_space<hbm>>
    tpu.wait_indirect_dma semaphore(%arg18 : memref<!tpu.dma_semaphore, #tpu.memory_space<semaphore_mem>>) src(%dma_wait3A_360 : memref<1000000xf32, #tpu.memory_space<hbm>>) dst(%dma_wait3A_356 : memref<128xf32, #tpu.memory_space<vmem>>)
    %dma_wait3A_361 = arith.constant 3 : i32
    %dma_wait3A_362 = arith.constant 0 : i32
    %dma_wait3A_363 = tpu.memref_slice %arg12[%dma_wait3A_361, %dma_wait3A_362] : memref<8x128xf32, #tpu.memory_space<vmem>> -> memref<1x128xf32, #tpu.memory_space<vmem>>
    %dma_wait3A_364 = tpu.memref_squeeze %dma_wait3A_363 : memref<1x128xf32, #tpu.memory_space<vmem>> -> memref<128xf32, #tpu.memory_space<vmem>>
    %dma_wait3A_365 = arith.constant 384 : i32
    %dma_wait3A_366 = tpu.memref_slice %arg9[%dma_wait3A_365] : memref<1024xi32, #tpu.memory_space<vmem>> -> memref<128xi32, #tpu.memory_space<vmem>>
    %dma_wait3A_367 = arith.constant 0 : i32
    %dma_wait3A_368 = tpu.memref_slice %arg5[%dma_wait3A_367] : memref<1000000xf32, #tpu.memory_space<hbm>> -> memref<1000000xf32, #tpu.memory_space<hbm>>
    tpu.wait_indirect_dma semaphore(%arg18 : memref<!tpu.dma_semaphore, #tpu.memory_space<semaphore_mem>>) src(%dma_wait3A_368 : memref<1000000xf32, #tpu.memory_space<hbm>>) dst(%dma_wait3A_364 : memref<128xf32, #tpu.memory_space<vmem>>)
    %dma_wait3A_369 = arith.constant 3 : i32
    %dma_wait3A_370 = arith.constant 0 : i32
    %dma_wait3A_371 = tpu.memref_slice %arg13[%dma_wait3A_369, %dma_wait3A_370] : memref<8x128xf32, #tpu.memory_space<vmem>> -> memref<1x128xf32, #tpu.memory_space<vmem>>
    %dma_wait3A_372 = tpu.memref_squeeze %dma_wait3A_371 : memref<1x128xf32, #tpu.memory_space<vmem>> -> memref<128xf32, #tpu.memory_space<vmem>>
    %dma_wait3A_373 = arith.constant 384 : i32
    %dma_wait3A_374 = tpu.memref_slice %arg10[%dma_wait3A_373] : memref<1024xi32, #tpu.memory_space<vmem>> -> memref<128xi32, #tpu.memory_space<vmem>>
    %dma_wait3A_375 = arith.constant 0 : i32
    %dma_wait3A_376 = tpu.memref_slice %arg6[%dma_wait3A_375] : memref<100000xf32, #tpu.memory_space<hbm>> -> memref<100000xf32, #tpu.memory_space<hbm>>
    tpu.wait_indirect_dma semaphore(%arg19 : memref<!tpu.dma_semaphore, #tpu.memory_space<semaphore_mem>>) src(%dma_wait3A_376 : memref<100000xf32, #tpu.memory_space<hbm>>) dst(%dma_wait3A_372 : memref<128xf32, #tpu.memory_space<vmem>>)
    %dma_wait3A_377 = arith.constant 3 : i32
    %dma_wait3A_378 = arith.constant 0 : i32
    %dma_wait3A_379 = tpu.memref_slice %arg14[%dma_wait3A_377, %dma_wait3A_378] : memref<8x128xf32, #tpu.memory_space<vmem>> -> memref<1x128xf32, #tpu.memory_space<vmem>>
    %dma_wait3A_380 = tpu.memref_squeeze %dma_wait3A_379 : memref<1x128xf32, #tpu.memory_space<vmem>> -> memref<128xf32, #tpu.memory_space<vmem>>
    %dma_wait3A_381 = arith.constant 384 : i32
    %dma_wait3A_382 = tpu.memref_slice %arg10[%dma_wait3A_381] : memref<1024xi32, #tpu.memory_space<vmem>> -> memref<128xi32, #tpu.memory_space<vmem>>
    %dma_wait3A_383 = arith.constant 0 : i32
    %dma_wait3A_384 = tpu.memref_slice %arg7[%dma_wait3A_383] : memref<100000xf32, #tpu.memory_space<hbm>> -> memref<100000xf32, #tpu.memory_space<hbm>>
    tpu.wait_indirect_dma semaphore(%arg19 : memref<!tpu.dma_semaphore, #tpu.memory_space<semaphore_mem>>) src(%dma_wait3A_384 : memref<100000xf32, #tpu.memory_space<hbm>>) dst(%dma_wait3A_380 : memref<128xf32, #tpu.memory_space<vmem>>)
    %dma_wait3A_385 = arith.constant 4 : i32
    %dma_wait3A_386 = arith.constant 0 : i32
    %dma_wait3A_387 = tpu.memref_slice %arg11[%dma_wait3A_385, %dma_wait3A_386] : memref<8x128xf32, #tpu.memory_space<vmem>> -> memref<1x128xf32, #tpu.memory_space<vmem>>
    %dma_wait3A_388 = tpu.memref_squeeze %dma_wait3A_387 : memref<1x128xf32, #tpu.memory_space<vmem>> -> memref<128xf32, #tpu.memory_space<vmem>>
    %dma_wait3A_389 = arith.constant 512 : i32
    %dma_wait3A_390 = tpu.memref_slice %arg9[%dma_wait3A_389] : memref<1024xi32, #tpu.memory_space<vmem>> -> memref<128xi32, #tpu.memory_space<vmem>>
    %dma_wait3A_391 = arith.constant 0 : i32
    %dma_wait3A_392 = tpu.memref_slice %arg4[%dma_wait3A_391] : memref<1000000xf32, #tpu.memory_space<hbm>> -> memref<1000000xf32, #tpu.memory_space<hbm>>
    tpu.wait_indirect_dma semaphore(%arg18 : memref<!tpu.dma_semaphore, #tpu.memory_space<semaphore_mem>>) src(%dma_wait3A_392 : memref<1000000xf32, #tpu.memory_space<hbm>>) dst(%dma_wait3A_388 : memref<128xf32, #tpu.memory_space<vmem>>)
    %dma_wait3A_393 = arith.constant 4 : i32
    %dma_wait3A_394 = arith.constant 0 : i32
    %dma_wait3A_395 = tpu.memref_slice %arg12[%dma_wait3A_393, %dma_wait3A_394] : memref<8x128xf32, #tpu.memory_space<vmem>> -> memref<1x128xf32, #tpu.memory_space<vmem>>
    %dma_wait3A_396 = tpu.memref_squeeze %dma_wait3A_395 : memref<1x128xf32, #tpu.memory_space<vmem>> -> memref<128xf32, #tpu.memory_space<vmem>>
    %dma_wait3A_397 = arith.constant 512 : i32
    %dma_wait3A_398 = tpu.memref_slice %arg9[%dma_wait3A_397] : memref<1024xi32, #tpu.memory_space<vmem>> -> memref<128xi32, #tpu.memory_space<vmem>>
    %dma_wait3A_399 = arith.constant 0 : i32
    %dma_wait3A_400 = tpu.memref_slice %arg5[%dma_wait3A_399] : memref<1000000xf32, #tpu.memory_space<hbm>> -> memref<1000000xf32, #tpu.memory_space<hbm>>
    tpu.wait_indirect_dma semaphore(%arg18 : memref<!tpu.dma_semaphore, #tpu.memory_space<semaphore_mem>>) src(%dma_wait3A_400 : memref<1000000xf32, #tpu.memory_space<hbm>>) dst(%dma_wait3A_396 : memref<128xf32, #tpu.memory_space<vmem>>)
    %dma_wait3A_401 = arith.constant 4 : i32
    %dma_wait3A_402 = arith.constant 0 : i32
    %dma_wait3A_403 = tpu.memref_slice %arg13[%dma_wait3A_401, %dma_wait3A_402] : memref<8x128xf32, #tpu.memory_space<vmem>> -> memref<1x128xf32, #tpu.memory_space<vmem>>
    %dma_wait3A_404 = tpu.memref_squeeze %dma_wait3A_403 : memref<1x128xf32, #tpu.memory_space<vmem>> -> memref<128xf32, #tpu.memory_space<vmem>>
    %dma_wait3A_405 = arith.constant 512 : i32
    %dma_wait3A_406 = tpu.memref_slice %arg10[%dma_wait3A_405] : memref<1024xi32, #tpu.memory_space<vmem>> -> memref<128xi32, #tpu.memory_space<vmem>>
    %dma_wait3A_407 = arith.constant 0 : i32
    %dma_wait3A_408 = tpu.memref_slice %arg6[%dma_wait3A_407] : memref<100000xf32, #tpu.memory_space<hbm>> -> memref<100000xf32, #tpu.memory_space<hbm>>
    tpu.wait_indirect_dma semaphore(%arg19 : memref<!tpu.dma_semaphore, #tpu.memory_space<semaphore_mem>>) src(%dma_wait3A_408 : memref<100000xf32, #tpu.memory_space<hbm>>) dst(%dma_wait3A_404 : memref<128xf32, #tpu.memory_space<vmem>>)
    %dma_wait3A_409 = arith.constant 4 : i32
    %dma_wait3A_410 = arith.constant 0 : i32
    %dma_wait3A_411 = tpu.memref_slice %arg14[%dma_wait3A_409, %dma_wait3A_410] : memref<8x128xf32, #tpu.memory_space<vmem>> -> memref<1x128xf32, #tpu.memory_space<vmem>>
    %dma_wait3A_412 = tpu.memref_squeeze %dma_wait3A_411 : memref<1x128xf32, #tpu.memory_space<vmem>> -> memref<128xf32, #tpu.memory_space<vmem>>
    %dma_wait3A_413 = arith.constant 512 : i32
    %dma_wait3A_414 = tpu.memref_slice %arg10[%dma_wait3A_413] : memref<1024xi32, #tpu.memory_space<vmem>> -> memref<128xi32, #tpu.memory_space<vmem>>
    %dma_wait3A_415 = arith.constant 0 : i32
    %dma_wait3A_416 = tpu.memref_slice %arg7[%dma_wait3A_415] : memref<100000xf32, #tpu.memory_space<hbm>> -> memref<100000xf32, #tpu.memory_space<hbm>>
    tpu.wait_indirect_dma semaphore(%arg19 : memref<!tpu.dma_semaphore, #tpu.memory_space<semaphore_mem>>) src(%dma_wait3A_416 : memref<100000xf32, #tpu.memory_space<hbm>>) dst(%dma_wait3A_412 : memref<128xf32, #tpu.memory_space<vmem>>)
    %dma_wait3A_417 = arith.constant 5 : i32
    %dma_wait3A_418 = arith.constant 0 : i32
    %dma_wait3A_419 = tpu.memref_slice %arg11[%dma_wait3A_417, %dma_wait3A_418] : memref<8x128xf32, #tpu.memory_space<vmem>> -> memref<1x128xf32, #tpu.memory_space<vmem>>
    %dma_wait3A_420 = tpu.memref_squeeze %dma_wait3A_419 : memref<1x128xf32, #tpu.memory_space<vmem>> -> memref<128xf32, #tpu.memory_space<vmem>>
    %dma_wait3A_421 = arith.constant 640 : i32
    %dma_wait3A_422 = tpu.memref_slice %arg9[%dma_wait3A_421] : memref<1024xi32, #tpu.memory_space<vmem>> -> memref<128xi32, #tpu.memory_space<vmem>>
    %dma_wait3A_423 = arith.constant 0 : i32
    %dma_wait3A_424 = tpu.memref_slice %arg4[%dma_wait3A_423] : memref<1000000xf32, #tpu.memory_space<hbm>> -> memref<1000000xf32, #tpu.memory_space<hbm>>
    tpu.wait_indirect_dma semaphore(%arg18 : memref<!tpu.dma_semaphore, #tpu.memory_space<semaphore_mem>>) src(%dma_wait3A_424 : memref<1000000xf32, #tpu.memory_space<hbm>>) dst(%dma_wait3A_420 : memref<128xf32, #tpu.memory_space<vmem>>)
    %dma_wait3A_425 = arith.constant 5 : i32
    %dma_wait3A_426 = arith.constant 0 : i32
    %dma_wait3A_427 = tpu.memref_slice %arg12[%dma_wait3A_425, %dma_wait3A_426] : memref<8x128xf32, #tpu.memory_space<vmem>> -> memref<1x128xf32, #tpu.memory_space<vmem>>
    %dma_wait3A_428 = tpu.memref_squeeze %dma_wait3A_427 : memref<1x128xf32, #tpu.memory_space<vmem>> -> memref<128xf32, #tpu.memory_space<vmem>>
    %dma_wait3A_429 = arith.constant 640 : i32
    %dma_wait3A_430 = tpu.memref_slice %arg9[%dma_wait3A_429] : memref<1024xi32, #tpu.memory_space<vmem>> -> memref<128xi32, #tpu.memory_space<vmem>>
    %dma_wait3A_431 = arith.constant 0 : i32
    %dma_wait3A_432 = tpu.memref_slice %arg5[%dma_wait3A_431] : memref<1000000xf32, #tpu.memory_space<hbm>> -> memref<1000000xf32, #tpu.memory_space<hbm>>
    tpu.wait_indirect_dma semaphore(%arg18 : memref<!tpu.dma_semaphore, #tpu.memory_space<semaphore_mem>>) src(%dma_wait3A_432 : memref<1000000xf32, #tpu.memory_space<hbm>>) dst(%dma_wait3A_428 : memref<128xf32, #tpu.memory_space<vmem>>)
    %dma_wait3A_433 = arith.constant 5 : i32
    %dma_wait3A_434 = arith.constant 0 : i32
    %dma_wait3A_435 = tpu.memref_slice %arg13[%dma_wait3A_433, %dma_wait3A_434] : memref<8x128xf32, #tpu.memory_space<vmem>> -> memref<1x128xf32, #tpu.memory_space<vmem>>
    %dma_wait3A_436 = tpu.memref_squeeze %dma_wait3A_435 : memref<1x128xf32, #tpu.memory_space<vmem>> -> memref<128xf32, #tpu.memory_space<vmem>>
    %dma_wait3A_437 = arith.constant 640 : i32
    %dma_wait3A_438 = tpu.memref_slice %arg10[%dma_wait3A_437] : memref<1024xi32, #tpu.memory_space<vmem>> -> memref<128xi32, #tpu.memory_space<vmem>>
    %dma_wait3A_439 = arith.constant 0 : i32
    %dma_wait3A_440 = tpu.memref_slice %arg6[%dma_wait3A_439] : memref<100000xf32, #tpu.memory_space<hbm>> -> memref<100000xf32, #tpu.memory_space<hbm>>
    tpu.wait_indirect_dma semaphore(%arg19 : memref<!tpu.dma_semaphore, #tpu.memory_space<semaphore_mem>>) src(%dma_wait3A_440 : memref<100000xf32, #tpu.memory_space<hbm>>) dst(%dma_wait3A_436 : memref<128xf32, #tpu.memory_space<vmem>>)
    %dma_wait3A_441 = arith.constant 5 : i32
    %dma_wait3A_442 = arith.constant 0 : i32
    %dma_wait3A_443 = tpu.memref_slice %arg14[%dma_wait3A_441, %dma_wait3A_442] : memref<8x128xf32, #tpu.memory_space<vmem>> -> memref<1x128xf32, #tpu.memory_space<vmem>>
    %dma_wait3A_444 = tpu.memref_squeeze %dma_wait3A_443 : memref<1x128xf32, #tpu.memory_space<vmem>> -> memref<128xf32, #tpu.memory_space<vmem>>
    %dma_wait3A_445 = arith.constant 640 : i32
    %dma_wait3A_446 = tpu.memref_slice %arg10[%dma_wait3A_445] : memref<1024xi32, #tpu.memory_space<vmem>> -> memref<128xi32, #tpu.memory_space<vmem>>
    %dma_wait3A_447 = arith.constant 0 : i32
    %dma_wait3A_448 = tpu.memref_slice %arg7[%dma_wait3A_447] : memref<100000xf32, #tpu.memory_space<hbm>> -> memref<100000xf32, #tpu.memory_space<hbm>>
    tpu.wait_indirect_dma semaphore(%arg19 : memref<!tpu.dma_semaphore, #tpu.memory_space<semaphore_mem>>) src(%dma_wait3A_448 : memref<100000xf32, #tpu.memory_space<hbm>>) dst(%dma_wait3A_444 : memref<128xf32, #tpu.memory_space<vmem>>)
    %dma_wait3A_449 = arith.constant 6 : i32
    %dma_wait3A_450 = arith.constant 0 : i32
    %dma_wait3A_451 = tpu.memref_slice %arg11[%dma_wait3A_449, %dma_wait3A_450] : memref<8x128xf32, #tpu.memory_space<vmem>> -> memref<1x128xf32, #tpu.memory_space<vmem>>
    %dma_wait3A_452 = tpu.memref_squeeze %dma_wait3A_451 : memref<1x128xf32, #tpu.memory_space<vmem>> -> memref<128xf32, #tpu.memory_space<vmem>>
    %dma_wait3A_453 = arith.constant 768 : i32
    %dma_wait3A_454 = tpu.memref_slice %arg9[%dma_wait3A_453] : memref<1024xi32, #tpu.memory_space<vmem>> -> memref<128xi32, #tpu.memory_space<vmem>>
    %dma_wait3A_455 = arith.constant 0 : i32
    %dma_wait3A_456 = tpu.memref_slice %arg4[%dma_wait3A_455] : memref<1000000xf32, #tpu.memory_space<hbm>> -> memref<1000000xf32, #tpu.memory_space<hbm>>
    tpu.wait_indirect_dma semaphore(%arg18 : memref<!tpu.dma_semaphore, #tpu.memory_space<semaphore_mem>>) src(%dma_wait3A_456 : memref<1000000xf32, #tpu.memory_space<hbm>>) dst(%dma_wait3A_452 : memref<128xf32, #tpu.memory_space<vmem>>)
    %dma_wait3A_457 = arith.constant 6 : i32
    %dma_wait3A_458 = arith.constant 0 : i32
    %dma_wait3A_459 = tpu.memref_slice %arg12[%dma_wait3A_457, %dma_wait3A_458] : memref<8x128xf32, #tpu.memory_space<vmem>> -> memref<1x128xf32, #tpu.memory_space<vmem>>
    %dma_wait3A_460 = tpu.memref_squeeze %dma_wait3A_459 : memref<1x128xf32, #tpu.memory_space<vmem>> -> memref<128xf32, #tpu.memory_space<vmem>>
    %dma_wait3A_461 = arith.constant 768 : i32
    %dma_wait3A_462 = tpu.memref_slice %arg9[%dma_wait3A_461] : memref<1024xi32, #tpu.memory_space<vmem>> -> memref<128xi32, #tpu.memory_space<vmem>>
    %dma_wait3A_463 = arith.constant 0 : i32
    %dma_wait3A_464 = tpu.memref_slice %arg5[%dma_wait3A_463] : memref<1000000xf32, #tpu.memory_space<hbm>> -> memref<1000000xf32, #tpu.memory_space<hbm>>
    tpu.wait_indirect_dma semaphore(%arg18 : memref<!tpu.dma_semaphore, #tpu.memory_space<semaphore_mem>>) src(%dma_wait3A_464 : memref<1000000xf32, #tpu.memory_space<hbm>>) dst(%dma_wait3A_460 : memref<128xf32, #tpu.memory_space<vmem>>)
    %dma_wait3A_465 = arith.constant 6 : i32
    %dma_wait3A_466 = arith.constant 0 : i32
    %dma_wait3A_467 = tpu.memref_slice %arg13[%dma_wait3A_465, %dma_wait3A_466] : memref<8x128xf32, #tpu.memory_space<vmem>> -> memref<1x128xf32, #tpu.memory_space<vmem>>
    %dma_wait3A_468 = tpu.memref_squeeze %dma_wait3A_467 : memref<1x128xf32, #tpu.memory_space<vmem>> -> memref<128xf32, #tpu.memory_space<vmem>>
    %dma_wait3A_469 = arith.constant 768 : i32
    %dma_wait3A_470 = tpu.memref_slice %arg10[%dma_wait3A_469] : memref<1024xi32, #tpu.memory_space<vmem>> -> memref<128xi32, #tpu.memory_space<vmem>>
    %dma_wait3A_471 = arith.constant 0 : i32
    %dma_wait3A_472 = tpu.memref_slice %arg6[%dma_wait3A_471] : memref<100000xf32, #tpu.memory_space<hbm>> -> memref<100000xf32, #tpu.memory_space<hbm>>
    tpu.wait_indirect_dma semaphore(%arg19 : memref<!tpu.dma_semaphore, #tpu.memory_space<semaphore_mem>>) src(%dma_wait3A_472 : memref<100000xf32, #tpu.memory_space<hbm>>) dst(%dma_wait3A_468 : memref<128xf32, #tpu.memory_space<vmem>>)
    %dma_wait3A_473 = arith.constant 6 : i32
    %dma_wait3A_474 = arith.constant 0 : i32
    %dma_wait3A_475 = tpu.memref_slice %arg14[%dma_wait3A_473, %dma_wait3A_474] : memref<8x128xf32, #tpu.memory_space<vmem>> -> memref<1x128xf32, #tpu.memory_space<vmem>>
    %dma_wait3A_476 = tpu.memref_squeeze %dma_wait3A_475 : memref<1x128xf32, #tpu.memory_space<vmem>> -> memref<128xf32, #tpu.memory_space<vmem>>
    %dma_wait3A_477 = arith.constant 768 : i32
    %dma_wait3A_478 = tpu.memref_slice %arg10[%dma_wait3A_477] : memref<1024xi32, #tpu.memory_space<vmem>> -> memref<128xi32, #tpu.memory_space<vmem>>
    %dma_wait3A_479 = arith.constant 0 : i32
    %dma_wait3A_480 = tpu.memref_slice %arg7[%dma_wait3A_479] : memref<100000xf32, #tpu.memory_space<hbm>> -> memref<100000xf32, #tpu.memory_space<hbm>>
    tpu.wait_indirect_dma semaphore(%arg19 : memref<!tpu.dma_semaphore, #tpu.memory_space<semaphore_mem>>) src(%dma_wait3A_480 : memref<100000xf32, #tpu.memory_space<hbm>>) dst(%dma_wait3A_476 : memref<128xf32, #tpu.memory_space<vmem>>)
    %dma_wait3A_481 = arith.constant 7 : i32
    %dma_wait3A_482 = arith.constant 0 : i32
    %dma_wait3A_483 = tpu.memref_slice %arg11[%dma_wait3A_481, %dma_wait3A_482] : memref<8x128xf32, #tpu.memory_space<vmem>> -> memref<1x128xf32, #tpu.memory_space<vmem>>
    %dma_wait3A_484 = tpu.memref_squeeze %dma_wait3A_483 : memref<1x128xf32, #tpu.memory_space<vmem>> -> memref<128xf32, #tpu.memory_space<vmem>>
    %dma_wait3A_485 = arith.constant 896 : i32
    %dma_wait3A_486 = tpu.memref_slice %arg9[%dma_wait3A_485] : memref<1024xi32, #tpu.memory_space<vmem>> -> memref<128xi32, #tpu.memory_space<vmem>>
    %dma_wait3A_487 = arith.constant 0 : i32
    %dma_wait3A_488 = tpu.memref_slice %arg4[%dma_wait3A_487] : memref<1000000xf32, #tpu.memory_space<hbm>> -> memref<1000000xf32, #tpu.memory_space<hbm>>
    tpu.wait_indirect_dma semaphore(%arg18 : memref<!tpu.dma_semaphore, #tpu.memory_space<semaphore_mem>>) src(%dma_wait3A_488 : memref<1000000xf32, #tpu.memory_space<hbm>>) dst(%dma_wait3A_484 : memref<128xf32, #tpu.memory_space<vmem>>)
    %dma_wait3A_489 = arith.constant 7 : i32
    %dma_wait3A_490 = arith.constant 0 : i32
    %dma_wait3A_491 = tpu.memref_slice %arg12[%dma_wait3A_489, %dma_wait3A_490] : memref<8x128xf32, #tpu.memory_space<vmem>> -> memref<1x128xf32, #tpu.memory_space<vmem>>
    %dma_wait3A_492 = tpu.memref_squeeze %dma_wait3A_491 : memref<1x128xf32, #tpu.memory_space<vmem>> -> memref<128xf32, #tpu.memory_space<vmem>>
    %dma_wait3A_493 = arith.constant 896 : i32
    %dma_wait3A_494 = tpu.memref_slice %arg9[%dma_wait3A_493] : memref<1024xi32, #tpu.memory_space<vmem>> -> memref<128xi32, #tpu.memory_space<vmem>>
    %dma_wait3A_495 = arith.constant 0 : i32
    %dma_wait3A_496 = tpu.memref_slice %arg5[%dma_wait3A_495] : memref<1000000xf32, #tpu.memory_space<hbm>> -> memref<1000000xf32, #tpu.memory_space<hbm>>
    tpu.wait_indirect_dma semaphore(%arg18 : memref<!tpu.dma_semaphore, #tpu.memory_space<semaphore_mem>>) src(%dma_wait3A_496 : memref<1000000xf32, #tpu.memory_space<hbm>>) dst(%dma_wait3A_492 : memref<128xf32, #tpu.memory_space<vmem>>)
    %dma_wait3A_497 = arith.constant 7 : i32
    %dma_wait3A_498 = arith.constant 0 : i32
    %dma_wait3A_499 = tpu.memref_slice %arg13[%dma_wait3A_497, %dma_wait3A_498] : memref<8x128xf32, #tpu.memory_space<vmem>> -> memref<1x128xf32, #tpu.memory_space<vmem>>
    %dma_wait3A_500 = tpu.memref_squeeze %dma_wait3A_499 : memref<1x128xf32, #tpu.memory_space<vmem>> -> memref<128xf32, #tpu.memory_space<vmem>>
    %dma_wait3A_501 = arith.constant 896 : i32
    %dma_wait3A_502 = tpu.memref_slice %arg10[%dma_wait3A_501] : memref<1024xi32, #tpu.memory_space<vmem>> -> memref<128xi32, #tpu.memory_space<vmem>>
    %dma_wait3A_503 = arith.constant 0 : i32
    %dma_wait3A_504 = tpu.memref_slice %arg6[%dma_wait3A_503] : memref<100000xf32, #tpu.memory_space<hbm>> -> memref<100000xf32, #tpu.memory_space<hbm>>
    tpu.wait_indirect_dma semaphore(%arg19 : memref<!tpu.dma_semaphore, #tpu.memory_space<semaphore_mem>>) src(%dma_wait3A_504 : memref<100000xf32, #tpu.memory_space<hbm>>) dst(%dma_wait3A_500 : memref<128xf32, #tpu.memory_space<vmem>>)
    %dma_wait3A_505 = arith.constant 7 : i32
    %dma_wait3A_506 = arith.constant 0 : i32
    %dma_wait3A_507 = tpu.memref_slice %arg14[%dma_wait3A_505, %dma_wait3A_506] : memref<8x128xf32, #tpu.memory_space<vmem>> -> memref<1x128xf32, #tpu.memory_space<vmem>>
    %dma_wait3A_508 = tpu.memref_squeeze %dma_wait3A_507 : memref<1x128xf32, #tpu.memory_space<vmem>> -> memref<128xf32, #tpu.memory_space<vmem>>
    %dma_wait3A_509 = arith.constant 896 : i32
    %dma_wait3A_510 = tpu.memref_slice %arg10[%dma_wait3A_509] : memref<1024xi32, #tpu.memory_space<vmem>> -> memref<128xi32, #tpu.memory_space<vmem>>
    %dma_wait3A_511 = arith.constant 0 : i32
    %dma_wait3A_512 = tpu.memref_slice %arg7[%dma_wait3A_511] : memref<100000xf32, #tpu.memory_space<hbm>> -> memref<100000xf32, #tpu.memory_space<hbm>>
    tpu.wait_indirect_dma semaphore(%arg19 : memref<!tpu.dma_semaphore, #tpu.memory_space<semaphore_mem>>) src(%dma_wait3A_512 : memref<100000xf32, #tpu.memory_space<hbm>>) dst(%dma_wait3A_508 : memref<128xf32, #tpu.memory_space<vmem>>)
    %broadcast_in_dim3A = arith.constant 0.000000e+00 : f32
    %broadcast_in_dim3A_513 = vector.broadcast %broadcast_in_dim3A : f32 to vector<16xf32>
    %get3A = arith.constant 0 : i32
    %get3A_514 = arith.index_cast %get3A : i32 to index
    %get3A_515 = arith.constant 0 : index
    %get3A_516 = tpu.vector_load %arg11[%get3A_514, %get3A_515] {strides = array<i32>} : memref<8x128xf32, #tpu.memory_space<vmem>>, vector<1x16xf32>,
    %get3A_517 = vector.shape_cast %get3A_516 : vector<1x16xf32> to vector<16xf32>
    %get3A_518 = arith.constant 0 : i32
    %get3A_519 = arith.index_cast %get3A_518 : i32 to index
    %get3A_520 = arith.constant 0 : index
    %get3A_521 = tpu.vector_load %arg13[%get3A_519, %get3A_520] {strides = array<i32>} : memref<8x128xf32, #tpu.memory_space<vmem>>, vector<1x16xf32>,
    %get3A_522 = vector.shape_cast %get3A_521 : vector<1x16xf32> to vector<16xf32>
    %mul3A_523 = arith.mulf %get3A_517, %get3A_522 : vector<16xf32>
    %add3A = arith.addf %broadcast_in_dim3A_513, %mul3A_523 : vector<16xf32>
    %get3A_524 = arith.constant 0 : i32
    %get3A_525 = arith.index_cast %get3A_524 : i32 to index
    %get3A_526 = arith.constant 0 : index
    %get3A_527 = tpu.vector_load %arg12[%get3A_525, %get3A_526] {strides = array<i32>} : memref<8x128xf32, #tpu.memory_space<vmem>>, vector<1x16xf32>,
    %get3A_528 = vector.shape_cast %get3A_527 : vector<1x16xf32> to vector<16xf32>
    %get3A_529 = arith.constant 0 : i32
    %get3A_530 = arith.index_cast %get3A_529 : i32 to index
    %get3A_531 = arith.constant 0 : index
    %get3A_532 = tpu.vector_load %arg14[%get3A_530, %get3A_531] {strides = array<i32>} : memref<8x128xf32, #tpu.memory_space<vmem>>, vector<1x16xf32>,
    %get3A_533 = vector.shape_cast %get3A_532 : vector<1x16xf32> to vector<16xf32>
    %mul3A_534 = arith.mulf %get3A_528, %get3A_533 : vector<16xf32>
    %add3A_535 = arith.addf %add3A, %mul3A_534 : vector<16xf32>
    %get3A_536 = arith.constant 0 : i32
    %get3A_537 = arith.index_cast %get3A_536 : i32 to index
    %get3A_538 = arith.constant 16 : index
    %get3A_539 = tpu.vector_load %arg11[%get3A_537, %get3A_538] {strides = array<i32>} : memref<8x128xf32, #tpu.memory_space<vmem>>, vector<1x16xf32>,
    %get3A_540 = vector.shape_cast %get3A_539 : vector<1x16xf32> to vector<16xf32>
    %get3A_541 = arith.constant 0 : i32
    %get3A_542 = arith.index_cast %get3A_541 : i32 to index
    %get3A_543 = arith.constant 16 : index
    %get3A_544 = tpu.vector_load %arg13[%get3A_542, %get3A_543] {strides = array<i32>} : memref<8x128xf32, #tpu.memory_space<vmem>>, vector<1x16xf32>,
    %get3A_545 = vector.shape_cast %get3A_544 : vector<1x16xf32> to vector<16xf32>
    %mul3A_546 = arith.mulf %get3A_540, %get3A_545 : vector<16xf32>
    %add3A_547 = arith.addf %add3A_535, %mul3A_546 : vector<16xf32>
    %get3A_548 = arith.constant 0 : i32
    %get3A_549 = arith.index_cast %get3A_548 : i32 to index
    %get3A_550 = arith.constant 16 : index
    %get3A_551 = tpu.vector_load %arg12[%get3A_549, %get3A_550] {strides = array<i32>} : memref<8x128xf32, #tpu.memory_space<vmem>>, vector<1x16xf32>,
    %get3A_552 = vector.shape_cast %get3A_551 : vector<1x16xf32> to vector<16xf32>
    %get3A_553 = arith.constant 0 : i32
    %get3A_554 = arith.index_cast %get3A_553 : i32 to index
    %get3A_555 = arith.constant 16 : index
    %get3A_556 = tpu.vector_load %arg14[%get3A_554, %get3A_555] {strides = array<i32>} : memref<8x128xf32, #tpu.memory_space<vmem>>, vector<1x16xf32>,
    %get3A_557 = vector.shape_cast %get3A_556 : vector<1x16xf32> to vector<16xf32>
    %mul3A_558 = arith.mulf %get3A_552, %get3A_557 : vector<16xf32>
    %add3A_559 = arith.addf %add3A_547, %mul3A_558 : vector<16xf32>
    %get3A_560 = arith.constant 0 : i32
    %get3A_561 = arith.index_cast %get3A_560 : i32 to index
    %get3A_562 = arith.constant 32 : index
    %get3A_563 = tpu.vector_load %arg11[%get3A_561, %get3A_562] {strides = array<i32>} : memref<8x128xf32, #tpu.memory_space<vmem>>, vector<1x16xf32>,
    %get3A_564 = vector.shape_cast %get3A_563 : vector<1x16xf32> to vector<16xf32>
    %get3A_565 = arith.constant 0 : i32
    %get3A_566 = arith.index_cast %get3A_565 : i32 to index
    %get3A_567 = arith.constant 32 : index
    %get3A_568 = tpu.vector_load %arg13[%get3A_566, %get3A_567] {strides = array<i32>} : memref<8x128xf32, #tpu.memory_space<vmem>>, vector<1x16xf32>,
    %get3A_569 = vector.shape_cast %get3A_568 : vector<1x16xf32> to vector<16xf32>
    %mul3A_570 = arith.mulf %get3A_564, %get3A_569 : vector<16xf32>
    %add3A_571 = arith.addf %add3A_559, %mul3A_570 : vector<16xf32>
    %get3A_572 = arith.constant 0 : i32
    %get3A_573 = arith.index_cast %get3A_572 : i32 to index
    %get3A_574 = arith.constant 32 : index
    %get3A_575 = tpu.vector_load %arg12[%get3A_573, %get3A_574] {strides = array<i32>} : memref<8x128xf32, #tpu.memory_space<vmem>>, vector<1x16xf32>,
    %get3A_576 = vector.shape_cast %get3A_575 : vector<1x16xf32> to vector<16xf32>
    %get3A_577 = arith.constant 0 : i32
    %get3A_578 = arith.index_cast %get3A_577 : i32 to index
    %get3A_579 = arith.constant 32 : index
    %get3A_580 = tpu.vector_load %arg14[%get3A_578, %get3A_579] {strides = array<i32>} : memref<8x128xf32, #tpu.memory_space<vmem>>, vector<1x16xf32>,
    %get3A_581 = vector.shape_cast %get3A_580 : vector<1x16xf32> to vector<16xf32>
    %mul3A_582 = arith.mulf %get3A_576, %get3A_581 : vector<16xf32>
    %add3A_583 = arith.addf %add3A_571, %mul3A_582 : vector<16xf32>
    %get3A_584 = arith.constant 0 : i32
    %get3A_585 = arith.index_cast %get3A_584 : i32 to index
    %get3A_586 = arith.constant 48 : index
    %get3A_587 = tpu.vector_load %arg11[%get3A_585, %get3A_586] {strides = array<i32>} : memref<8x128xf32, #tpu.memory_space<vmem>>, vector<1x16xf32>,
    %get3A_588 = vector.shape_cast %get3A_587 : vector<1x16xf32> to vector<16xf32>
    %get3A_589 = arith.constant 0 : i32
    %get3A_590 = arith.index_cast %get3A_589 : i32 to index
    %get3A_591 = arith.constant 48 : index
    %get3A_592 = tpu.vector_load %arg13[%get3A_590, %get3A_591] {strides = array<i32>} : memref<8x128xf32, #tpu.memory_space<vmem>>, vector<1x16xf32>,
    %get3A_593 = vector.shape_cast %get3A_592 : vector<1x16xf32> to vector<16xf32>
    %mul3A_594 = arith.mulf %get3A_588, %get3A_593 : vector<16xf32>
    %add3A_595 = arith.addf %add3A_583, %mul3A_594 : vector<16xf32>
    %get3A_596 = arith.constant 0 : i32
    %get3A_597 = arith.index_cast %get3A_596 : i32 to index
    %get3A_598 = arith.constant 48 : index
    %get3A_599 = tpu.vector_load %arg12[%get3A_597, %get3A_598] {strides = array<i32>} : memref<8x128xf32, #tpu.memory_space<vmem>>, vector<1x16xf32>,
    %get3A_600 = vector.shape_cast %get3A_599 : vector<1x16xf32> to vector<16xf32>
    %get3A_601 = arith.constant 0 : i32
    %get3A_602 = arith.index_cast %get3A_601 : i32 to index
    %get3A_603 = arith.constant 48 : index
    %get3A_604 = tpu.vector_load %arg14[%get3A_602, %get3A_603] {strides = array<i32>} : memref<8x128xf32, #tpu.memory_space<vmem>>, vector<1x16xf32>,
    %get3A_605 = vector.shape_cast %get3A_604 : vector<1x16xf32> to vector<16xf32>
    %mul3A_606 = arith.mulf %get3A_600, %get3A_605 : vector<16xf32>
    %add3A_607 = arith.addf %add3A_595, %mul3A_606 : vector<16xf32>
    %get3A_608 = arith.constant 0 : i32
    %get3A_609 = arith.index_cast %get3A_608 : i32 to index
    %get3A_610 = arith.constant 64 : index
    %get3A_611 = tpu.vector_load %arg11[%get3A_609, %get3A_610] {strides = array<i32>} : memref<8x128xf32, #tpu.memory_space<vmem>>, vector<1x16xf32>,
    %get3A_612 = vector.shape_cast %get3A_611 : vector<1x16xf32> to vector<16xf32>
    %get3A_613 = arith.constant 0 : i32
    %get3A_614 = arith.index_cast %get3A_613 : i32 to index
    %get3A_615 = arith.constant 64 : index
    %get3A_616 = tpu.vector_load %arg13[%get3A_614, %get3A_615] {strides = array<i32>} : memref<8x128xf32, #tpu.memory_space<vmem>>, vector<1x16xf32>,
    %get3A_617 = vector.shape_cast %get3A_616 : vector<1x16xf32> to vector<16xf32>
    %mul3A_618 = arith.mulf %get3A_612, %get3A_617 : vector<16xf32>
    %add3A_619 = arith.addf %add3A_607, %mul3A_618 : vector<16xf32>
    %get3A_620 = arith.constant 0 : i32
    %get3A_621 = arith.index_cast %get3A_620 : i32 to index
    %get3A_622 = arith.constant 64 : index
    %get3A_623 = tpu.vector_load %arg12[%get3A_621, %get3A_622] {strides = array<i32>} : memref<8x128xf32, #tpu.memory_space<vmem>>, vector<1x16xf32>,
    %get3A_624 = vector.shape_cast %get3A_623 : vector<1x16xf32> to vector<16xf32>
    %get3A_625 = arith.constant 0 : i32
    %get3A_626 = arith.index_cast %get3A_625 : i32 to index
    %get3A_627 = arith.constant 64 : index
    %get3A_628 = tpu.vector_load %arg14[%get3A_626, %get3A_627] {strides = array<i32>} : memref<8x128xf32, #tpu.memory_space<vmem>>, vector<1x16xf32>,
    %get3A_629 = vector.shape_cast %get3A_628 : vector<1x16xf32> to vector<16xf32>
    %mul3A_630 = arith.mulf %get3A_624, %get3A_629 : vector<16xf32>
    %add3A_631 = arith.addf %add3A_619, %mul3A_630 : vector<16xf32>
    %get3A_632 = arith.constant 0 : i32
    %get3A_633 = arith.index_cast %get3A_632 : i32 to index
    %get3A_634 = arith.constant 80 : index
    %get3A_635 = tpu.vector_load %arg11[%get3A_633, %get3A_634] {strides = array<i32>} : memref<8x128xf32, #tpu.memory_space<vmem>>, vector<1x16xf32>,
    %get3A_636 = vector.shape_cast %get3A_635 : vector<1x16xf32> to vector<16xf32>
    %get3A_637 = arith.constant 0 : i32
    %get3A_638 = arith.index_cast %get3A_637 : i32 to index
    %get3A_639 = arith.constant 80 : index
    %get3A_640 = tpu.vector_load %arg13[%get3A_638, %get3A_639] {strides = array<i32>} : memref<8x128xf32, #tpu.memory_space<vmem>>, vector<1x16xf32>,
    %get3A_641 = vector.shape_cast %get3A_640 : vector<1x16xf32> to vector<16xf32>
    %mul3A_642 = arith.mulf %get3A_636, %get3A_641 : vector<16xf32>
    %add3A_643 = arith.addf %add3A_631, %mul3A_642 : vector<16xf32>
    %get3A_644 = arith.constant 0 : i32
    %get3A_645 = arith.index_cast %get3A_644 : i32 to index
    %get3A_646 = arith.constant 80 : index
    %get3A_647 = tpu.vector_load %arg12[%get3A_645, %get3A_646] {strides = array<i32>} : memref<8x128xf32, #tpu.memory_space<vmem>>, vector<1x16xf32>,
    %get3A_648 = vector.shape_cast %get3A_647 : vector<1x16xf32> to vector<16xf32>
    %get3A_649 = arith.constant 0 : i32
    %get3A_650 = arith.index_cast %get3A_649 : i32 to index
    %get3A_651 = arith.constant 80 : index
    %get3A_652 = tpu.vector_load %arg14[%get3A_650, %get3A_651] {strides = array<i32>} : memref<8x128xf32, #tpu.memory_space<vmem>>, vector<1x16xf32>,
    %get3A_653 = vector.shape_cast %get3A_652 : vector<1x16xf32> to vector<16xf32>
    %mul3A_654 = arith.mulf %get3A_648, %get3A_653 : vector<16xf32>
    %add3A_655 = arith.addf %add3A_643, %mul3A_654 : vector<16xf32>
    %get3A_656 = arith.constant 0 : i32
    %get3A_657 = arith.index_cast %get3A_656 : i32 to index
    %get3A_658 = arith.constant 96 : index
    %get3A_659 = tpu.vector_load %arg11[%get3A_657, %get3A_658] {strides = array<i32>} : memref<8x128xf32, #tpu.memory_space<vmem>>, vector<1x16xf32>,
    %get3A_660 = vector.shape_cast %get3A_659 : vector<1x16xf32> to vector<16xf32>
    %get3A_661 = arith.constant 0 : i32
    %get3A_662 = arith.index_cast %get3A_661 : i32 to index
    %get3A_663 = arith.constant 96 : index
    %get3A_664 = tpu.vector_load %arg13[%get3A_662, %get3A_663] {strides = array<i32>} : memref<8x128xf32, #tpu.memory_space<vmem>>, vector<1x16xf32>,
    %get3A_665 = vector.shape_cast %get3A_664 : vector<1x16xf32> to vector<16xf32>
    %mul3A_666 = arith.mulf %get3A_660, %get3A_665 : vector<16xf32>
    %add3A_667 = arith.addf %add3A_655, %mul3A_666 : vector<16xf32>
    %get3A_668 = arith.constant 0 : i32
    %get3A_669 = arith.index_cast %get3A_668 : i32 to index
    %get3A_670 = arith.constant 96 : index
    %get3A_671 = tpu.vector_load %arg12[%get3A_669, %get3A_670] {strides = array<i32>} : memref<8x128xf32, #tpu.memory_space<vmem>>, vector<1x16xf32>,
    %get3A_672 = vector.shape_cast %get3A_671 : vector<1x16xf32> to vector<16xf32>
    %get3A_673 = arith.constant 0 : i32
    %get3A_674 = arith.index_cast %get3A_673 : i32 to index
    %get3A_675 = arith.constant 96 : index
    %get3A_676 = tpu.vector_load %arg14[%get3A_674, %get3A_675] {strides = array<i32>} : memref<8x128xf32, #tpu.memory_space<vmem>>, vector<1x16xf32>,
    %get3A_677 = vector.shape_cast %get3A_676 : vector<1x16xf32> to vector<16xf32>
    %mul3A_678 = arith.mulf %get3A_672, %get3A_677 : vector<16xf32>
    %add3A_679 = arith.addf %add3A_667, %mul3A_678 : vector<16xf32>
    %get3A_680 = arith.constant 0 : i32
    %get3A_681 = arith.index_cast %get3A_680 : i32 to index
    %get3A_682 = arith.constant 112 : index
    %get3A_683 = tpu.vector_load %arg11[%get3A_681, %get3A_682] {strides = array<i32>} : memref<8x128xf32, #tpu.memory_space<vmem>>, vector<1x16xf32>,
    %get3A_684 = vector.shape_cast %get3A_683 : vector<1x16xf32> to vector<16xf32>
    %get3A_685 = arith.constant 0 : i32
    %get3A_686 = arith.index_cast %get3A_685 : i32 to index
    %get3A_687 = arith.constant 112 : index
    %get3A_688 = tpu.vector_load %arg13[%get3A_686, %get3A_687] {strides = array<i32>} : memref<8x128xf32, #tpu.memory_space<vmem>>, vector<1x16xf32>,
    %get3A_689 = vector.shape_cast %get3A_688 : vector<1x16xf32> to vector<16xf32>
    %mul3A_690 = arith.mulf %get3A_684, %get3A_689 : vector<16xf32>
    %add3A_691 = arith.addf %add3A_679, %mul3A_690 : vector<16xf32>
    %get3A_692 = arith.constant 0 : i32
    %get3A_693 = arith.index_cast %get3A_692 : i32 to index
    %get3A_694 = arith.constant 112 : index
    %get3A_695 = tpu.vector_load %arg12[%get3A_693, %get3A_694] {strides = array<i32>} : memref<8x128xf32, #tpu.memory_space<vmem>>, vector<1x16xf32>,
    %get3A_696 = vector.shape_cast %get3A_695 : vector<1x16xf32> to vector<16xf32>
    %get3A_697 = arith.constant 0 : i32
    %get3A_698 = arith.index_cast %get3A_697 : i32 to index
    %get3A_699 = arith.constant 112 : index
    %get3A_700 = tpu.vector_load %arg14[%get3A_698, %get3A_699] {strides = array<i32>} : memref<8x128xf32, #tpu.memory_space<vmem>>, vector<1x16xf32>,
    %get3A_701 = vector.shape_cast %get3A_700 : vector<1x16xf32> to vector<16xf32>
    %mul3A_702 = arith.mulf %get3A_696, %get3A_701 : vector<16xf32>
    %add3A_703 = arith.addf %add3A_691, %mul3A_702 : vector<16xf32>
    %get3A_704 = arith.constant 1 : i32
    %get3A_705 = arith.index_cast %get3A_704 : i32 to index
    %get3A_706 = arith.constant 0 : index
    %get3A_707 = tpu.vector_load %arg11[%get3A_705, %get3A_706] {strides = array<i32>} : memref<8x128xf32, #tpu.memory_space<vmem>>, vector<1x16xf32>,
    %get3A_708 = vector.shape_cast %get3A_707 : vector<1x16xf32> to vector<16xf32>
    %get3A_709 = arith.constant 1 : i32
    %get3A_710 = arith.index_cast %get3A_709 : i32 to index
    %get3A_711 = arith.constant 0 : index
    %get3A_712 = tpu.vector_load %arg13[%get3A_710, %get3A_711] {strides = array<i32>} : memref<8x128xf32, #tpu.memory_space<vmem>>, vector<1x16xf32>,
    %get3A_713 = vector.shape_cast %get3A_712 : vector<1x16xf32> to vector<16xf32>
    %mul3A_714 = arith.mulf %get3A_708, %get3A_713 : vector<16xf32>
    %add3A_715 = arith.addf %add3A_703, %mul3A_714 : vector<16xf32>
    %get3A_716 = arith.constant 1 : i32
    %get3A_717 = arith.index_cast %get3A_716 : i32 to index
    %get3A_718 = arith.constant 0 : index
    %get3A_719 = tpu.vector_load %arg12[%get3A_717, %get3A_718] {strides = array<i32>} : memref<8x128xf32, #tpu.memory_space<vmem>>, vector<1x16xf32>,
    %get3A_720 = vector.shape_cast %get3A_719 : vector<1x16xf32> to vector<16xf32>
    %get3A_721 = arith.constant 1 : i32
    %get3A_722 = arith.index_cast %get3A_721 : i32 to index
    %get3A_723 = arith.constant 0 : index
    %get3A_724 = tpu.vector_load %arg14[%get3A_722, %get3A_723] {strides = array<i32>} : memref<8x128xf32, #tpu.memory_space<vmem>>, vector<1x16xf32>,
    %get3A_725 = vector.shape_cast %get3A_724 : vector<1x16xf32> to vector<16xf32>
    %mul3A_726 = arith.mulf %get3A_720, %get3A_725 : vector<16xf32>
    %add3A_727 = arith.addf %add3A_715, %mul3A_726 : vector<16xf32>
    %get3A_728 = arith.constant 1 : i32
    %get3A_729 = arith.index_cast %get3A_728 : i32 to index
    %get3A_730 = arith.constant 16 : index
    %get3A_731 = tpu.vector_load %arg11[%get3A_729, %get3A_730] {strides = array<i32>} : memref<8x128xf32, #tpu.memory_space<vmem>>, vector<1x16xf32>,
    %get3A_732 = vector.shape_cast %get3A_731 : vector<1x16xf32> to vector<16xf32>
    %get3A_733 = arith.constant 1 : i32
    %get3A_734 = arith.index_cast %get3A_733 : i32 to index
    %get3A_735 = arith.constant 16 : index
    %get3A_736 = tpu.vector_load %arg13[%get3A_734, %get3A_735] {strides = array<i32>} : memref<8x128xf32, #tpu.memory_space<vmem>>, vector<1x16xf32>,
    %get3A_737 = vector.shape_cast %get3A_736 : vector<1x16xf32> to vector<16xf32>
    %mul3A_738 = arith.mulf %get3A_732, %get3A_737 : vector<16xf32>
    %add3A_739 = arith.addf %add3A_727, %mul3A_738 : vector<16xf32>
    %get3A_740 = arith.constant 1 : i32
    %get3A_741 = arith.index_cast %get3A_740 : i32 to index
    %get3A_742 = arith.constant 16 : index
    %get3A_743 = tpu.vector_load %arg12[%get3A_741, %get3A_742] {strides = array<i32>} : memref<8x128xf32, #tpu.memory_space<vmem>>, vector<1x16xf32>,
    %get3A_744 = vector.shape_cast %get3A_743 : vector<1x16xf32> to vector<16xf32>
    %get3A_745 = arith.constant 1 : i32
    %get3A_746 = arith.index_cast %get3A_745 : i32 to index
    %get3A_747 = arith.constant 16 : index
    %get3A_748 = tpu.vector_load %arg14[%get3A_746, %get3A_747] {strides = array<i32>} : memref<8x128xf32, #tpu.memory_space<vmem>>, vector<1x16xf32>,
    %get3A_749 = vector.shape_cast %get3A_748 : vector<1x16xf32> to vector<16xf32>
    %mul3A_750 = arith.mulf %get3A_744, %get3A_749 : vector<16xf32>
    %add3A_751 = arith.addf %add3A_739, %mul3A_750 : vector<16xf32>
    %get3A_752 = arith.constant 1 : i32
    %get3A_753 = arith.index_cast %get3A_752 : i32 to index
    %get3A_754 = arith.constant 32 : index
    %get3A_755 = tpu.vector_load %arg11[%get3A_753, %get3A_754] {strides = array<i32>} : memref<8x128xf32, #tpu.memory_space<vmem>>, vector<1x16xf32>,
    %get3A_756 = vector.shape_cast %get3A_755 : vector<1x16xf32> to vector<16xf32>
    %get3A_757 = arith.constant 1 : i32
    %get3A_758 = arith.index_cast %get3A_757 : i32 to index
    %get3A_759 = arith.constant 32 : index
    %get3A_760 = tpu.vector_load %arg13[%get3A_758, %get3A_759] {strides = array<i32>} : memref<8x128xf32, #tpu.memory_space<vmem>>, vector<1x16xf32>,
    %get3A_761 = vector.shape_cast %get3A_760 : vector<1x16xf32> to vector<16xf32>
    %mul3A_762 = arith.mulf %get3A_756, %get3A_761 : vector<16xf32>
    %add3A_763 = arith.addf %add3A_751, %mul3A_762 : vector<16xf32>
    %get3A_764 = arith.constant 1 : i32
    %get3A_765 = arith.index_cast %get3A_764 : i32 to index
    %get3A_766 = arith.constant 32 : index
    %get3A_767 = tpu.vector_load %arg12[%get3A_765, %get3A_766] {strides = array<i32>} : memref<8x128xf32, #tpu.memory_space<vmem>>, vector<1x16xf32>,
    %get3A_768 = vector.shape_cast %get3A_767 : vector<1x16xf32> to vector<16xf32>
    %get3A_769 = arith.constant 1 : i32
    %get3A_770 = arith.index_cast %get3A_769 : i32 to index
    %get3A_771 = arith.constant 32 : index
    %get3A_772 = tpu.vector_load %arg14[%get3A_770, %get3A_771] {strides = array<i32>} : memref<8x128xf32, #tpu.memory_space<vmem>>, vector<1x16xf32>,
    %get3A_773 = vector.shape_cast %get3A_772 : vector<1x16xf32> to vector<16xf32>
    %mul3A_774 = arith.mulf %get3A_768, %get3A_773 : vector<16xf32>
    %add3A_775 = arith.addf %add3A_763, %mul3A_774 : vector<16xf32>
    %get3A_776 = arith.constant 1 : i32
    %get3A_777 = arith.index_cast %get3A_776 : i32 to index
    %get3A_778 = arith.constant 48 : index
    %get3A_779 = tpu.vector_load %arg11[%get3A_777, %get3A_778] {strides = array<i32>} : memref<8x128xf32, #tpu.memory_space<vmem>>, vector<1x16xf32>,
    %get3A_780 = vector.shape_cast %get3A_779 : vector<1x16xf32> to vector<16xf32>
    %get3A_781 = arith.constant 1 : i32
    %get3A_782 = arith.index_cast %get3A_781 : i32 to index
    %get3A_783 = arith.constant 48 : index
    %get3A_784 = tpu.vector_load %arg13[%get3A_782, %get3A_783] {strides = array<i32>} : memref<8x128xf32, #tpu.memory_space<vmem>>, vector<1x16xf32>,
    %get3A_785 = vector.shape_cast %get3A_784 : vector<1x16xf32> to vector<16xf32>
    %mul3A_786 = arith.mulf %get3A_780, %get3A_785 : vector<16xf32>
    %add3A_787 = arith.addf %add3A_775, %mul3A_786 : vector<16xf32>
    %get3A_788 = arith.constant 1 : i32
    %get3A_789 = arith.index_cast %get3A_788 : i32 to index
    %get3A_790 = arith.constant 48 : index
    %get3A_791 = tpu.vector_load %arg12[%get3A_789, %get3A_790] {strides = array<i32>} : memref<8x128xf32, #tpu.memory_space<vmem>>, vector<1x16xf32>,
    %get3A_792 = vector.shape_cast %get3A_791 : vector<1x16xf32> to vector<16xf32>
    %get3A_793 = arith.constant 1 : i32
    %get3A_794 = arith.index_cast %get3A_793 : i32 to index
    %get3A_795 = arith.constant 48 : index
    %get3A_796 = tpu.vector_load %arg14[%get3A_794, %get3A_795] {strides = array<i32>} : memref<8x128xf32, #tpu.memory_space<vmem>>, vector<1x16xf32>,
    %get3A_797 = vector.shape_cast %get3A_796 : vector<1x16xf32> to vector<16xf32>
    %mul3A_798 = arith.mulf %get3A_792, %get3A_797 : vector<16xf32>
    %add3A_799 = arith.addf %add3A_787, %mul3A_798 : vector<16xf32>
    %get3A_800 = arith.constant 1 : i32
    %get3A_801 = arith.index_cast %get3A_800 : i32 to index
    %get3A_802 = arith.constant 64 : index
    %get3A_803 = tpu.vector_load %arg11[%get3A_801, %get3A_802] {strides = array<i32>} : memref<8x128xf32, #tpu.memory_space<vmem>>, vector<1x16xf32>,
    %get3A_804 = vector.shape_cast %get3A_803 : vector<1x16xf32> to vector<16xf32>
    %get3A_805 = arith.constant 1 : i32
    %get3A_806 = arith.index_cast %get3A_805 : i32 to index
    %get3A_807 = arith.constant 64 : index
    %get3A_808 = tpu.vector_load %arg13[%get3A_806, %get3A_807] {strides = array<i32>} : memref<8x128xf32, #tpu.memory_space<vmem>>, vector<1x16xf32>,
    %get3A_809 = vector.shape_cast %get3A_808 : vector<1x16xf32> to vector<16xf32>
    %mul3A_810 = arith.mulf %get3A_804, %get3A_809 : vector<16xf32>
    %add3A_811 = arith.addf %add3A_799, %mul3A_810 : vector<16xf32>
    %get3A_812 = arith.constant 1 : i32
    %get3A_813 = arith.index_cast %get3A_812 : i32 to index
    %get3A_814 = arith.constant 64 : index
    %get3A_815 = tpu.vector_load %arg12[%get3A_813, %get3A_814] {strides = array<i32>} : memref<8x128xf32, #tpu.memory_space<vmem>>, vector<1x16xf32>,
    %get3A_816 = vector.shape_cast %get3A_815 : vector<1x16xf32> to vector<16xf32>
    %get3A_817 = arith.constant 1 : i32
    %get3A_818 = arith.index_cast %get3A_817 : i32 to index
    %get3A_819 = arith.constant 64 : index
    %get3A_820 = tpu.vector_load %arg14[%get3A_818, %get3A_819] {strides = array<i32>} : memref<8x128xf32, #tpu.memory_space<vmem>>, vector<1x16xf32>,
    %get3A_821 = vector.shape_cast %get3A_820 : vector<1x16xf32> to vector<16xf32>
    %mul3A_822 = arith.mulf %get3A_816, %get3A_821 : vector<16xf32>
    %add3A_823 = arith.addf %add3A_811, %mul3A_822 : vector<16xf32>
    %get3A_824 = arith.constant 1 : i32
    %get3A_825 = arith.index_cast %get3A_824 : i32 to index
    %get3A_826 = arith.constant 80 : index
    %get3A_827 = tpu.vector_load %arg11[%get3A_825, %get3A_826] {strides = array<i32>} : memref<8x128xf32, #tpu.memory_space<vmem>>, vector<1x16xf32>,
    %get3A_828 = vector.shape_cast %get3A_827 : vector<1x16xf32> to vector<16xf32>
    %get3A_829 = arith.constant 1 : i32
    %get3A_830 = arith.index_cast %get3A_829 : i32 to index
    %get3A_831 = arith.constant 80 : index
    %get3A_832 = tpu.vector_load %arg13[%get3A_830, %get3A_831] {strides = array<i32>} : memref<8x128xf32, #tpu.memory_space<vmem>>, vector<1x16xf32>,
    %get3A_833 = vector.shape_cast %get3A_832 : vector<1x16xf32> to vector<16xf32>
    %mul3A_834 = arith.mulf %get3A_828, %get3A_833 : vector<16xf32>
    %add3A_835 = arith.addf %add3A_823, %mul3A_834 : vector<16xf32>
    %get3A_836 = arith.constant 1 : i32
    %get3A_837 = arith.index_cast %get3A_836 : i32 to index
    %get3A_838 = arith.constant 80 : index
    %get3A_839 = tpu.vector_load %arg12[%get3A_837, %get3A_838] {strides = array<i32>} : memref<8x128xf32, #tpu.memory_space<vmem>>, vector<1x16xf32>,
    %get3A_840 = vector.shape_cast %get3A_839 : vector<1x16xf32> to vector<16xf32>
    %get3A_841 = arith.constant 1 : i32
    %get3A_842 = arith.index_cast %get3A_841 : i32 to index
    %get3A_843 = arith.constant 80 : index
    %get3A_844 = tpu.vector_load %arg14[%get3A_842, %get3A_843] {strides = array<i32>} : memref<8x128xf32, #tpu.memory_space<vmem>>, vector<1x16xf32>,
    %get3A_845 = vector.shape_cast %get3A_844 : vector<1x16xf32> to vector<16xf32>
    %mul3A_846 = arith.mulf %get3A_840, %get3A_845 : vector<16xf32>
    %add3A_847 = arith.addf %add3A_835, %mul3A_846 : vector<16xf32>
    %get3A_848 = arith.constant 1 : i32
    %get3A_849 = arith.index_cast %get3A_848 : i32 to index
    %get3A_850 = arith.constant 96 : index
    %get3A_851 = tpu.vector_load %arg11[%get3A_849, %get3A_850] {strides = array<i32>} : memref<8x128xf32, #tpu.memory_space<vmem>>, vector<1x16xf32>,
    %get3A_852 = vector.shape_cast %get3A_851 : vector<1x16xf32> to vector<16xf32>
    %get3A_853 = arith.constant 1 : i32
    %get3A_854 = arith.index_cast %get3A_853 : i32 to index
    %get3A_855 = arith.constant 96 : index
    %get3A_856 = tpu.vector_load %arg13[%get3A_854, %get3A_855] {strides = array<i32>} : memref<8x128xf32, #tpu.memory_space<vmem>>, vector<1x16xf32>,
    %get3A_857 = vector.shape_cast %get3A_856 : vector<1x16xf32> to vector<16xf32>
    %mul3A_858 = arith.mulf %get3A_852, %get3A_857 : vector<16xf32>
    %add3A_859 = arith.addf %add3A_847, %mul3A_858 : vector<16xf32>
    %get3A_860 = arith.constant 1 : i32
    %get3A_861 = arith.index_cast %get3A_860 : i32 to index
    %get3A_862 = arith.constant 96 : index
    %get3A_863 = tpu.vector_load %arg12[%get3A_861, %get3A_862] {strides = array<i32>} : memref<8x128xf32, #tpu.memory_space<vmem>>, vector<1x16xf32>,
    %get3A_864 = vector.shape_cast %get3A_863 : vector<1x16xf32> to vector<16xf32>
    %get3A_865 = arith.constant 1 : i32
    %get3A_866 = arith.index_cast %get3A_865 : i32 to index
    %get3A_867 = arith.constant 96 : index
    %get3A_868 = tpu.vector_load %arg14[%get3A_866, %get3A_867] {strides = array<i32>} : memref<8x128xf32, #tpu.memory_space<vmem>>, vector<1x16xf32>,
    %get3A_869 = vector.shape_cast %get3A_868 : vector<1x16xf32> to vector<16xf32>
    %mul3A_870 = arith.mulf %get3A_864, %get3A_869 : vector<16xf32>
    %add3A_871 = arith.addf %add3A_859, %mul3A_870 : vector<16xf32>
    %get3A_872 = arith.constant 1 : i32
    %get3A_873 = arith.index_cast %get3A_872 : i32 to index
    %get3A_874 = arith.constant 112 : index
    %get3A_875 = tpu.vector_load %arg11[%get3A_873, %get3A_874] {strides = array<i32>} : memref<8x128xf32, #tpu.memory_space<vmem>>, vector<1x16xf32>,
    %get3A_876 = vector.shape_cast %get3A_875 : vector<1x16xf32> to vector<16xf32>
    %get3A_877 = arith.constant 1 : i32
    %get3A_878 = arith.index_cast %get3A_877 : i32 to index
    %get3A_879 = arith.constant 112 : index
    %get3A_880 = tpu.vector_load %arg13[%get3A_878, %get3A_879] {strides = array<i32>} : memref<8x128xf32, #tpu.memory_space<vmem>>, vector<1x16xf32>,
    %get3A_881 = vector.shape_cast %get3A_880 : vector<1x16xf32> to vector<16xf32>
    %mul3A_882 = arith.mulf %get3A_876, %get3A_881 : vector<16xf32>
    %add3A_883 = arith.addf %add3A_871, %mul3A_882 : vector<16xf32>
    %get3A_884 = arith.constant 1 : i32
    %get3A_885 = arith.index_cast %get3A_884 : i32 to index
    %get3A_886 = arith.constant 112 : index
    %get3A_887 = tpu.vector_load %arg12[%get3A_885, %get3A_886] {strides = array<i32>} : memref<8x128xf32, #tpu.memory_space<vmem>>, vector<1x16xf32>,
    %get3A_888 = vector.shape_cast %get3A_887 : vector<1x16xf32> to vector<16xf32>
    %get3A_889 = arith.constant 1 : i32
    %get3A_890 = arith.index_cast %get3A_889 : i32 to index
    %get3A_891 = arith.constant 112 : index
    %get3A_892 = tpu.vector_load %arg14[%get3A_890, %get3A_891] {strides = array<i32>} : memref<8x128xf32, #tpu.memory_space<vmem>>, vector<1x16xf32>,
    %get3A_893 = vector.shape_cast %get3A_892 : vector<1x16xf32> to vector<16xf32>
    %mul3A_894 = arith.mulf %get3A_888, %get3A_893 : vector<16xf32>
    %add3A_895 = arith.addf %add3A_883, %mul3A_894 : vector<16xf32>
    %get3A_896 = arith.constant 2 : i32
    %get3A_897 = arith.index_cast %get3A_896 : i32 to index
    %get3A_898 = arith.constant 0 : index
    %get3A_899 = tpu.vector_load %arg11[%get3A_897, %get3A_898] {strides = array<i32>} : memref<8x128xf32, #tpu.memory_space<vmem>>, vector<1x16xf32>,
    %get3A_900 = vector.shape_cast %get3A_899 : vector<1x16xf32> to vector<16xf32>
    %get3A_901 = arith.constant 2 : i32
    %get3A_902 = arith.index_cast %get3A_901 : i32 to index
    %get3A_903 = arith.constant 0 : index
    %get3A_904 = tpu.vector_load %arg13[%get3A_902, %get3A_903] {strides = array<i32>} : memref<8x128xf32, #tpu.memory_space<vmem>>, vector<1x16xf32>,
    %get3A_905 = vector.shape_cast %get3A_904 : vector<1x16xf32> to vector<16xf32>
    %mul3A_906 = arith.mulf %get3A_900, %get3A_905 : vector<16xf32>
    %add3A_907 = arith.addf %add3A_895, %mul3A_906 : vector<16xf32>
    %get3A_908 = arith.constant 2 : i32
    %get3A_909 = arith.index_cast %get3A_908 : i32 to index
    %get3A_910 = arith.constant 0 : index
    %get3A_911 = tpu.vector_load %arg12[%get3A_909, %get3A_910] {strides = array<i32>} : memref<8x128xf32, #tpu.memory_space<vmem>>, vector<1x16xf32>,
    %get3A_912 = vector.shape_cast %get3A_911 : vector<1x16xf32> to vector<16xf32>
    %get3A_913 = arith.constant 2 : i32
    %get3A_914 = arith.index_cast %get3A_913 : i32 to index
    %get3A_915 = arith.constant 0 : index
    %get3A_916 = tpu.vector_load %arg14[%get3A_914, %get3A_915] {strides = array<i32>} : memref<8x128xf32, #tpu.memory_space<vmem>>, vector<1x16xf32>,
    %get3A_917 = vector.shape_cast %get3A_916 : vector<1x16xf32> to vector<16xf32>
    %mul3A_918 = arith.mulf %get3A_912, %get3A_917 : vector<16xf32>
    %add3A_919 = arith.addf %add3A_907, %mul3A_918 : vector<16xf32>
    %get3A_920 = arith.constant 2 : i32
    %get3A_921 = arith.index_cast %get3A_920 : i32 to index
    %get3A_922 = arith.constant 16 : index
    %get3A_923 = tpu.vector_load %arg11[%get3A_921, %get3A_922] {strides = array<i32>} : memref<8x128xf32, #tpu.memory_space<vmem>>, vector<1x16xf32>,
    %get3A_924 = vector.shape_cast %get3A_923 : vector<1x16xf32> to vector<16xf32>
    %get3A_925 = arith.constant 2 : i32
    %get3A_926 = arith.index_cast %get3A_925 : i32 to index
    %get3A_927 = arith.constant 16 : index
    %get3A_928 = tpu.vector_load %arg13[%get3A_926, %get3A_927] {strides = array<i32>} : memref<8x128xf32, #tpu.memory_space<vmem>>, vector<1x16xf32>,
    %get3A_929 = vector.shape_cast %get3A_928 : vector<1x16xf32> to vector<16xf32>
    %mul3A_930 = arith.mulf %get3A_924, %get3A_929 : vector<16xf32>
    %add3A_931 = arith.addf %add3A_919, %mul3A_930 : vector<16xf32>
    %get3A_932 = arith.constant 2 : i32
    %get3A_933 = arith.index_cast %get3A_932 : i32 to index
    %get3A_934 = arith.constant 16 : index
    %get3A_935 = tpu.vector_load %arg12[%get3A_933, %get3A_934] {strides = array<i32>} : memref<8x128xf32, #tpu.memory_space<vmem>>, vector<1x16xf32>,
    %get3A_936 = vector.shape_cast %get3A_935 : vector<1x16xf32> to vector<16xf32>
    %get3A_937 = arith.constant 2 : i32
    %get3A_938 = arith.index_cast %get3A_937 : i32 to index
    %get3A_939 = arith.constant 16 : index
    %get3A_940 = tpu.vector_load %arg14[%get3A_938, %get3A_939] {strides = array<i32>} : memref<8x128xf32, #tpu.memory_space<vmem>>, vector<1x16xf32>,
    %get3A_941 = vector.shape_cast %get3A_940 : vector<1x16xf32> to vector<16xf32>
    %mul3A_942 = arith.mulf %get3A_936, %get3A_941 : vector<16xf32>
    %add3A_943 = arith.addf %add3A_931, %mul3A_942 : vector<16xf32>
    %get3A_944 = arith.constant 2 : i32
    %get3A_945 = arith.index_cast %get3A_944 : i32 to index
    %get3A_946 = arith.constant 32 : index
    %get3A_947 = tpu.vector_load %arg11[%get3A_945, %get3A_946] {strides = array<i32>} : memref<8x128xf32, #tpu.memory_space<vmem>>, vector<1x16xf32>,
    %get3A_948 = vector.shape_cast %get3A_947 : vector<1x16xf32> to vector<16xf32>
    %get3A_949 = arith.constant 2 : i32
    %get3A_950 = arith.index_cast %get3A_949 : i32 to index
    %get3A_951 = arith.constant 32 : index
    %get3A_952 = tpu.vector_load %arg13[%get3A_950, %get3A_951] {strides = array<i32>} : memref<8x128xf32, #tpu.memory_space<vmem>>, vector<1x16xf32>,
    %get3A_953 = vector.shape_cast %get3A_952 : vector<1x16xf32> to vector<16xf32>
    %mul3A_954 = arith.mulf %get3A_948, %get3A_953 : vector<16xf32>
    %add3A_955 = arith.addf %add3A_943, %mul3A_954 : vector<16xf32>
    %get3A_956 = arith.constant 2 : i32
    %get3A_957 = arith.index_cast %get3A_956 : i32 to index
    %get3A_958 = arith.constant 32 : index
    %get3A_959 = tpu.vector_load %arg12[%get3A_957, %get3A_958] {strides = array<i32>} : memref<8x128xf32, #tpu.memory_space<vmem>>, vector<1x16xf32>,
    %get3A_960 = vector.shape_cast %get3A_959 : vector<1x16xf32> to vector<16xf32>
    %get3A_961 = arith.constant 2 : i32
    %get3A_962 = arith.index_cast %get3A_961 : i32 to index
    %get3A_963 = arith.constant 32 : index
    %get3A_964 = tpu.vector_load %arg14[%get3A_962, %get3A_963] {strides = array<i32>} : memref<8x128xf32, #tpu.memory_space<vmem>>, vector<1x16xf32>,
    %get3A_965 = vector.shape_cast %get3A_964 : vector<1x16xf32> to vector<16xf32>
    %mul3A_966 = arith.mulf %get3A_960, %get3A_965 : vector<16xf32>
    %add3A_967 = arith.addf %add3A_955, %mul3A_966 : vector<16xf32>
    %get3A_968 = arith.constant 2 : i32
    %get3A_969 = arith.index_cast %get3A_968 : i32 to index
    %get3A_970 = arith.constant 48 : index
    %get3A_971 = tpu.vector_load %arg11[%get3A_969, %get3A_970] {strides = array<i32>} : memref<8x128xf32, #tpu.memory_space<vmem>>, vector<1x16xf32>,
    %get3A_972 = vector.shape_cast %get3A_971 : vector<1x16xf32> to vector<16xf32>
    %get3A_973 = arith.constant 2 : i32
    %get3A_974 = arith.index_cast %get3A_973 : i32 to index
    %get3A_975 = arith.constant 48 : index
    %get3A_976 = tpu.vector_load %arg13[%get3A_974, %get3A_975] {strides = array<i32>} : memref<8x128xf32, #tpu.memory_space<vmem>>, vector<1x16xf32>,
    %get3A_977 = vector.shape_cast %get3A_976 : vector<1x16xf32> to vector<16xf32>
    %mul3A_978 = arith.mulf %get3A_972, %get3A_977 : vector<16xf32>
    %add3A_979 = arith.addf %add3A_967, %mul3A_978 : vector<16xf32>
    %get3A_980 = arith.constant 2 : i32
    %get3A_981 = arith.index_cast %get3A_980 : i32 to index
    %get3A_982 = arith.constant 48 : index
    %get3A_983 = tpu.vector_load %arg12[%get3A_981, %get3A_982] {strides = array<i32>} : memref<8x128xf32, #tpu.memory_space<vmem>>, vector<1x16xf32>,
    %get3A_984 = vector.shape_cast %get3A_983 : vector<1x16xf32> to vector<16xf32>
    %get3A_985 = arith.constant 2 : i32
    %get3A_986 = arith.index_cast %get3A_985 : i32 to index
    %get3A_987 = arith.constant 48 : index
    %get3A_988 = tpu.vector_load %arg14[%get3A_986, %get3A_987] {strides = array<i32>} : memref<8x128xf32, #tpu.memory_space<vmem>>, vector<1x16xf32>,
    %get3A_989 = vector.shape_cast %get3A_988 : vector<1x16xf32> to vector<16xf32>
    %mul3A_990 = arith.mulf %get3A_984, %get3A_989 : vector<16xf32>
    %add3A_991 = arith.addf %add3A_979, %mul3A_990 : vector<16xf32>
    %get3A_992 = arith.constant 2 : i32
    %get3A_993 = arith.index_cast %get3A_992 : i32 to index
    %get3A_994 = arith.constant 64 : index
    %get3A_995 = tpu.vector_load %arg11[%get3A_993, %get3A_994] {strides = array<i32>} : memref<8x128xf32, #tpu.memory_space<vmem>>, vector<1x16xf32>,
    %get3A_996 = vector.shape_cast %get3A_995 : vector<1x16xf32> to vector<16xf32>
    %get3A_997 = arith.constant 2 : i32
    %get3A_998 = arith.index_cast %get3A_997 : i32 to index
    %get3A_999 = arith.constant 64 : index
    %get3A_1000 = tpu.vector_load %arg13[%get3A_998, %get3A_999] {strides = array<i32>} : memref<8x128xf32, #tpu.memory_space<vmem>>, vector<1x16xf32>,
    %get3A_1001 = vector.shape_cast %get3A_1000 : vector<1x16xf32> to vector<16xf32>
    %mul3A_1002 = arith.mulf %get3A_996, %get3A_1001 : vector<16xf32>
    %add3A_1003 = arith.addf %add3A_991, %mul3A_1002 : vector<16xf32>
    %get3A_1004 = arith.constant 2 : i32
    %get3A_1005 = arith.index_cast %get3A_1004 : i32 to index
    %get3A_1006 = arith.constant 64 : index
    %get3A_1007 = tpu.vector_load %arg12[%get3A_1005, %get3A_1006] {strides = array<i32>} : memref<8x128xf32, #tpu.memory_space<vmem>>, vector<1x16xf32>,
    %get3A_1008 = vector.shape_cast %get3A_1007 : vector<1x16xf32> to vector<16xf32>
    %get3A_1009 = arith.constant 2 : i32
    %get3A_1010 = arith.index_cast %get3A_1009 : i32 to index
    %get3A_1011 = arith.constant 64 : index
    %get3A_1012 = tpu.vector_load %arg14[%get3A_1010, %get3A_1011] {strides = array<i32>} : memref<8x128xf32, #tpu.memory_space<vmem>>, vector<1x16xf32>,
    %get3A_1013 = vector.shape_cast %get3A_1012 : vector<1x16xf32> to vector<16xf32>
    %mul3A_1014 = arith.mulf %get3A_1008, %get3A_1013 : vector<16xf32>
    %add3A_1015 = arith.addf %add3A_1003, %mul3A_1014 : vector<16xf32>
    %get3A_1016 = arith.constant 2 : i32
    %get3A_1017 = arith.index_cast %get3A_1016 : i32 to index
    %get3A_1018 = arith.constant 80 : index
    %get3A_1019 = tpu.vector_load %arg11[%get3A_1017, %get3A_1018] {strides = array<i32>} : memref<8x128xf32, #tpu.memory_space<vmem>>, vector<1x16xf32>,
    %get3A_1020 = vector.shape_cast %get3A_1019 : vector<1x16xf32> to vector<16xf32>
    %get3A_1021 = arith.constant 2 : i32
    %get3A_1022 = arith.index_cast %get3A_1021 : i32 to index
    %get3A_1023 = arith.constant 80 : index
    %get3A_1024 = tpu.vector_load %arg13[%get3A_1022, %get3A_1023] {strides = array<i32>} : memref<8x128xf32, #tpu.memory_space<vmem>>, vector<1x16xf32>,
    %get3A_1025 = vector.shape_cast %get3A_1024 : vector<1x16xf32> to vector<16xf32>
    %mul3A_1026 = arith.mulf %get3A_1020, %get3A_1025 : vector<16xf32>
    %add3A_1027 = arith.addf %add3A_1015, %mul3A_1026 : vector<16xf32>
    %get3A_1028 = arith.constant 2 : i32
    %get3A_1029 = arith.index_cast %get3A_1028 : i32 to index
    %get3A_1030 = arith.constant 80 : index
    %get3A_1031 = tpu.vector_load %arg12[%get3A_1029, %get3A_1030] {strides = array<i32>} : memref<8x128xf32, #tpu.memory_space<vmem>>, vector<1x16xf32>,
    %get3A_1032 = vector.shape_cast %get3A_1031 : vector<1x16xf32> to vector<16xf32>
    %get3A_1033 = arith.constant 2 : i32
    %get3A_1034 = arith.index_cast %get3A_1033 : i32 to index
    %get3A_1035 = arith.constant 80 : index
    %get3A_1036 = tpu.vector_load %arg14[%get3A_1034, %get3A_1035] {strides = array<i32>} : memref<8x128xf32, #tpu.memory_space<vmem>>, vector<1x16xf32>,
    %get3A_1037 = vector.shape_cast %get3A_1036 : vector<1x16xf32> to vector<16xf32>
    %mul3A_1038 = arith.mulf %get3A_1032, %get3A_1037 : vector<16xf32>
    %add3A_1039 = arith.addf %add3A_1027, %mul3A_1038 : vector<16xf32>
    %get3A_1040 = arith.constant 2 : i32
    %get3A_1041 = arith.index_cast %get3A_1040 : i32 to index
    %get3A_1042 = arith.constant 96 : index
    %get3A_1043 = tpu.vector_load %arg11[%get3A_1041, %get3A_1042] {strides = array<i32>} : memref<8x128xf32, #tpu.memory_space<vmem>>, vector<1x16xf32>,
    %get3A_1044 = vector.shape_cast %get3A_1043 : vector<1x16xf32> to vector<16xf32>
    %get3A_1045 = arith.constant 2 : i32
    %get3A_1046 = arith.index_cast %get3A_1045 : i32 to index
    %get3A_1047 = arith.constant 96 : index
    %get3A_1048 = tpu.vector_load %arg13[%get3A_1046, %get3A_1047] {strides = array<i32>} : memref<8x128xf32, #tpu.memory_space<vmem>>, vector<1x16xf32>,
    %get3A_1049 = vector.shape_cast %get3A_1048 : vector<1x16xf32> to vector<16xf32>
    %mul3A_1050 = arith.mulf %get3A_1044, %get3A_1049 : vector<16xf32>
    %add3A_1051 = arith.addf %add3A_1039, %mul3A_1050 : vector<16xf32>
    %get3A_1052 = arith.constant 2 : i32
    %get3A_1053 = arith.index_cast %get3A_1052 : i32 to index
    %get3A_1054 = arith.constant 96 : index
    %get3A_1055 = tpu.vector_load %arg12[%get3A_1053, %get3A_1054] {strides = array<i32>} : memref<8x128xf32, #tpu.memory_space<vmem>>, vector<1x16xf32>,
    %get3A_1056 = vector.shape_cast %get3A_1055 : vector<1x16xf32> to vector<16xf32>
    %get3A_1057 = arith.constant 2 : i32
    %get3A_1058 = arith.index_cast %get3A_1057 : i32 to index
    %get3A_1059 = arith.constant 96 : index
    %get3A_1060 = tpu.vector_load %arg14[%get3A_1058, %get3A_1059] {strides = array<i32>} : memref<8x128xf32, #tpu.memory_space<vmem>>, vector<1x16xf32>,
    %get3A_1061 = vector.shape_cast %get3A_1060 : vector<1x16xf32> to vector<16xf32>
    %mul3A_1062 = arith.mulf %get3A_1056, %get3A_1061 : vector<16xf32>
    %add3A_1063 = arith.addf %add3A_1051, %mul3A_1062 : vector<16xf32>
    %get3A_1064 = arith.constant 2 : i32
    %get3A_1065 = arith.index_cast %get3A_1064 : i32 to index
    %get3A_1066 = arith.constant 112 : index
    %get3A_1067 = tpu.vector_load %arg11[%get3A_1065, %get3A_1066] {strides = array<i32>} : memref<8x128xf32, #tpu.memory_space<vmem>>, vector<1x16xf32>,
    %get3A_1068 = vector.shape_cast %get3A_1067 : vector<1x16xf32> to vector<16xf32>
    %get3A_1069 = arith.constant 2 : i32
    %get3A_1070 = arith.index_cast %get3A_1069 : i32 to index
    %get3A_1071 = arith.constant 112 : index
    %get3A_1072 = tpu.vector_load %arg13[%get3A_1070, %get3A_1071] {strides = array<i32>} : memref<8x128xf32, #tpu.memory_space<vmem>>, vector<1x16xf32>,
    %get3A_1073 = vector.shape_cast %get3A_1072 : vector<1x16xf32> to vector<16xf32>
    %mul3A_1074 = arith.mulf %get3A_1068, %get3A_1073 : vector<16xf32>
    %add3A_1075 = arith.addf %add3A_1063, %mul3A_1074 : vector<16xf32>
    %get3A_1076 = arith.constant 2 : i32
    %get3A_1077 = arith.index_cast %get3A_1076 : i32 to index
    %get3A_1078 = arith.constant 112 : index
    %get3A_1079 = tpu.vector_load %arg12[%get3A_1077, %get3A_1078] {strides = array<i32>} : memref<8x128xf32, #tpu.memory_space<vmem>>, vector<1x16xf32>,
    %get3A_1080 = vector.shape_cast %get3A_1079 : vector<1x16xf32> to vector<16xf32>
    %get3A_1081 = arith.constant 2 : i32
    %get3A_1082 = arith.index_cast %get3A_1081 : i32 to index
    %get3A_1083 = arith.constant 112 : index
    %get3A_1084 = tpu.vector_load %arg14[%get3A_1082, %get3A_1083] {strides = array<i32>} : memref<8x128xf32, #tpu.memory_space<vmem>>, vector<1x16xf32>,
    %get3A_1085 = vector.shape_cast %get3A_1084 : vector<1x16xf32> to vector<16xf32>
    %mul3A_1086 = arith.mulf %get3A_1080, %get3A_1085 : vector<16xf32>
    %add3A_1087 = arith.addf %add3A_1075, %mul3A_1086 : vector<16xf32>
    %get3A_1088 = arith.constant 3 : i32
    %get3A_1089 = arith.index_cast %get3A_1088 : i32 to index
    %get3A_1090 = arith.constant 0 : index
    %get3A_1091 = tpu.vector_load %arg11[%get3A_1089, %get3A_1090] {strides = array<i32>} : memref<8x128xf32, #tpu.memory_space<vmem>>, vector<1x16xf32>,
    %get3A_1092 = vector.shape_cast %get3A_1091 : vector<1x16xf32> to vector<16xf32>
    %get3A_1093 = arith.constant 3 : i32
    %get3A_1094 = arith.index_cast %get3A_1093 : i32 to index
    %get3A_1095 = arith.constant 0 : index
    %get3A_1096 = tpu.vector_load %arg13[%get3A_1094, %get3A_1095] {strides = array<i32>} : memref<8x128xf32, #tpu.memory_space<vmem>>, vector<1x16xf32>,
    %get3A_1097 = vector.shape_cast %get3A_1096 : vector<1x16xf32> to vector<16xf32>
    %mul3A_1098 = arith.mulf %get3A_1092, %get3A_1097 : vector<16xf32>
    %add3A_1099 = arith.addf %add3A_1087, %mul3A_1098 : vector<16xf32>
    %get3A_1100 = arith.constant 3 : i32
    %get3A_1101 = arith.index_cast %get3A_1100 : i32 to index
    %get3A_1102 = arith.constant 0 : index
    %get3A_1103 = tpu.vector_load %arg12[%get3A_1101, %get3A_1102] {strides = array<i32>} : memref<8x128xf32, #tpu.memory_space<vmem>>, vector<1x16xf32>,
    %get3A_1104 = vector.shape_cast %get3A_1103 : vector<1x16xf32> to vector<16xf32>
    %get3A_1105 = arith.constant 3 : i32
    %get3A_1106 = arith.index_cast %get3A_1105 : i32 to index
    %get3A_1107 = arith.constant 0 : index
    %get3A_1108 = tpu.vector_load %arg14[%get3A_1106, %get3A_1107] {strides = array<i32>} : memref<8x128xf32, #tpu.memory_space<vmem>>, vector<1x16xf32>,
    %get3A_1109 = vector.shape_cast %get3A_1108 : vector<1x16xf32> to vector<16xf32>
    %mul3A_1110 = arith.mulf %get3A_1104, %get3A_1109 : vector<16xf32>
    %add3A_1111 = arith.addf %add3A_1099, %mul3A_1110 : vector<16xf32>
    %get3A_1112 = arith.constant 3 : i32
    %get3A_1113 = arith.index_cast %get3A_1112 : i32 to index
    %get3A_1114 = arith.constant 16 : index
    %get3A_1115 = tpu.vector_load %arg11[%get3A_1113, %get3A_1114] {strides = array<i32>} : memref<8x128xf32, #tpu.memory_space<vmem>>, vector<1x16xf32>,
    %get3A_1116 = vector.shape_cast %get3A_1115 : vector<1x16xf32> to vector<16xf32>
    %get3A_1117 = arith.constant 3 : i32
    %get3A_1118 = arith.index_cast %get3A_1117 : i32 to index
    %get3A_1119 = arith.constant 16 : index
    %get3A_1120 = tpu.vector_load %arg13[%get3A_1118, %get3A_1119] {strides = array<i32>} : memref<8x128xf32, #tpu.memory_space<vmem>>, vector<1x16xf32>,
    %get3A_1121 = vector.shape_cast %get3A_1120 : vector<1x16xf32> to vector<16xf32>
    %mul3A_1122 = arith.mulf %get3A_1116, %get3A_1121 : vector<16xf32>
    %add3A_1123 = arith.addf %add3A_1111, %mul3A_1122 : vector<16xf32>
    %get3A_1124 = arith.constant 3 : i32
    %get3A_1125 = arith.index_cast %get3A_1124 : i32 to index
    %get3A_1126 = arith.constant 16 : index
    %get3A_1127 = tpu.vector_load %arg12[%get3A_1125, %get3A_1126] {strides = array<i32>} : memref<8x128xf32, #tpu.memory_space<vmem>>, vector<1x16xf32>,
    %get3A_1128 = vector.shape_cast %get3A_1127 : vector<1x16xf32> to vector<16xf32>
    %get3A_1129 = arith.constant 3 : i32
    %get3A_1130 = arith.index_cast %get3A_1129 : i32 to index
    %get3A_1131 = arith.constant 16 : index
    %get3A_1132 = tpu.vector_load %arg14[%get3A_1130, %get3A_1131] {strides = array<i32>} : memref<8x128xf32, #tpu.memory_space<vmem>>, vector<1x16xf32>,
    %get3A_1133 = vector.shape_cast %get3A_1132 : vector<1x16xf32> to vector<16xf32>
    %mul3A_1134 = arith.mulf %get3A_1128, %get3A_1133 : vector<16xf32>
    %add3A_1135 = arith.addf %add3A_1123, %mul3A_1134 : vector<16xf32>
    %get3A_1136 = arith.constant 3 : i32
    %get3A_1137 = arith.index_cast %get3A_1136 : i32 to index
    %get3A_1138 = arith.constant 32 : index
    %get3A_1139 = tpu.vector_load %arg11[%get3A_1137, %get3A_1138] {strides = array<i32>} : memref<8x128xf32, #tpu.memory_space<vmem>>, vector<1x16xf32>,
    %get3A_1140 = vector.shape_cast %get3A_1139 : vector<1x16xf32> to vector<16xf32>
    %get3A_1141 = arith.constant 3 : i32
    %get3A_1142 = arith.index_cast %get3A_1141 : i32 to index
    %get3A_1143 = arith.constant 32 : index
    %get3A_1144 = tpu.vector_load %arg13[%get3A_1142, %get3A_1143] {strides = array<i32>} : memref<8x128xf32, #tpu.memory_space<vmem>>, vector<1x16xf32>,
    %get3A_1145 = vector.shape_cast %get3A_1144 : vector<1x16xf32> to vector<16xf32>
    %mul3A_1146 = arith.mulf %get3A_1140, %get3A_1145 : vector<16xf32>
    %add3A_1147 = arith.addf %add3A_1135, %mul3A_1146 : vector<16xf32>
    %get3A_1148 = arith.constant 3 : i32
    %get3A_1149 = arith.index_cast %get3A_1148 : i32 to index
    %get3A_1150 = arith.constant 32 : index
    %get3A_1151 = tpu.vector_load %arg12[%get3A_1149, %get3A_1150] {strides = array<i32>} : memref<8x128xf32, #tpu.memory_space<vmem>>, vector<1x16xf32>,
    %get3A_1152 = vector.shape_cast %get3A_1151 : vector<1x16xf32> to vector<16xf32>
    %get3A_1153 = arith.constant 3 : i32
    %get3A_1154 = arith.index_cast %get3A_1153 : i32 to index
    %get3A_1155 = arith.constant 32 : index
    %get3A_1156 = tpu.vector_load %arg14[%get3A_1154, %get3A_1155] {strides = array<i32>} : memref<8x128xf32, #tpu.memory_space<vmem>>, vector<1x16xf32>,
    %get3A_1157 = vector.shape_cast %get3A_1156 : vector<1x16xf32> to vector<16xf32>
    %mul3A_1158 = arith.mulf %get3A_1152, %get3A_1157 : vector<16xf32>
    %add3A_1159 = arith.addf %add3A_1147, %mul3A_1158 : vector<16xf32>
    %get3A_1160 = arith.constant 3 : i32
    %get3A_1161 = arith.index_cast %get3A_1160 : i32 to index
    %get3A_1162 = arith.constant 48 : index
    %get3A_1163 = tpu.vector_load %arg11[%get3A_1161, %get3A_1162] {strides = array<i32>} : memref<8x128xf32, #tpu.memory_space<vmem>>, vector<1x16xf32>,
    %get3A_1164 = vector.shape_cast %get3A_1163 : vector<1x16xf32> to vector<16xf32>
    %get3A_1165 = arith.constant 3 : i32
    %get3A_1166 = arith.index_cast %get3A_1165 : i32 to index
    %get3A_1167 = arith.constant 48 : index
    %get3A_1168 = tpu.vector_load %arg13[%get3A_1166, %get3A_1167] {strides = array<i32>} : memref<8x128xf32, #tpu.memory_space<vmem>>, vector<1x16xf32>,
    %get3A_1169 = vector.shape_cast %get3A_1168 : vector<1x16xf32> to vector<16xf32>
    %mul3A_1170 = arith.mulf %get3A_1164, %get3A_1169 : vector<16xf32>
    %add3A_1171 = arith.addf %add3A_1159, %mul3A_1170 : vector<16xf32>
    %get3A_1172 = arith.constant 3 : i32
    %get3A_1173 = arith.index_cast %get3A_1172 : i32 to index
    %get3A_1174 = arith.constant 48 : index
    %get3A_1175 = tpu.vector_load %arg12[%get3A_1173, %get3A_1174] {strides = array<i32>} : memref<8x128xf32, #tpu.memory_space<vmem>>, vector<1x16xf32>,
    %get3A_1176 = vector.shape_cast %get3A_1175 : vector<1x16xf32> to vector<16xf32>
    %get3A_1177 = arith.constant 3 : i32
    %get3A_1178 = arith.index_cast %get3A_1177 : i32 to index
    %get3A_1179 = arith.constant 48 : index
    %get3A_1180 = tpu.vector_load %arg14[%get3A_1178, %get3A_1179] {strides = array<i32>} : memref<8x128xf32, #tpu.memory_space<vmem>>, vector<1x16xf32>,
    %get3A_1181 = vector.shape_cast %get3A_1180 : vector<1x16xf32> to vector<16xf32>
    %mul3A_1182 = arith.mulf %get3A_1176, %get3A_1181 : vector<16xf32>
    %add3A_1183 = arith.addf %add3A_1171, %mul3A_1182 : vector<16xf32>
    %get3A_1184 = arith.constant 3 : i32
    %get3A_1185 = arith.index_cast %get3A_1184 : i32 to index
    %get3A_1186 = arith.constant 64 : index
    %get3A_1187 = tpu.vector_load %arg11[%get3A_1185, %get3A_1186] {strides = array<i32>} : memref<8x128xf32, #tpu.memory_space<vmem>>, vector<1x16xf32>,
    %get3A_1188 = vector.shape_cast %get3A_1187 : vector<1x16xf32> to vector<16xf32>
    %get3A_1189 = arith.constant 3 : i32
    %get3A_1190 = arith.index_cast %get3A_1189 : i32 to index
    %get3A_1191 = arith.constant 64 : index
    %get3A_1192 = tpu.vector_load %arg13[%get3A_1190, %get3A_1191] {strides = array<i32>} : memref<8x128xf32, #tpu.memory_space<vmem>>, vector<1x16xf32>,
    %get3A_1193 = vector.shape_cast %get3A_1192 : vector<1x16xf32> to vector<16xf32>
    %mul3A_1194 = arith.mulf %get3A_1188, %get3A_1193 : vector<16xf32>
    %add3A_1195 = arith.addf %add3A_1183, %mul3A_1194 : vector<16xf32>
    %get3A_1196 = arith.constant 3 : i32
    %get3A_1197 = arith.index_cast %get3A_1196 : i32 to index
    %get3A_1198 = arith.constant 64 : index
    %get3A_1199 = tpu.vector_load %arg12[%get3A_1197, %get3A_1198] {strides = array<i32>} : memref<8x128xf32, #tpu.memory_space<vmem>>, vector<1x16xf32>,
    %get3A_1200 = vector.shape_cast %get3A_1199 : vector<1x16xf32> to vector<16xf32>
    %get3A_1201 = arith.constant 3 : i32
    %get3A_1202 = arith.index_cast %get3A_1201 : i32 to index
    %get3A_1203 = arith.constant 64 : index
    %get3A_1204 = tpu.vector_load %arg14[%get3A_1202, %get3A_1203] {strides = array<i32>} : memref<8x128xf32, #tpu.memory_space<vmem>>, vector<1x16xf32>,
    %get3A_1205 = vector.shape_cast %get3A_1204 : vector<1x16xf32> to vector<16xf32>
    %mul3A_1206 = arith.mulf %get3A_1200, %get3A_1205 : vector<16xf32>
    %add3A_1207 = arith.addf %add3A_1195, %mul3A_1206 : vector<16xf32>
    %get3A_1208 = arith.constant 3 : i32
    %get3A_1209 = arith.index_cast %get3A_1208 : i32 to index
    %get3A_1210 = arith.constant 80 : index
    %get3A_1211 = tpu.vector_load %arg11[%get3A_1209, %get3A_1210] {strides = array<i32>} : memref<8x128xf32, #tpu.memory_space<vmem>>, vector<1x16xf32>,
    %get3A_1212 = vector.shape_cast %get3A_1211 : vector<1x16xf32> to vector<16xf32>
    %get3A_1213 = arith.constant 3 : i32
    %get3A_1214 = arith.index_cast %get3A_1213 : i32 to index
    %get3A_1215 = arith.constant 80 : index
    %get3A_1216 = tpu.vector_load %arg13[%get3A_1214, %get3A_1215] {strides = array<i32>} : memref<8x128xf32, #tpu.memory_space<vmem>>, vector<1x16xf32>,
    %get3A_1217 = vector.shape_cast %get3A_1216 : vector<1x16xf32> to vector<16xf32>
    %mul3A_1218 = arith.mulf %get3A_1212, %get3A_1217 : vector<16xf32>
    %add3A_1219 = arith.addf %add3A_1207, %mul3A_1218 : vector<16xf32>
    %get3A_1220 = arith.constant 3 : i32
    %get3A_1221 = arith.index_cast %get3A_1220 : i32 to index
    %get3A_1222 = arith.constant 80 : index
    %get3A_1223 = tpu.vector_load %arg12[%get3A_1221, %get3A_1222] {strides = array<i32>} : memref<8x128xf32, #tpu.memory_space<vmem>>, vector<1x16xf32>,
    %get3A_1224 = vector.shape_cast %get3A_1223 : vector<1x16xf32> to vector<16xf32>
    %get3A_1225 = arith.constant 3 : i32
    %get3A_1226 = arith.index_cast %get3A_1225 : i32 to index
    %get3A_1227 = arith.constant 80 : index
    %get3A_1228 = tpu.vector_load %arg14[%get3A_1226, %get3A_1227] {strides = array<i32>} : memref<8x128xf32, #tpu.memory_space<vmem>>, vector<1x16xf32>,
    %get3A_1229 = vector.shape_cast %get3A_1228 : vector<1x16xf32> to vector<16xf32>
    %mul3A_1230 = arith.mulf %get3A_1224, %get3A_1229 : vector<16xf32>
    %add3A_1231 = arith.addf %add3A_1219, %mul3A_1230 : vector<16xf32>
    %get3A_1232 = arith.constant 3 : i32
    %get3A_1233 = arith.index_cast %get3A_1232 : i32 to index
    %get3A_1234 = arith.constant 96 : index
    %get3A_1235 = tpu.vector_load %arg11[%get3A_1233, %get3A_1234] {strides = array<i32>} : memref<8x128xf32, #tpu.memory_space<vmem>>, vector<1x16xf32>,
    %get3A_1236 = vector.shape_cast %get3A_1235 : vector<1x16xf32> to vector<16xf32>
    %get3A_1237 = arith.constant 3 : i32
    %get3A_1238 = arith.index_cast %get3A_1237 : i32 to index
    %get3A_1239 = arith.constant 96 : index
    %get3A_1240 = tpu.vector_load %arg13[%get3A_1238, %get3A_1239] {strides = array<i32>} : memref<8x128xf32, #tpu.memory_space<vmem>>, vector<1x16xf32>,
    %get3A_1241 = vector.shape_cast %get3A_1240 : vector<1x16xf32> to vector<16xf32>
    %mul3A_1242 = arith.mulf %get3A_1236, %get3A_1241 : vector<16xf32>
    %add3A_1243 = arith.addf %add3A_1231, %mul3A_1242 : vector<16xf32>
    %get3A_1244 = arith.constant 3 : i32
    %get3A_1245 = arith.index_cast %get3A_1244 : i32 to index
    %get3A_1246 = arith.constant 96 : index
    %get3A_1247 = tpu.vector_load %arg12[%get3A_1245, %get3A_1246] {strides = array<i32>} : memref<8x128xf32, #tpu.memory_space<vmem>>, vector<1x16xf32>,
    %get3A_1248 = vector.shape_cast %get3A_1247 : vector<1x16xf32> to vector<16xf32>
    %get3A_1249 = arith.constant 3 : i32
    %get3A_1250 = arith.index_cast %get3A_1249 : i32 to index
    %get3A_1251 = arith.constant 96 : index
    %get3A_1252 = tpu.vector_load %arg14[%get3A_1250, %get3A_1251] {strides = array<i32>} : memref<8x128xf32, #tpu.memory_space<vmem>>, vector<1x16xf32>,
    %get3A_1253 = vector.shape_cast %get3A_1252 : vector<1x16xf32> to vector<16xf32>
    %mul3A_1254 = arith.mulf %get3A_1248, %get3A_1253 : vector<16xf32>
    %add3A_1255 = arith.addf %add3A_1243, %mul3A_1254 : vector<16xf32>
    %get3A_1256 = arith.constant 3 : i32
    %get3A_1257 = arith.index_cast %get3A_1256 : i32 to index
    %get3A_1258 = arith.constant 112 : index
    %get3A_1259 = tpu.vector_load %arg11[%get3A_1257, %get3A_1258] {strides = array<i32>} : memref<8x128xf32, #tpu.memory_space<vmem>>, vector<1x16xf32>,
    %get3A_1260 = vector.shape_cast %get3A_1259 : vector<1x16xf32> to vector<16xf32>
    %get3A_1261 = arith.constant 3 : i32
    %get3A_1262 = arith.index_cast %get3A_1261 : i32 to index
    %get3A_1263 = arith.constant 112 : index
    %get3A_1264 = tpu.vector_load %arg13[%get3A_1262, %get3A_1263] {strides = array<i32>} : memref<8x128xf32, #tpu.memory_space<vmem>>, vector<1x16xf32>,
    %get3A_1265 = vector.shape_cast %get3A_1264 : vector<1x16xf32> to vector<16xf32>
    %mul3A_1266 = arith.mulf %get3A_1260, %get3A_1265 : vector<16xf32>
    %add3A_1267 = arith.addf %add3A_1255, %mul3A_1266 : vector<16xf32>
    %get3A_1268 = arith.constant 3 : i32
    %get3A_1269 = arith.index_cast %get3A_1268 : i32 to index
    %get3A_1270 = arith.constant 112 : index
    %get3A_1271 = tpu.vector_load %arg12[%get3A_1269, %get3A_1270] {strides = array<i32>} : memref<8x128xf32, #tpu.memory_space<vmem>>, vector<1x16xf32>,
    %get3A_1272 = vector.shape_cast %get3A_1271 : vector<1x16xf32> to vector<16xf32>
    %get3A_1273 = arith.constant 3 : i32
    %get3A_1274 = arith.index_cast %get3A_1273 : i32 to index
    %get3A_1275 = arith.constant 112 : index
    %get3A_1276 = tpu.vector_load %arg14[%get3A_1274, %get3A_1275] {strides = array<i32>} : memref<8x128xf32, #tpu.memory_space<vmem>>, vector<1x16xf32>,
    %get3A_1277 = vector.shape_cast %get3A_1276 : vector<1x16xf32> to vector<16xf32>
    %mul3A_1278 = arith.mulf %get3A_1272, %get3A_1277 : vector<16xf32>
    %add3A_1279 = arith.addf %add3A_1267, %mul3A_1278 : vector<16xf32>
    %get3A_1280 = arith.constant 4 : i32
    %get3A_1281 = arith.index_cast %get3A_1280 : i32 to index
    %get3A_1282 = arith.constant 0 : index
    %get3A_1283 = tpu.vector_load %arg11[%get3A_1281, %get3A_1282] {strides = array<i32>} : memref<8x128xf32, #tpu.memory_space<vmem>>, vector<1x16xf32>,
    %get3A_1284 = vector.shape_cast %get3A_1283 : vector<1x16xf32> to vector<16xf32>
    %get3A_1285 = arith.constant 4 : i32
    %get3A_1286 = arith.index_cast %get3A_1285 : i32 to index
    %get3A_1287 = arith.constant 0 : index
    %get3A_1288 = tpu.vector_load %arg13[%get3A_1286, %get3A_1287] {strides = array<i32>} : memref<8x128xf32, #tpu.memory_space<vmem>>, vector<1x16xf32>,
    %get3A_1289 = vector.shape_cast %get3A_1288 : vector<1x16xf32> to vector<16xf32>
    %mul3A_1290 = arith.mulf %get3A_1284, %get3A_1289 : vector<16xf32>
    %add3A_1291 = arith.addf %add3A_1279, %mul3A_1290 : vector<16xf32>
    %get3A_1292 = arith.constant 4 : i32
    %get3A_1293 = arith.index_cast %get3A_1292 : i32 to index
    %get3A_1294 = arith.constant 0 : index
    %get3A_1295 = tpu.vector_load %arg12[%get3A_1293, %get3A_1294] {strides = array<i32>} : memref<8x128xf32, #tpu.memory_space<vmem>>, vector<1x16xf32>,
    %get3A_1296 = vector.shape_cast %get3A_1295 : vector<1x16xf32> to vector<16xf32>
    %get3A_1297 = arith.constant 4 : i32
    %get3A_1298 = arith.index_cast %get3A_1297 : i32 to index
    %get3A_1299 = arith.constant 0 : index
    %get3A_1300 = tpu.vector_load %arg14[%get3A_1298, %get3A_1299] {strides = array<i32>} : memref<8x128xf32, #tpu.memory_space<vmem>>, vector<1x16xf32>,
    %get3A_1301 = vector.shape_cast %get3A_1300 : vector<1x16xf32> to vector<16xf32>
    %mul3A_1302 = arith.mulf %get3A_1296, %get3A_1301 : vector<16xf32>
    %add3A_1303 = arith.addf %add3A_1291, %mul3A_1302 : vector<16xf32>
    %get3A_1304 = arith.constant 4 : i32
    %get3A_1305 = arith.index_cast %get3A_1304 : i32 to index
    %get3A_1306 = arith.constant 16 : index
    %get3A_1307 = tpu.vector_load %arg11[%get3A_1305, %get3A_1306] {strides = array<i32>} : memref<8x128xf32, #tpu.memory_space<vmem>>, vector<1x16xf32>,
    %get3A_1308 = vector.shape_cast %get3A_1307 : vector<1x16xf32> to vector<16xf32>
    %get3A_1309 = arith.constant 4 : i32
    %get3A_1310 = arith.index_cast %get3A_1309 : i32 to index
    %get3A_1311 = arith.constant 16 : index
    %get3A_1312 = tpu.vector_load %arg13[%get3A_1310, %get3A_1311] {strides = array<i32>} : memref<8x128xf32, #tpu.memory_space<vmem>>, vector<1x16xf32>,
    %get3A_1313 = vector.shape_cast %get3A_1312 : vector<1x16xf32> to vector<16xf32>
    %mul3A_1314 = arith.mulf %get3A_1308, %get3A_1313 : vector<16xf32>
    %add3A_1315 = arith.addf %add3A_1303, %mul3A_1314 : vector<16xf32>
    %get3A_1316 = arith.constant 4 : i32
    %get3A_1317 = arith.index_cast %get3A_1316 : i32 to index
    %get3A_1318 = arith.constant 16 : index
    %get3A_1319 = tpu.vector_load %arg12[%get3A_1317, %get3A_1318] {strides = array<i32>} : memref<8x128xf32, #tpu.memory_space<vmem>>, vector<1x16xf32>,
    %get3A_1320 = vector.shape_cast %get3A_1319 : vector<1x16xf32> to vector<16xf32>
    %get3A_1321 = arith.constant 4 : i32
    %get3A_1322 = arith.index_cast %get3A_1321 : i32 to index
    %get3A_1323 = arith.constant 16 : index
    %get3A_1324 = tpu.vector_load %arg14[%get3A_1322, %get3A_1323] {strides = array<i32>} : memref<8x128xf32, #tpu.memory_space<vmem>>, vector<1x16xf32>,
    %get3A_1325 = vector.shape_cast %get3A_1324 : vector<1x16xf32> to vector<16xf32>
    %mul3A_1326 = arith.mulf %get3A_1320, %get3A_1325 : vector<16xf32>
    %add3A_1327 = arith.addf %add3A_1315, %mul3A_1326 : vector<16xf32>
    %get3A_1328 = arith.constant 4 : i32
    %get3A_1329 = arith.index_cast %get3A_1328 : i32 to index
    %get3A_1330 = arith.constant 32 : index
    %get3A_1331 = tpu.vector_load %arg11[%get3A_1329, %get3A_1330] {strides = array<i32>} : memref<8x128xf32, #tpu.memory_space<vmem>>, vector<1x16xf32>,
    %get3A_1332 = vector.shape_cast %get3A_1331 : vector<1x16xf32> to vector<16xf32>
    %get3A_1333 = arith.constant 4 : i32
    %get3A_1334 = arith.index_cast %get3A_1333 : i32 to index
    %get3A_1335 = arith.constant 32 : index
    %get3A_1336 = tpu.vector_load %arg13[%get3A_1334, %get3A_1335] {strides = array<i32>} : memref<8x128xf32, #tpu.memory_space<vmem>>, vector<1x16xf32>,
    %get3A_1337 = vector.shape_cast %get3A_1336 : vector<1x16xf32> to vector<16xf32>
    %mul3A_1338 = arith.mulf %get3A_1332, %get3A_1337 : vector<16xf32>
    %add3A_1339 = arith.addf %add3A_1327, %mul3A_1338 : vector<16xf32>
    %get3A_1340 = arith.constant 4 : i32
    %get3A_1341 = arith.index_cast %get3A_1340 : i32 to index
    %get3A_1342 = arith.constant 32 : index
    %get3A_1343 = tpu.vector_load %arg12[%get3A_1341, %get3A_1342] {strides = array<i32>} : memref<8x128xf32, #tpu.memory_space<vmem>>, vector<1x16xf32>,
    %get3A_1344 = vector.shape_cast %get3A_1343 : vector<1x16xf32> to vector<16xf32>
    %get3A_1345 = arith.constant 4 : i32
    %get3A_1346 = arith.index_cast %get3A_1345 : i32 to index
    %get3A_1347 = arith.constant 32 : index
    %get3A_1348 = tpu.vector_load %arg14[%get3A_1346, %get3A_1347] {strides = array<i32>} : memref<8x128xf32, #tpu.memory_space<vmem>>, vector<1x16xf32>,
    %get3A_1349 = vector.shape_cast %get3A_1348 : vector<1x16xf32> to vector<16xf32>
    %mul3A_1350 = arith.mulf %get3A_1344, %get3A_1349 : vector<16xf32>
    %add3A_1351 = arith.addf %add3A_1339, %mul3A_1350 : vector<16xf32>
    %get3A_1352 = arith.constant 4 : i32
    %get3A_1353 = arith.index_cast %get3A_1352 : i32 to index
    %get3A_1354 = arith.constant 48 : index
    %get3A_1355 = tpu.vector_load %arg11[%get3A_1353, %get3A_1354] {strides = array<i32>} : memref<8x128xf32, #tpu.memory_space<vmem>>, vector<1x16xf32>,
    %get3A_1356 = vector.shape_cast %get3A_1355 : vector<1x16xf32> to vector<16xf32>
    %get3A_1357 = arith.constant 4 : i32
    %get3A_1358 = arith.index_cast %get3A_1357 : i32 to index
    %get3A_1359 = arith.constant 48 : index
    %get3A_1360 = tpu.vector_load %arg13[%get3A_1358, %get3A_1359] {strides = array<i32>} : memref<8x128xf32, #tpu.memory_space<vmem>>, vector<1x16xf32>,
    %get3A_1361 = vector.shape_cast %get3A_1360 : vector<1x16xf32> to vector<16xf32>
    %mul3A_1362 = arith.mulf %get3A_1356, %get3A_1361 : vector<16xf32>
    %add3A_1363 = arith.addf %add3A_1351, %mul3A_1362 : vector<16xf32>
    %get3A_1364 = arith.constant 4 : i32
    %get3A_1365 = arith.index_cast %get3A_1364 : i32 to index
    %get3A_1366 = arith.constant 48 : index
    %get3A_1367 = tpu.vector_load %arg12[%get3A_1365, %get3A_1366] {strides = array<i32>} : memref<8x128xf32, #tpu.memory_space<vmem>>, vector<1x16xf32>,
    %get3A_1368 = vector.shape_cast %get3A_1367 : vector<1x16xf32> to vector<16xf32>
    %get3A_1369 = arith.constant 4 : i32
    %get3A_1370 = arith.index_cast %get3A_1369 : i32 to index
    %get3A_1371 = arith.constant 48 : index
    %get3A_1372 = tpu.vector_load %arg14[%get3A_1370, %get3A_1371] {strides = array<i32>} : memref<8x128xf32, #tpu.memory_space<vmem>>, vector<1x16xf32>,
    %get3A_1373 = vector.shape_cast %get3A_1372 : vector<1x16xf32> to vector<16xf32>
    %mul3A_1374 = arith.mulf %get3A_1368, %get3A_1373 : vector<16xf32>
    %add3A_1375 = arith.addf %add3A_1363, %mul3A_1374 : vector<16xf32>
    %get3A_1376 = arith.constant 4 : i32
    %get3A_1377 = arith.index_cast %get3A_1376 : i32 to index
    %get3A_1378 = arith.constant 64 : index
    %get3A_1379 = tpu.vector_load %arg11[%get3A_1377, %get3A_1378] {strides = array<i32>} : memref<8x128xf32, #tpu.memory_space<vmem>>, vector<1x16xf32>,
    %get3A_1380 = vector.shape_cast %get3A_1379 : vector<1x16xf32> to vector<16xf32>
    %get3A_1381 = arith.constant 4 : i32
    %get3A_1382 = arith.index_cast %get3A_1381 : i32 to index
    %get3A_1383 = arith.constant 64 : index
    %get3A_1384 = tpu.vector_load %arg13[%get3A_1382, %get3A_1383] {strides = array<i32>} : memref<8x128xf32, #tpu.memory_space<vmem>>, vector<1x16xf32>,
    %get3A_1385 = vector.shape_cast %get3A_1384 : vector<1x16xf32> to vector<16xf32>
    %mul3A_1386 = arith.mulf %get3A_1380, %get3A_1385 : vector<16xf32>
    %add3A_1387 = arith.addf %add3A_1375, %mul3A_1386 : vector<16xf32>
    %get3A_1388 = arith.constant 4 : i32
    %get3A_1389 = arith.index_cast %get3A_1388 : i32 to index
    %get3A_1390 = arith.constant 64 : index
    %get3A_1391 = tpu.vector_load %arg12[%get3A_1389, %get3A_1390] {strides = array<i32>} : memref<8x128xf32, #tpu.memory_space<vmem>>, vector<1x16xf32>,
    %get3A_1392 = vector.shape_cast %get3A_1391 : vector<1x16xf32> to vector<16xf32>
    %get3A_1393 = arith.constant 4 : i32
    %get3A_1394 = arith.index_cast %get3A_1393 : i32 to index
    %get3A_1395 = arith.constant 64 : index
    %get3A_1396 = tpu.vector_load %arg14[%get3A_1394, %get3A_1395] {strides = array<i32>} : memref<8x128xf32, #tpu.memory_space<vmem>>, vector<1x16xf32>,
    %get3A_1397 = vector.shape_cast %get3A_1396 : vector<1x16xf32> to vector<16xf32>
    %mul3A_1398 = arith.mulf %get3A_1392, %get3A_1397 : vector<16xf32>
    %add3A_1399 = arith.addf %add3A_1387, %mul3A_1398 : vector<16xf32>
    %get3A_1400 = arith.constant 4 : i32
    %get3A_1401 = arith.index_cast %get3A_1400 : i32 to index
    %get3A_1402 = arith.constant 80 : index
    %get3A_1403 = tpu.vector_load %arg11[%get3A_1401, %get3A_1402] {strides = array<i32>} : memref<8x128xf32, #tpu.memory_space<vmem>>, vector<1x16xf32>,
    %get3A_1404 = vector.shape_cast %get3A_1403 : vector<1x16xf32> to vector<16xf32>
    %get3A_1405 = arith.constant 4 : i32
    %get3A_1406 = arith.index_cast %get3A_1405 : i32 to index
    %get3A_1407 = arith.constant 80 : index
    %get3A_1408 = tpu.vector_load %arg13[%get3A_1406, %get3A_1407] {strides = array<i32>} : memref<8x128xf32, #tpu.memory_space<vmem>>, vector<1x16xf32>,
    %get3A_1409 = vector.shape_cast %get3A_1408 : vector<1x16xf32> to vector<16xf32>
    %mul3A_1410 = arith.mulf %get3A_1404, %get3A_1409 : vector<16xf32>
    %add3A_1411 = arith.addf %add3A_1399, %mul3A_1410 : vector<16xf32>
    %get3A_1412 = arith.constant 4 : i32
    %get3A_1413 = arith.index_cast %get3A_1412 : i32 to index
    %get3A_1414 = arith.constant 80 : index
    %get3A_1415 = tpu.vector_load %arg12[%get3A_1413, %get3A_1414] {strides = array<i32>} : memref<8x128xf32, #tpu.memory_space<vmem>>, vector<1x16xf32>,
    %get3A_1416 = vector.shape_cast %get3A_1415 : vector<1x16xf32> to vector<16xf32>
    %get3A_1417 = arith.constant 4 : i32
    %get3A_1418 = arith.index_cast %get3A_1417 : i32 to index
    %get3A_1419 = arith.constant 80 : index
    %get3A_1420 = tpu.vector_load %arg14[%get3A_1418, %get3A_1419] {strides = array<i32>} : memref<8x128xf32, #tpu.memory_space<vmem>>, vector<1x16xf32>,
    %get3A_1421 = vector.shape_cast %get3A_1420 : vector<1x16xf32> to vector<16xf32>
    %mul3A_1422 = arith.mulf %get3A_1416, %get3A_1421 : vector<16xf32>
    %add3A_1423 = arith.addf %add3A_1411, %mul3A_1422 : vector<16xf32>
    %get3A_1424 = arith.constant 4 : i32
    %get3A_1425 = arith.index_cast %get3A_1424 : i32 to index
    %get3A_1426 = arith.constant 96 : index
    %get3A_1427 = tpu.vector_load %arg11[%get3A_1425, %get3A_1426] {strides = array<i32>} : memref<8x128xf32, #tpu.memory_space<vmem>>, vector<1x16xf32>,
    %get3A_1428 = vector.shape_cast %get3A_1427 : vector<1x16xf32> to vector<16xf32>
    %get3A_1429 = arith.constant 4 : i32
    %get3A_1430 = arith.index_cast %get3A_1429 : i32 to index
    %get3A_1431 = arith.constant 96 : index
    %get3A_1432 = tpu.vector_load %arg13[%get3A_1430, %get3A_1431] {strides = array<i32>} : memref<8x128xf32, #tpu.memory_space<vmem>>, vector<1x16xf32>,
    %get3A_1433 = vector.shape_cast %get3A_1432 : vector<1x16xf32> to vector<16xf32>
    %mul3A_1434 = arith.mulf %get3A_1428, %get3A_1433 : vector<16xf32>
    %add3A_1435 = arith.addf %add3A_1423, %mul3A_1434 : vector<16xf32>
    %get3A_1436 = arith.constant 4 : i32
    %get3A_1437 = arith.index_cast %get3A_1436 : i32 to index
    %get3A_1438 = arith.constant 96 : index
    %get3A_1439 = tpu.vector_load %arg12[%get3A_1437, %get3A_1438] {strides = array<i32>} : memref<8x128xf32, #tpu.memory_space<vmem>>, vector<1x16xf32>,
    %get3A_1440 = vector.shape_cast %get3A_1439 : vector<1x16xf32> to vector<16xf32>
    %get3A_1441 = arith.constant 4 : i32
    %get3A_1442 = arith.index_cast %get3A_1441 : i32 to index
    %get3A_1443 = arith.constant 96 : index
    %get3A_1444 = tpu.vector_load %arg14[%get3A_1442, %get3A_1443] {strides = array<i32>} : memref<8x128xf32, #tpu.memory_space<vmem>>, vector<1x16xf32>,
    %get3A_1445 = vector.shape_cast %get3A_1444 : vector<1x16xf32> to vector<16xf32>
    %mul3A_1446 = arith.mulf %get3A_1440, %get3A_1445 : vector<16xf32>
    %add3A_1447 = arith.addf %add3A_1435, %mul3A_1446 : vector<16xf32>
    %get3A_1448 = arith.constant 4 : i32
    %get3A_1449 = arith.index_cast %get3A_1448 : i32 to index
    %get3A_1450 = arith.constant 112 : index
    %get3A_1451 = tpu.vector_load %arg11[%get3A_1449, %get3A_1450] {strides = array<i32>} : memref<8x128xf32, #tpu.memory_space<vmem>>, vector<1x16xf32>,
    %get3A_1452 = vector.shape_cast %get3A_1451 : vector<1x16xf32> to vector<16xf32>
    %get3A_1453 = arith.constant 4 : i32
    %get3A_1454 = arith.index_cast %get3A_1453 : i32 to index
    %get3A_1455 = arith.constant 112 : index
    %get3A_1456 = tpu.vector_load %arg13[%get3A_1454, %get3A_1455] {strides = array<i32>} : memref<8x128xf32, #tpu.memory_space<vmem>>, vector<1x16xf32>,
    %get3A_1457 = vector.shape_cast %get3A_1456 : vector<1x16xf32> to vector<16xf32>
    %mul3A_1458 = arith.mulf %get3A_1452, %get3A_1457 : vector<16xf32>
    %add3A_1459 = arith.addf %add3A_1447, %mul3A_1458 : vector<16xf32>
    %get3A_1460 = arith.constant 4 : i32
    %get3A_1461 = arith.index_cast %get3A_1460 : i32 to index
    %get3A_1462 = arith.constant 112 : index
    %get3A_1463 = tpu.vector_load %arg12[%get3A_1461, %get3A_1462] {strides = array<i32>} : memref<8x128xf32, #tpu.memory_space<vmem>>, vector<1x16xf32>,
    %get3A_1464 = vector.shape_cast %get3A_1463 : vector<1x16xf32> to vector<16xf32>
    %get3A_1465 = arith.constant 4 : i32
    %get3A_1466 = arith.index_cast %get3A_1465 : i32 to index
    %get3A_1467 = arith.constant 112 : index
    %get3A_1468 = tpu.vector_load %arg14[%get3A_1466, %get3A_1467] {strides = array<i32>} : memref<8x128xf32, #tpu.memory_space<vmem>>, vector<1x16xf32>,
    %get3A_1469 = vector.shape_cast %get3A_1468 : vector<1x16xf32> to vector<16xf32>
    %mul3A_1470 = arith.mulf %get3A_1464, %get3A_1469 : vector<16xf32>
    %add3A_1471 = arith.addf %add3A_1459, %mul3A_1470 : vector<16xf32>
    %get3A_1472 = arith.constant 5 : i32
    %get3A_1473 = arith.index_cast %get3A_1472 : i32 to index
    %get3A_1474 = arith.constant 0 : index
    %get3A_1475 = tpu.vector_load %arg11[%get3A_1473, %get3A_1474] {strides = array<i32>} : memref<8x128xf32, #tpu.memory_space<vmem>>, vector<1x16xf32>,
    %get3A_1476 = vector.shape_cast %get3A_1475 : vector<1x16xf32> to vector<16xf32>
    %get3A_1477 = arith.constant 5 : i32
    %get3A_1478 = arith.index_cast %get3A_1477 : i32 to index
    %get3A_1479 = arith.constant 0 : index
    %get3A_1480 = tpu.vector_load %arg13[%get3A_1478, %get3A_1479] {strides = array<i32>} : memref<8x128xf32, #tpu.memory_space<vmem>>, vector<1x16xf32>,
    %get3A_1481 = vector.shape_cast %get3A_1480 : vector<1x16xf32> to vector<16xf32>
    %mul3A_1482 = arith.mulf %get3A_1476, %get3A_1481 : vector<16xf32>
    %add3A_1483 = arith.addf %add3A_1471, %mul3A_1482 : vector<16xf32>
    %get3A_1484 = arith.constant 5 : i32
    %get3A_1485 = arith.index_cast %get3A_1484 : i32 to index
    %get3A_1486 = arith.constant 0 : index
    %get3A_1487 = tpu.vector_load %arg12[%get3A_1485, %get3A_1486] {strides = array<i32>} : memref<8x128xf32, #tpu.memory_space<vmem>>, vector<1x16xf32>,
    %get3A_1488 = vector.shape_cast %get3A_1487 : vector<1x16xf32> to vector<16xf32>
    %get3A_1489 = arith.constant 5 : i32
    %get3A_1490 = arith.index_cast %get3A_1489 : i32 to index
    %get3A_1491 = arith.constant 0 : index
    %get3A_1492 = tpu.vector_load %arg14[%get3A_1490, %get3A_1491] {strides = array<i32>} : memref<8x128xf32, #tpu.memory_space<vmem>>, vector<1x16xf32>,
    %get3A_1493 = vector.shape_cast %get3A_1492 : vector<1x16xf32> to vector<16xf32>
    %mul3A_1494 = arith.mulf %get3A_1488, %get3A_1493 : vector<16xf32>
    %add3A_1495 = arith.addf %add3A_1483, %mul3A_1494 : vector<16xf32>
    %get3A_1496 = arith.constant 5 : i32
    %get3A_1497 = arith.index_cast %get3A_1496 : i32 to index
    %get3A_1498 = arith.constant 16 : index
    %get3A_1499 = tpu.vector_load %arg11[%get3A_1497, %get3A_1498] {strides = array<i32>} : memref<8x128xf32, #tpu.memory_space<vmem>>, vector<1x16xf32>,
    %get3A_1500 = vector.shape_cast %get3A_1499 : vector<1x16xf32> to vector<16xf32>
    %get3A_1501 = arith.constant 5 : i32
    %get3A_1502 = arith.index_cast %get3A_1501 : i32 to index
    %get3A_1503 = arith.constant 16 : index
    %get3A_1504 = tpu.vector_load %arg13[%get3A_1502, %get3A_1503] {strides = array<i32>} : memref<8x128xf32, #tpu.memory_space<vmem>>, vector<1x16xf32>,
    %get3A_1505 = vector.shape_cast %get3A_1504 : vector<1x16xf32> to vector<16xf32>
    %mul3A_1506 = arith.mulf %get3A_1500, %get3A_1505 : vector<16xf32>
    %add3A_1507 = arith.addf %add3A_1495, %mul3A_1506 : vector<16xf32>
    %get3A_1508 = arith.constant 5 : i32
    %get3A_1509 = arith.index_cast %get3A_1508 : i32 to index
    %get3A_1510 = arith.constant 16 : index
    %get3A_1511 = tpu.vector_load %arg12[%get3A_1509, %get3A_1510] {strides = array<i32>} : memref<8x128xf32, #tpu.memory_space<vmem>>, vector<1x16xf32>,
    %get3A_1512 = vector.shape_cast %get3A_1511 : vector<1x16xf32> to vector<16xf32>
    %get3A_1513 = arith.constant 5 : i32
    %get3A_1514 = arith.index_cast %get3A_1513 : i32 to index
    %get3A_1515 = arith.constant 16 : index
    %get3A_1516 = tpu.vector_load %arg14[%get3A_1514, %get3A_1515] {strides = array<i32>} : memref<8x128xf32, #tpu.memory_space<vmem>>, vector<1x16xf32>,
    %get3A_1517 = vector.shape_cast %get3A_1516 : vector<1x16xf32> to vector<16xf32>
    %mul3A_1518 = arith.mulf %get3A_1512, %get3A_1517 : vector<16xf32>
    %add3A_1519 = arith.addf %add3A_1507, %mul3A_1518 : vector<16xf32>
    %get3A_1520 = arith.constant 5 : i32
    %get3A_1521 = arith.index_cast %get3A_1520 : i32 to index
    %get3A_1522 = arith.constant 32 : index
    %get3A_1523 = tpu.vector_load %arg11[%get3A_1521, %get3A_1522] {strides = array<i32>} : memref<8x128xf32, #tpu.memory_space<vmem>>, vector<1x16xf32>,
    %get3A_1524 = vector.shape_cast %get3A_1523 : vector<1x16xf32> to vector<16xf32>
    %get3A_1525 = arith.constant 5 : i32
    %get3A_1526 = arith.index_cast %get3A_1525 : i32 to index
    %get3A_1527 = arith.constant 32 : index
    %get3A_1528 = tpu.vector_load %arg13[%get3A_1526, %get3A_1527] {strides = array<i32>} : memref<8x128xf32, #tpu.memory_space<vmem>>, vector<1x16xf32>,
    %get3A_1529 = vector.shape_cast %get3A_1528 : vector<1x16xf32> to vector<16xf32>
    %mul3A_1530 = arith.mulf %get3A_1524, %get3A_1529 : vector<16xf32>
    %add3A_1531 = arith.addf %add3A_1519, %mul3A_1530 : vector<16xf32>
    %get3A_1532 = arith.constant 5 : i32
    %get3A_1533 = arith.index_cast %get3A_1532 : i32 to index
    %get3A_1534 = arith.constant 32 : index
    %get3A_1535 = tpu.vector_load %arg12[%get3A_1533, %get3A_1534] {strides = array<i32>} : memref<8x128xf32, #tpu.memory_space<vmem>>, vector<1x16xf32>,
    %get3A_1536 = vector.shape_cast %get3A_1535 : vector<1x16xf32> to vector<16xf32>
    %get3A_1537 = arith.constant 5 : i32
    %get3A_1538 = arith.index_cast %get3A_1537 : i32 to index
    %get3A_1539 = arith.constant 32 : index
    %get3A_1540 = tpu.vector_load %arg14[%get3A_1538, %get3A_1539] {strides = array<i32>} : memref<8x128xf32, #tpu.memory_space<vmem>>, vector<1x16xf32>,
    %get3A_1541 = vector.shape_cast %get3A_1540 : vector<1x16xf32> to vector<16xf32>
    %mul3A_1542 = arith.mulf %get3A_1536, %get3A_1541 : vector<16xf32>
    %add3A_1543 = arith.addf %add3A_1531, %mul3A_1542 : vector<16xf32>
    %get3A_1544 = arith.constant 5 : i32
    %get3A_1545 = arith.index_cast %get3A_1544 : i32 to index
    %get3A_1546 = arith.constant 48 : index
    %get3A_1547 = tpu.vector_load %arg11[%get3A_1545, %get3A_1546] {strides = array<i32>} : memref<8x128xf32, #tpu.memory_space<vmem>>, vector<1x16xf32>,
    %get3A_1548 = vector.shape_cast %get3A_1547 : vector<1x16xf32> to vector<16xf32>
    %get3A_1549 = arith.constant 5 : i32
    %get3A_1550 = arith.index_cast %get3A_1549 : i32 to index
    %get3A_1551 = arith.constant 48 : index
    %get3A_1552 = tpu.vector_load %arg13[%get3A_1550, %get3A_1551] {strides = array<i32>} : memref<8x128xf32, #tpu.memory_space<vmem>>, vector<1x16xf32>,
    %get3A_1553 = vector.shape_cast %get3A_1552 : vector<1x16xf32> to vector<16xf32>
    %mul3A_1554 = arith.mulf %get3A_1548, %get3A_1553 : vector<16xf32>
    %add3A_1555 = arith.addf %add3A_1543, %mul3A_1554 : vector<16xf32>
    %get3A_1556 = arith.constant 5 : i32
    %get3A_1557 = arith.index_cast %get3A_1556 : i32 to index
    %get3A_1558 = arith.constant 48 : index
    %get3A_1559 = tpu.vector_load %arg12[%get3A_1557, %get3A_1558] {strides = array<i32>} : memref<8x128xf32, #tpu.memory_space<vmem>>, vector<1x16xf32>,
    %get3A_1560 = vector.shape_cast %get3A_1559 : vector<1x16xf32> to vector<16xf32>
    %get3A_1561 = arith.constant 5 : i32
    %get3A_1562 = arith.index_cast %get3A_1561 : i32 to index
    %get3A_1563 = arith.constant 48 : index
    %get3A_1564 = tpu.vector_load %arg14[%get3A_1562, %get3A_1563] {strides = array<i32>} : memref<8x128xf32, #tpu.memory_space<vmem>>, vector<1x16xf32>,
    %get3A_1565 = vector.shape_cast %get3A_1564 : vector<1x16xf32> to vector<16xf32>
    %mul3A_1566 = arith.mulf %get3A_1560, %get3A_1565 : vector<16xf32>
    %add3A_1567 = arith.addf %add3A_1555, %mul3A_1566 : vector<16xf32>
    %get3A_1568 = arith.constant 5 : i32
    %get3A_1569 = arith.index_cast %get3A_1568 : i32 to index
    %get3A_1570 = arith.constant 64 : index
    %get3A_1571 = tpu.vector_load %arg11[%get3A_1569, %get3A_1570] {strides = array<i32>} : memref<8x128xf32, #tpu.memory_space<vmem>>, vector<1x16xf32>,
    %get3A_1572 = vector.shape_cast %get3A_1571 : vector<1x16xf32> to vector<16xf32>
    %get3A_1573 = arith.constant 5 : i32
    %get3A_1574 = arith.index_cast %get3A_1573 : i32 to index
    %get3A_1575 = arith.constant 64 : index
    %get3A_1576 = tpu.vector_load %arg13[%get3A_1574, %get3A_1575] {strides = array<i32>} : memref<8x128xf32, #tpu.memory_space<vmem>>, vector<1x16xf32>,
    %get3A_1577 = vector.shape_cast %get3A_1576 : vector<1x16xf32> to vector<16xf32>
    %mul3A_1578 = arith.mulf %get3A_1572, %get3A_1577 : vector<16xf32>
    %add3A_1579 = arith.addf %add3A_1567, %mul3A_1578 : vector<16xf32>
    %get3A_1580 = arith.constant 5 : i32
    %get3A_1581 = arith.index_cast %get3A_1580 : i32 to index
    %get3A_1582 = arith.constant 64 : index
    %get3A_1583 = tpu.vector_load %arg12[%get3A_1581, %get3A_1582] {strides = array<i32>} : memref<8x128xf32, #tpu.memory_space<vmem>>, vector<1x16xf32>,
    %get3A_1584 = vector.shape_cast %get3A_1583 : vector<1x16xf32> to vector<16xf32>
    %get3A_1585 = arith.constant 5 : i32
    %get3A_1586 = arith.index_cast %get3A_1585 : i32 to index
    %get3A_1587 = arith.constant 64 : index
    %get3A_1588 = tpu.vector_load %arg14[%get3A_1586, %get3A_1587] {strides = array<i32>} : memref<8x128xf32, #tpu.memory_space<vmem>>, vector<1x16xf32>,
    %get3A_1589 = vector.shape_cast %get3A_1588 : vector<1x16xf32> to vector<16xf32>
    %mul3A_1590 = arith.mulf %get3A_1584, %get3A_1589 : vector<16xf32>
    %add3A_1591 = arith.addf %add3A_1579, %mul3A_1590 : vector<16xf32>
    %get3A_1592 = arith.constant 5 : i32
    %get3A_1593 = arith.index_cast %get3A_1592 : i32 to index
    %get3A_1594 = arith.constant 80 : index
    %get3A_1595 = tpu.vector_load %arg11[%get3A_1593, %get3A_1594] {strides = array<i32>} : memref<8x128xf32, #tpu.memory_space<vmem>>, vector<1x16xf32>,
    %get3A_1596 = vector.shape_cast %get3A_1595 : vector<1x16xf32> to vector<16xf32>
    %get3A_1597 = arith.constant 5 : i32
    %get3A_1598 = arith.index_cast %get3A_1597 : i32 to index
    %get3A_1599 = arith.constant 80 : index
    %get3A_1600 = tpu.vector_load %arg13[%get3A_1598, %get3A_1599] {strides = array<i32>} : memref<8x128xf32, #tpu.memory_space<vmem>>, vector<1x16xf32>,
    %get3A_1601 = vector.shape_cast %get3A_1600 : vector<1x16xf32> to vector<16xf32>
    %mul3A_1602 = arith.mulf %get3A_1596, %get3A_1601 : vector<16xf32>
    %add3A_1603 = arith.addf %add3A_1591, %mul3A_1602 : vector<16xf32>
    %get3A_1604 = arith.constant 5 : i32
    %get3A_1605 = arith.index_cast %get3A_1604 : i32 to index
    %get3A_1606 = arith.constant 80 : index
    %get3A_1607 = tpu.vector_load %arg12[%get3A_1605, %get3A_1606] {strides = array<i32>} : memref<8x128xf32, #tpu.memory_space<vmem>>, vector<1x16xf32>,
    %get3A_1608 = vector.shape_cast %get3A_1607 : vector<1x16xf32> to vector<16xf32>
    %get3A_1609 = arith.constant 5 : i32
    %get3A_1610 = arith.index_cast %get3A_1609 : i32 to index
    %get3A_1611 = arith.constant 80 : index
    %get3A_1612 = tpu.vector_load %arg14[%get3A_1610, %get3A_1611] {strides = array<i32>} : memref<8x128xf32, #tpu.memory_space<vmem>>, vector<1x16xf32>,
    %get3A_1613 = vector.shape_cast %get3A_1612 : vector<1x16xf32> to vector<16xf32>
    %mul3A_1614 = arith.mulf %get3A_1608, %get3A_1613 : vector<16xf32>
    %add3A_1615 = arith.addf %add3A_1603, %mul3A_1614 : vector<16xf32>
    %get3A_1616 = arith.constant 5 : i32
    %get3A_1617 = arith.index_cast %get3A_1616 : i32 to index
    %get3A_1618 = arith.constant 96 : index
    %get3A_1619 = tpu.vector_load %arg11[%get3A_1617, %get3A_1618] {strides = array<i32>} : memref<8x128xf32, #tpu.memory_space<vmem>>, vector<1x16xf32>,
    %get3A_1620 = vector.shape_cast %get3A_1619 : vector<1x16xf32> to vector<16xf32>
    %get3A_1621 = arith.constant 5 : i32
    %get3A_1622 = arith.index_cast %get3A_1621 : i32 to index
    %get3A_1623 = arith.constant 96 : index
    %get3A_1624 = tpu.vector_load %arg13[%get3A_1622, %get3A_1623] {strides = array<i32>} : memref<8x128xf32, #tpu.memory_space<vmem>>, vector<1x16xf32>,
    %get3A_1625 = vector.shape_cast %get3A_1624 : vector<1x16xf32> to vector<16xf32>
    %mul3A_1626 = arith.mulf %get3A_1620, %get3A_1625 : vector<16xf32>
    %add3A_1627 = arith.addf %add3A_1615, %mul3A_1626 : vector<16xf32>
    %get3A_1628 = arith.constant 5 : i32
    %get3A_1629 = arith.index_cast %get3A_1628 : i32 to index
    %get3A_1630 = arith.constant 96 : index
    %get3A_1631 = tpu.vector_load %arg12[%get3A_1629, %get3A_1630] {strides = array<i32>} : memref<8x128xf32, #tpu.memory_space<vmem>>, vector<1x16xf32>,
    %get3A_1632 = vector.shape_cast %get3A_1631 : vector<1x16xf32> to vector<16xf32>
    %get3A_1633 = arith.constant 5 : i32
    %get3A_1634 = arith.index_cast %get3A_1633 : i32 to index
    %get3A_1635 = arith.constant 96 : index
    %get3A_1636 = tpu.vector_load %arg14[%get3A_1634, %get3A_1635] {strides = array<i32>} : memref<8x128xf32, #tpu.memory_space<vmem>>, vector<1x16xf32>,
    %get3A_1637 = vector.shape_cast %get3A_1636 : vector<1x16xf32> to vector<16xf32>
    %mul3A_1638 = arith.mulf %get3A_1632, %get3A_1637 : vector<16xf32>
    %add3A_1639 = arith.addf %add3A_1627, %mul3A_1638 : vector<16xf32>
    %get3A_1640 = arith.constant 5 : i32
    %get3A_1641 = arith.index_cast %get3A_1640 : i32 to index
    %get3A_1642 = arith.constant 112 : index
    %get3A_1643 = tpu.vector_load %arg11[%get3A_1641, %get3A_1642] {strides = array<i32>} : memref<8x128xf32, #tpu.memory_space<vmem>>, vector<1x16xf32>,
    %get3A_1644 = vector.shape_cast %get3A_1643 : vector<1x16xf32> to vector<16xf32>
    %get3A_1645 = arith.constant 5 : i32
    %get3A_1646 = arith.index_cast %get3A_1645 : i32 to index
    %get3A_1647 = arith.constant 112 : index
    %get3A_1648 = tpu.vector_load %arg13[%get3A_1646, %get3A_1647] {strides = array<i32>} : memref<8x128xf32, #tpu.memory_space<vmem>>, vector<1x16xf32>,
    %get3A_1649 = vector.shape_cast %get3A_1648 : vector<1x16xf32> to vector<16xf32>
    %mul3A_1650 = arith.mulf %get3A_1644, %get3A_1649 : vector<16xf32>
    %add3A_1651 = arith.addf %add3A_1639, %mul3A_1650 : vector<16xf32>
    %get3A_1652 = arith.constant 5 : i32
    %get3A_1653 = arith.index_cast %get3A_1652 : i32 to index
    %get3A_1654 = arith.constant 112 : index
    %get3A_1655 = tpu.vector_load %arg12[%get3A_1653, %get3A_1654] {strides = array<i32>} : memref<8x128xf32, #tpu.memory_space<vmem>>, vector<1x16xf32>,
    %get3A_1656 = vector.shape_cast %get3A_1655 : vector<1x16xf32> to vector<16xf32>
    %get3A_1657 = arith.constant 5 : i32
    %get3A_1658 = arith.index_cast %get3A_1657 : i32 to index
    %get3A_1659 = arith.constant 112 : index
    %get3A_1660 = tpu.vector_load %arg14[%get3A_1658, %get3A_1659] {strides = array<i32>} : memref<8x128xf32, #tpu.memory_space<vmem>>, vector<1x16xf32>,
    %get3A_1661 = vector.shape_cast %get3A_1660 : vector<1x16xf32> to vector<16xf32>
    %mul3A_1662 = arith.mulf %get3A_1656, %get3A_1661 : vector<16xf32>
    %add3A_1663 = arith.addf %add3A_1651, %mul3A_1662 : vector<16xf32>
    %get3A_1664 = arith.constant 6 : i32
    %get3A_1665 = arith.index_cast %get3A_1664 : i32 to index
    %get3A_1666 = arith.constant 0 : index
    %get3A_1667 = tpu.vector_load %arg11[%get3A_1665, %get3A_1666] {strides = array<i32>} : memref<8x128xf32, #tpu.memory_space<vmem>>, vector<1x16xf32>,
    %get3A_1668 = vector.shape_cast %get3A_1667 : vector<1x16xf32> to vector<16xf32>
    %get3A_1669 = arith.constant 6 : i32
    %get3A_1670 = arith.index_cast %get3A_1669 : i32 to index
    %get3A_1671 = arith.constant 0 : index
    %get3A_1672 = tpu.vector_load %arg13[%get3A_1670, %get3A_1671] {strides = array<i32>} : memref<8x128xf32, #tpu.memory_space<vmem>>, vector<1x16xf32>,
    %get3A_1673 = vector.shape_cast %get3A_1672 : vector<1x16xf32> to vector<16xf32>
    %mul3A_1674 = arith.mulf %get3A_1668, %get3A_1673 : vector<16xf32>
    %add3A_1675 = arith.addf %add3A_1663, %mul3A_1674 : vector<16xf32>
    %get3A_1676 = arith.constant 6 : i32
    %get3A_1677 = arith.index_cast %get3A_1676 : i32 to index
    %get3A_1678 = arith.constant 0 : index
    %get3A_1679 = tpu.vector_load %arg12[%get3A_1677, %get3A_1678] {strides = array<i32>} : memref<8x128xf32, #tpu.memory_space<vmem>>, vector<1x16xf32>,
    %get3A_1680 = vector.shape_cast %get3A_1679 : vector<1x16xf32> to vector<16xf32>
    %get3A_1681 = arith.constant 6 : i32
    %get3A_1682 = arith.index_cast %get3A_1681 : i32 to index
    %get3A_1683 = arith.constant 0 : index
    %get3A_1684 = tpu.vector_load %arg14[%get3A_1682, %get3A_1683] {strides = array<i32>} : memref<8x128xf32, #tpu.memory_space<vmem>>, vector<1x16xf32>,
    %get3A_1685 = vector.shape_cast %get3A_1684 : vector<1x16xf32> to vector<16xf32>
    %mul3A_1686 = arith.mulf %get3A_1680, %get3A_1685 : vector<16xf32>
    %add3A_1687 = arith.addf %add3A_1675, %mul3A_1686 : vector<16xf32>
    %get3A_1688 = arith.constant 6 : i32
    %get3A_1689 = arith.index_cast %get3A_1688 : i32 to index
    %get3A_1690 = arith.constant 16 : index
    %get3A_1691 = tpu.vector_load %arg11[%get3A_1689, %get3A_1690] {strides = array<i32>} : memref<8x128xf32, #tpu.memory_space<vmem>>, vector<1x16xf32>,
    %get3A_1692 = vector.shape_cast %get3A_1691 : vector<1x16xf32> to vector<16xf32>
    %get3A_1693 = arith.constant 6 : i32
    %get3A_1694 = arith.index_cast %get3A_1693 : i32 to index
    %get3A_1695 = arith.constant 16 : index
    %get3A_1696 = tpu.vector_load %arg13[%get3A_1694, %get3A_1695] {strides = array<i32>} : memref<8x128xf32, #tpu.memory_space<vmem>>, vector<1x16xf32>,
    %get3A_1697 = vector.shape_cast %get3A_1696 : vector<1x16xf32> to vector<16xf32>
    %mul3A_1698 = arith.mulf %get3A_1692, %get3A_1697 : vector<16xf32>
    %add3A_1699 = arith.addf %add3A_1687, %mul3A_1698 : vector<16xf32>
    %get3A_1700 = arith.constant 6 : i32
    %get3A_1701 = arith.index_cast %get3A_1700 : i32 to index
    %get3A_1702 = arith.constant 16 : index
    %get3A_1703 = tpu.vector_load %arg12[%get3A_1701, %get3A_1702] {strides = array<i32>} : memref<8x128xf32, #tpu.memory_space<vmem>>, vector<1x16xf32>,
    %get3A_1704 = vector.shape_cast %get3A_1703 : vector<1x16xf32> to vector<16xf32>
    %get3A_1705 = arith.constant 6 : i32
    %get3A_1706 = arith.index_cast %get3A_1705 : i32 to index
    %get3A_1707 = arith.constant 16 : index
    %get3A_1708 = tpu.vector_load %arg14[%get3A_1706, %get3A_1707] {strides = array<i32>} : memref<8x128xf32, #tpu.memory_space<vmem>>, vector<1x16xf32>,
    %get3A_1709 = vector.shape_cast %get3A_1708 : vector<1x16xf32> to vector<16xf32>
    %mul3A_1710 = arith.mulf %get3A_1704, %get3A_1709 : vector<16xf32>
    %add3A_1711 = arith.addf %add3A_1699, %mul3A_1710 : vector<16xf32>
    %get3A_1712 = arith.constant 6 : i32
    %get3A_1713 = arith.index_cast %get3A_1712 : i32 to index
    %get3A_1714 = arith.constant 32 : index
    %get3A_1715 = tpu.vector_load %arg11[%get3A_1713, %get3A_1714] {strides = array<i32>} : memref<8x128xf32, #tpu.memory_space<vmem>>, vector<1x16xf32>,
    %get3A_1716 = vector.shape_cast %get3A_1715 : vector<1x16xf32> to vector<16xf32>
    %get3A_1717 = arith.constant 6 : i32
    %get3A_1718 = arith.index_cast %get3A_1717 : i32 to index
    %get3A_1719 = arith.constant 32 : index
    %get3A_1720 = tpu.vector_load %arg13[%get3A_1718, %get3A_1719] {strides = array<i32>} : memref<8x128xf32, #tpu.memory_space<vmem>>, vector<1x16xf32>,
    %get3A_1721 = vector.shape_cast %get3A_1720 : vector<1x16xf32> to vector<16xf32>
    %mul3A_1722 = arith.mulf %get3A_1716, %get3A_1721 : vector<16xf32>
    %add3A_1723 = arith.addf %add3A_1711, %mul3A_1722 : vector<16xf32>
    %get3A_1724 = arith.constant 6 : i32
    %get3A_1725 = arith.index_cast %get3A_1724 : i32 to index
    %get3A_1726 = arith.constant 32 : index
    %get3A_1727 = tpu.vector_load %arg12[%get3A_1725, %get3A_1726] {strides = array<i32>} : memref<8x128xf32, #tpu.memory_space<vmem>>, vector<1x16xf32>,
    %get3A_1728 = vector.shape_cast %get3A_1727 : vector<1x16xf32> to vector<16xf32>
    %get3A_1729 = arith.constant 6 : i32
    %get3A_1730 = arith.index_cast %get3A_1729 : i32 to index
    %get3A_1731 = arith.constant 32 : index
    %get3A_1732 = tpu.vector_load %arg14[%get3A_1730, %get3A_1731] {strides = array<i32>} : memref<8x128xf32, #tpu.memory_space<vmem>>, vector<1x16xf32>,
    %get3A_1733 = vector.shape_cast %get3A_1732 : vector<1x16xf32> to vector<16xf32>
    %mul3A_1734 = arith.mulf %get3A_1728, %get3A_1733 : vector<16xf32>
    %add3A_1735 = arith.addf %add3A_1723, %mul3A_1734 : vector<16xf32>
    %get3A_1736 = arith.constant 6 : i32
    %get3A_1737 = arith.index_cast %get3A_1736 : i32 to index
    %get3A_1738 = arith.constant 48 : index
    %get3A_1739 = tpu.vector_load %arg11[%get3A_1737, %get3A_1738] {strides = array<i32>} : memref<8x128xf32, #tpu.memory_space<vmem>>, vector<1x16xf32>,
    %get3A_1740 = vector.shape_cast %get3A_1739 : vector<1x16xf32> to vector<16xf32>
    %get3A_1741 = arith.constant 6 : i32
    %get3A_1742 = arith.index_cast %get3A_1741 : i32 to index
    %get3A_1743 = arith.constant 48 : index
    %get3A_1744 = tpu.vector_load %arg13[%get3A_1742, %get3A_1743] {strides = array<i32>} : memref<8x128xf32, #tpu.memory_space<vmem>>, vector<1x16xf32>,
    %get3A_1745 = vector.shape_cast %get3A_1744 : vector<1x16xf32> to vector<16xf32>
    %mul3A_1746 = arith.mulf %get3A_1740, %get3A_1745 : vector<16xf32>
    %add3A_1747 = arith.addf %add3A_1735, %mul3A_1746 : vector<16xf32>
    %get3A_1748 = arith.constant 6 : i32
    %get3A_1749 = arith.index_cast %get3A_1748 : i32 to index
    %get3A_1750 = arith.constant 48 : index
    %get3A_1751 = tpu.vector_load %arg12[%get3A_1749, %get3A_1750] {strides = array<i32>} : memref<8x128xf32, #tpu.memory_space<vmem>>, vector<1x16xf32>,
    %get3A_1752 = vector.shape_cast %get3A_1751 : vector<1x16xf32> to vector<16xf32>
    %get3A_1753 = arith.constant 6 : i32
    %get3A_1754 = arith.index_cast %get3A_1753 : i32 to index
    %get3A_1755 = arith.constant 48 : index
    %get3A_1756 = tpu.vector_load %arg14[%get3A_1754, %get3A_1755] {strides = array<i32>} : memref<8x128xf32, #tpu.memory_space<vmem>>, vector<1x16xf32>,
    %get3A_1757 = vector.shape_cast %get3A_1756 : vector<1x16xf32> to vector<16xf32>
    %mul3A_1758 = arith.mulf %get3A_1752, %get3A_1757 : vector<16xf32>
    %add3A_1759 = arith.addf %add3A_1747, %mul3A_1758 : vector<16xf32>
    %get3A_1760 = arith.constant 6 : i32
    %get3A_1761 = arith.index_cast %get3A_1760 : i32 to index
    %get3A_1762 = arith.constant 64 : index
    %get3A_1763 = tpu.vector_load %arg11[%get3A_1761, %get3A_1762] {strides = array<i32>} : memref<8x128xf32, #tpu.memory_space<vmem>>, vector<1x16xf32>,
    %get3A_1764 = vector.shape_cast %get3A_1763 : vector<1x16xf32> to vector<16xf32>
    %get3A_1765 = arith.constant 6 : i32
    %get3A_1766 = arith.index_cast %get3A_1765 : i32 to index
    %get3A_1767 = arith.constant 64 : index
    %get3A_1768 = tpu.vector_load %arg13[%get3A_1766, %get3A_1767] {strides = array<i32>} : memref<8x128xf32, #tpu.memory_space<vmem>>, vector<1x16xf32>,
    %get3A_1769 = vector.shape_cast %get3A_1768 : vector<1x16xf32> to vector<16xf32>
    %mul3A_1770 = arith.mulf %get3A_1764, %get3A_1769 : vector<16xf32>
    %add3A_1771 = arith.addf %add3A_1759, %mul3A_1770 : vector<16xf32>
    %get3A_1772 = arith.constant 6 : i32
    %get3A_1773 = arith.index_cast %get3A_1772 : i32 to index
    %get3A_1774 = arith.constant 64 : index
    %get3A_1775 = tpu.vector_load %arg12[%get3A_1773, %get3A_1774] {strides = array<i32>} : memref<8x128xf32, #tpu.memory_space<vmem>>, vector<1x16xf32>,
    %get3A_1776 = vector.shape_cast %get3A_1775 : vector<1x16xf32> to vector<16xf32>
    %get3A_1777 = arith.constant 6 : i32
    %get3A_1778 = arith.index_cast %get3A_1777 : i32 to index
    %get3A_1779 = arith.constant 64 : index
    %get3A_1780 = tpu.vector_load %arg14[%get3A_1778, %get3A_1779] {strides = array<i32>} : memref<8x128xf32, #tpu.memory_space<vmem>>, vector<1x16xf32>,
    %get3A_1781 = vector.shape_cast %get3A_1780 : vector<1x16xf32> to vector<16xf32>
    %mul3A_1782 = arith.mulf %get3A_1776, %get3A_1781 : vector<16xf32>
    %add3A_1783 = arith.addf %add3A_1771, %mul3A_1782 : vector<16xf32>
    %get3A_1784 = arith.constant 6 : i32
    %get3A_1785 = arith.index_cast %get3A_1784 : i32 to index
    %get3A_1786 = arith.constant 80 : index
    %get3A_1787 = tpu.vector_load %arg11[%get3A_1785, %get3A_1786] {strides = array<i32>} : memref<8x128xf32, #tpu.memory_space<vmem>>, vector<1x16xf32>,
    %get3A_1788 = vector.shape_cast %get3A_1787 : vector<1x16xf32> to vector<16xf32>
    %get3A_1789 = arith.constant 6 : i32
    %get3A_1790 = arith.index_cast %get3A_1789 : i32 to index
    %get3A_1791 = arith.constant 80 : index
    %get3A_1792 = tpu.vector_load %arg13[%get3A_1790, %get3A_1791] {strides = array<i32>} : memref<8x128xf32, #tpu.memory_space<vmem>>, vector<1x16xf32>,
    %get3A_1793 = vector.shape_cast %get3A_1792 : vector<1x16xf32> to vector<16xf32>
    %mul3A_1794 = arith.mulf %get3A_1788, %get3A_1793 : vector<16xf32>
    %add3A_1795 = arith.addf %add3A_1783, %mul3A_1794 : vector<16xf32>
    %get3A_1796 = arith.constant 6 : i32
    %get3A_1797 = arith.index_cast %get3A_1796 : i32 to index
    %get3A_1798 = arith.constant 80 : index
    %get3A_1799 = tpu.vector_load %arg12[%get3A_1797, %get3A_1798] {strides = array<i32>} : memref<8x128xf32, #tpu.memory_space<vmem>>, vector<1x16xf32>,
    %get3A_1800 = vector.shape_cast %get3A_1799 : vector<1x16xf32> to vector<16xf32>
    %get3A_1801 = arith.constant 6 : i32
    %get3A_1802 = arith.index_cast %get3A_1801 : i32 to index
    %get3A_1803 = arith.constant 80 : index
    %get3A_1804 = tpu.vector_load %arg14[%get3A_1802, %get3A_1803] {strides = array<i32>} : memref<8x128xf32, #tpu.memory_space<vmem>>, vector<1x16xf32>,
    %get3A_1805 = vector.shape_cast %get3A_1804 : vector<1x16xf32> to vector<16xf32>
    %mul3A_1806 = arith.mulf %get3A_1800, %get3A_1805 : vector<16xf32>
    %add3A_1807 = arith.addf %add3A_1795, %mul3A_1806 : vector<16xf32>
    %get3A_1808 = arith.constant 6 : i32
    %get3A_1809 = arith.index_cast %get3A_1808 : i32 to index
    %get3A_1810 = arith.constant 96 : index
    %get3A_1811 = tpu.vector_load %arg11[%get3A_1809, %get3A_1810] {strides = array<i32>} : memref<8x128xf32, #tpu.memory_space<vmem>>, vector<1x16xf32>,
    %get3A_1812 = vector.shape_cast %get3A_1811 : vector<1x16xf32> to vector<16xf32>
    %get3A_1813 = arith.constant 6 : i32
    %get3A_1814 = arith.index_cast %get3A_1813 : i32 to index
    %get3A_1815 = arith.constant 96 : index
    %get3A_1816 = tpu.vector_load %arg13[%get3A_1814, %get3A_1815] {strides = array<i32>} : memref<8x128xf32, #tpu.memory_space<vmem>>, vector<1x16xf32>,
    %get3A_1817 = vector.shape_cast %get3A_1816 : vector<1x16xf32> to vector<16xf32>
    %mul3A_1818 = arith.mulf %get3A_1812, %get3A_1817 : vector<16xf32>
    %add3A_1819 = arith.addf %add3A_1807, %mul3A_1818 : vector<16xf32>
    %get3A_1820 = arith.constant 6 : i32
    %get3A_1821 = arith.index_cast %get3A_1820 : i32 to index
    %get3A_1822 = arith.constant 96 : index
    %get3A_1823 = tpu.vector_load %arg12[%get3A_1821, %get3A_1822] {strides = array<i32>} : memref<8x128xf32, #tpu.memory_space<vmem>>, vector<1x16xf32>,
    %get3A_1824 = vector.shape_cast %get3A_1823 : vector<1x16xf32> to vector<16xf32>
    %get3A_1825 = arith.constant 6 : i32
    %get3A_1826 = arith.index_cast %get3A_1825 : i32 to index
    %get3A_1827 = arith.constant 96 : index
    %get3A_1828 = tpu.vector_load %arg14[%get3A_1826, %get3A_1827] {strides = array<i32>} : memref<8x128xf32, #tpu.memory_space<vmem>>, vector<1x16xf32>,
    %get3A_1829 = vector.shape_cast %get3A_1828 : vector<1x16xf32> to vector<16xf32>
    %mul3A_1830 = arith.mulf %get3A_1824, %get3A_1829 : vector<16xf32>
    %add3A_1831 = arith.addf %add3A_1819, %mul3A_1830 : vector<16xf32>
    %get3A_1832 = arith.constant 6 : i32
    %get3A_1833 = arith.index_cast %get3A_1832 : i32 to index
    %get3A_1834 = arith.constant 112 : index
    %get3A_1835 = tpu.vector_load %arg11[%get3A_1833, %get3A_1834] {strides = array<i32>} : memref<8x128xf32, #tpu.memory_space<vmem>>, vector<1x16xf32>,
    %get3A_1836 = vector.shape_cast %get3A_1835 : vector<1x16xf32> to vector<16xf32>
    %get3A_1837 = arith.constant 6 : i32
    %get3A_1838 = arith.index_cast %get3A_1837 : i32 to index
    %get3A_1839 = arith.constant 112 : index
    %get3A_1840 = tpu.vector_load %arg13[%get3A_1838, %get3A_1839] {strides = array<i32>} : memref<8x128xf32, #tpu.memory_space<vmem>>, vector<1x16xf32>,
    %get3A_1841 = vector.shape_cast %get3A_1840 : vector<1x16xf32> to vector<16xf32>
    %mul3A_1842 = arith.mulf %get3A_1836, %get3A_1841 : vector<16xf32>
    %add3A_1843 = arith.addf %add3A_1831, %mul3A_1842 : vector<16xf32>
    %get3A_1844 = arith.constant 6 : i32
    %get3A_1845 = arith.index_cast %get3A_1844 : i32 to index
    %get3A_1846 = arith.constant 112 : index
    %get3A_1847 = tpu.vector_load %arg12[%get3A_1845, %get3A_1846] {strides = array<i32>} : memref<8x128xf32, #tpu.memory_space<vmem>>, vector<1x16xf32>,
    %get3A_1848 = vector.shape_cast %get3A_1847 : vector<1x16xf32> to vector<16xf32>
    %get3A_1849 = arith.constant 6 : i32
    %get3A_1850 = arith.index_cast %get3A_1849 : i32 to index
    %get3A_1851 = arith.constant 112 : index
    %get3A_1852 = tpu.vector_load %arg14[%get3A_1850, %get3A_1851] {strides = array<i32>} : memref<8x128xf32, #tpu.memory_space<vmem>>, vector<1x16xf32>,
    %get3A_1853 = vector.shape_cast %get3A_1852 : vector<1x16xf32> to vector<16xf32>
    %mul3A_1854 = arith.mulf %get3A_1848, %get3A_1853 : vector<16xf32>
    %add3A_1855 = arith.addf %add3A_1843, %mul3A_1854 : vector<16xf32>
    %get3A_1856 = arith.constant 7 : i32
    %get3A_1857 = arith.index_cast %get3A_1856 : i32 to index
    %get3A_1858 = arith.constant 0 : index
    %get3A_1859 = tpu.vector_load %arg11[%get3A_1857, %get3A_1858] {strides = array<i32>} : memref<8x128xf32, #tpu.memory_space<vmem>>, vector<1x16xf32>,
    %get3A_1860 = vector.shape_cast %get3A_1859 : vector<1x16xf32> to vector<16xf32>
    %get3A_1861 = arith.constant 7 : i32
    %get3A_1862 = arith.index_cast %get3A_1861 : i32 to index
    %get3A_1863 = arith.constant 0 : index
    %get3A_1864 = tpu.vector_load %arg13[%get3A_1862, %get3A_1863] {strides = array<i32>} : memref<8x128xf32, #tpu.memory_space<vmem>>, vector<1x16xf32>,
    %get3A_1865 = vector.shape_cast %get3A_1864 : vector<1x16xf32> to vector<16xf32>
    %mul3A_1866 = arith.mulf %get3A_1860, %get3A_1865 : vector<16xf32>
    %add3A_1867 = arith.addf %add3A_1855, %mul3A_1866 : vector<16xf32>
    %get3A_1868 = arith.constant 7 : i32
    %get3A_1869 = arith.index_cast %get3A_1868 : i32 to index
    %get3A_1870 = arith.constant 0 : index
    %get3A_1871 = tpu.vector_load %arg12[%get3A_1869, %get3A_1870] {strides = array<i32>} : memref<8x128xf32, #tpu.memory_space<vmem>>, vector<1x16xf32>,
    %get3A_1872 = vector.shape_cast %get3A_1871 : vector<1x16xf32> to vector<16xf32>
    %get3A_1873 = arith.constant 7 : i32
    %get3A_1874 = arith.index_cast %get3A_1873 : i32 to index
    %get3A_1875 = arith.constant 0 : index
    %get3A_1876 = tpu.vector_load %arg14[%get3A_1874, %get3A_1875] {strides = array<i32>} : memref<8x128xf32, #tpu.memory_space<vmem>>, vector<1x16xf32>,
    %get3A_1877 = vector.shape_cast %get3A_1876 : vector<1x16xf32> to vector<16xf32>
    %mul3A_1878 = arith.mulf %get3A_1872, %get3A_1877 : vector<16xf32>
    %add3A_1879 = arith.addf %add3A_1867, %mul3A_1878 : vector<16xf32>
    %get3A_1880 = arith.constant 7 : i32
    %get3A_1881 = arith.index_cast %get3A_1880 : i32 to index
    %get3A_1882 = arith.constant 16 : index
    %get3A_1883 = tpu.vector_load %arg11[%get3A_1881, %get3A_1882] {strides = array<i32>} : memref<8x128xf32, #tpu.memory_space<vmem>>, vector<1x16xf32>,
    %get3A_1884 = vector.shape_cast %get3A_1883 : vector<1x16xf32> to vector<16xf32>
    %get3A_1885 = arith.constant 7 : i32
    %get3A_1886 = arith.index_cast %get3A_1885 : i32 to index
    %get3A_1887 = arith.constant 16 : index
    %get3A_1888 = tpu.vector_load %arg13[%get3A_1886, %get3A_1887] {strides = array<i32>} : memref<8x128xf32, #tpu.memory_space<vmem>>, vector<1x16xf32>,
    %get3A_1889 = vector.shape_cast %get3A_1888 : vector<1x16xf32> to vector<16xf32>
    %mul3A_1890 = arith.mulf %get3A_1884, %get3A_1889 : vector<16xf32>
    %add3A_1891 = arith.addf %add3A_1879, %mul3A_1890 : vector<16xf32>
    %get3A_1892 = arith.constant 7 : i32
    %get3A_1893 = arith.index_cast %get3A_1892 : i32 to index
    %get3A_1894 = arith.constant 16 : index
    %get3A_1895 = tpu.vector_load %arg12[%get3A_1893, %get3A_1894] {strides = array<i32>} : memref<8x128xf32, #tpu.memory_space<vmem>>, vector<1x16xf32>,
    %get3A_1896 = vector.shape_cast %get3A_1895 : vector<1x16xf32> to vector<16xf32>
    %get3A_1897 = arith.constant 7 : i32
    %get3A_1898 = arith.index_cast %get3A_1897 : i32 to index
    %get3A_1899 = arith.constant 16 : index
    %get3A_1900 = tpu.vector_load %arg14[%get3A_1898, %get3A_1899] {strides = array<i32>} : memref<8x128xf32, #tpu.memory_space<vmem>>, vector<1x16xf32>,
    %get3A_1901 = vector.shape_cast %get3A_1900 : vector<1x16xf32> to vector<16xf32>
    %mul3A_1902 = arith.mulf %get3A_1896, %get3A_1901 : vector<16xf32>
    %add3A_1903 = arith.addf %add3A_1891, %mul3A_1902 : vector<16xf32>
    %get3A_1904 = arith.constant 7 : i32
    %get3A_1905 = arith.index_cast %get3A_1904 : i32 to index
    %get3A_1906 = arith.constant 32 : index
    %get3A_1907 = tpu.vector_load %arg11[%get3A_1905, %get3A_1906] {strides = array<i32>} : memref<8x128xf32, #tpu.memory_space<vmem>>, vector<1x16xf32>,
    %get3A_1908 = vector.shape_cast %get3A_1907 : vector<1x16xf32> to vector<16xf32>
    %get3A_1909 = arith.constant 7 : i32
    %get3A_1910 = arith.index_cast %get3A_1909 : i32 to index
    %get3A_1911 = arith.constant 32 : index
    %get3A_1912 = tpu.vector_load %arg13[%get3A_1910, %get3A_1911] {strides = array<i32>} : memref<8x128xf32, #tpu.memory_space<vmem>>, vector<1x16xf32>,
    %get3A_1913 = vector.shape_cast %get3A_1912 : vector<1x16xf32> to vector<16xf32>
    %mul3A_1914 = arith.mulf %get3A_1908, %get3A_1913 : vector<16xf32>
    %add3A_1915 = arith.addf %add3A_1903, %mul3A_1914 : vector<16xf32>
    %get3A_1916 = arith.constant 7 : i32
    %get3A_1917 = arith.index_cast %get3A_1916 : i32 to index
    %get3A_1918 = arith.constant 32 : index
    %get3A_1919 = tpu.vector_load %arg12[%get3A_1917, %get3A_1918] {strides = array<i32>} : memref<8x128xf32, #tpu.memory_space<vmem>>, vector<1x16xf32>,
    %get3A_1920 = vector.shape_cast %get3A_1919 : vector<1x16xf32> to vector<16xf32>
    %get3A_1921 = arith.constant 7 : i32
    %get3A_1922 = arith.index_cast %get3A_1921 : i32 to index
    %get3A_1923 = arith.constant 32 : index
    %get3A_1924 = tpu.vector_load %arg14[%get3A_1922, %get3A_1923] {strides = array<i32>} : memref<8x128xf32, #tpu.memory_space<vmem>>, vector<1x16xf32>,
    %get3A_1925 = vector.shape_cast %get3A_1924 : vector<1x16xf32> to vector<16xf32>
    %mul3A_1926 = arith.mulf %get3A_1920, %get3A_1925 : vector<16xf32>
    %add3A_1927 = arith.addf %add3A_1915, %mul3A_1926 : vector<16xf32>
    %get3A_1928 = arith.constant 7 : i32
    %get3A_1929 = arith.index_cast %get3A_1928 : i32 to index
    %get3A_1930 = arith.constant 48 : index
    %get3A_1931 = tpu.vector_load %arg11[%get3A_1929, %get3A_1930] {strides = array<i32>} : memref<8x128xf32, #tpu.memory_space<vmem>>, vector<1x16xf32>,
    %get3A_1932 = vector.shape_cast %get3A_1931 : vector<1x16xf32> to vector<16xf32>
    %get3A_1933 = arith.constant 7 : i32
    %get3A_1934 = arith.index_cast %get3A_1933 : i32 to index
    %get3A_1935 = arith.constant 48 : index
    %get3A_1936 = tpu.vector_load %arg13[%get3A_1934, %get3A_1935] {strides = array<i32>} : memref<8x128xf32, #tpu.memory_space<vmem>>, vector<1x16xf32>,
    %get3A_1937 = vector.shape_cast %get3A_1936 : vector<1x16xf32> to vector<16xf32>
    %mul3A_1938 = arith.mulf %get3A_1932, %get3A_1937 : vector<16xf32>
    %add3A_1939 = arith.addf %add3A_1927, %mul3A_1938 : vector<16xf32>
    %get3A_1940 = arith.constant 7 : i32
    %get3A_1941 = arith.index_cast %get3A_1940 : i32 to index
    %get3A_1942 = arith.constant 48 : index
    %get3A_1943 = tpu.vector_load %arg12[%get3A_1941, %get3A_1942] {strides = array<i32>} : memref<8x128xf32, #tpu.memory_space<vmem>>, vector<1x16xf32>,
    %get3A_1944 = vector.shape_cast %get3A_1943 : vector<1x16xf32> to vector<16xf32>
    %get3A_1945 = arith.constant 7 : i32
    %get3A_1946 = arith.index_cast %get3A_1945 : i32 to index
    %get3A_1947 = arith.constant 48 : index
    %get3A_1948 = tpu.vector_load %arg14[%get3A_1946, %get3A_1947] {strides = array<i32>} : memref<8x128xf32, #tpu.memory_space<vmem>>, vector<1x16xf32>,
    %get3A_1949 = vector.shape_cast %get3A_1948 : vector<1x16xf32> to vector<16xf32>
    %mul3A_1950 = arith.mulf %get3A_1944, %get3A_1949 : vector<16xf32>
    %add3A_1951 = arith.addf %add3A_1939, %mul3A_1950 : vector<16xf32>
    %get3A_1952 = arith.constant 7 : i32
    %get3A_1953 = arith.index_cast %get3A_1952 : i32 to index
    %get3A_1954 = arith.constant 64 : index
    %get3A_1955 = tpu.vector_load %arg11[%get3A_1953, %get3A_1954] {strides = array<i32>} : memref<8x128xf32, #tpu.memory_space<vmem>>, vector<1x16xf32>,
    %get3A_1956 = vector.shape_cast %get3A_1955 : vector<1x16xf32> to vector<16xf32>
    %get3A_1957 = arith.constant 7 : i32
    %get3A_1958 = arith.index_cast %get3A_1957 : i32 to index
    %get3A_1959 = arith.constant 64 : index
    %get3A_1960 = tpu.vector_load %arg13[%get3A_1958, %get3A_1959] {strides = array<i32>} : memref<8x128xf32, #tpu.memory_space<vmem>>, vector<1x16xf32>,
    %get3A_1961 = vector.shape_cast %get3A_1960 : vector<1x16xf32> to vector<16xf32>
    %mul3A_1962 = arith.mulf %get3A_1956, %get3A_1961 : vector<16xf32>
    %add3A_1963 = arith.addf %add3A_1951, %mul3A_1962 : vector<16xf32>
    %get3A_1964 = arith.constant 7 : i32
    %get3A_1965 = arith.index_cast %get3A_1964 : i32 to index
    %get3A_1966 = arith.constant 64 : index
    %get3A_1967 = tpu.vector_load %arg12[%get3A_1965, %get3A_1966] {strides = array<i32>} : memref<8x128xf32, #tpu.memory_space<vmem>>, vector<1x16xf32>,
    %get3A_1968 = vector.shape_cast %get3A_1967 : vector<1x16xf32> to vector<16xf32>
    %get3A_1969 = arith.constant 7 : i32
    %get3A_1970 = arith.index_cast %get3A_1969 : i32 to index
    %get3A_1971 = arith.constant 64 : index
    %get3A_1972 = tpu.vector_load %arg14[%get3A_1970, %get3A_1971] {strides = array<i32>} : memref<8x128xf32, #tpu.memory_space<vmem>>, vector<1x16xf32>,
    %get3A_1973 = vector.shape_cast %get3A_1972 : vector<1x16xf32> to vector<16xf32>
    %mul3A_1974 = arith.mulf %get3A_1968, %get3A_1973 : vector<16xf32>
    %add3A_1975 = arith.addf %add3A_1963, %mul3A_1974 : vector<16xf32>
    %get3A_1976 = arith.constant 7 : i32
    %get3A_1977 = arith.index_cast %get3A_1976 : i32 to index
    %get3A_1978 = arith.constant 80 : index
    %get3A_1979 = tpu.vector_load %arg11[%get3A_1977, %get3A_1978] {strides = array<i32>} : memref<8x128xf32, #tpu.memory_space<vmem>>, vector<1x16xf32>,
    %get3A_1980 = vector.shape_cast %get3A_1979 : vector<1x16xf32> to vector<16xf32>
    %get3A_1981 = arith.constant 7 : i32
    %get3A_1982 = arith.index_cast %get3A_1981 : i32 to index
    %get3A_1983 = arith.constant 80 : index
    %get3A_1984 = tpu.vector_load %arg13[%get3A_1982, %get3A_1983] {strides = array<i32>} : memref<8x128xf32, #tpu.memory_space<vmem>>, vector<1x16xf32>,
    %get3A_1985 = vector.shape_cast %get3A_1984 : vector<1x16xf32> to vector<16xf32>
    %mul3A_1986 = arith.mulf %get3A_1980, %get3A_1985 : vector<16xf32>
    %add3A_1987 = arith.addf %add3A_1975, %mul3A_1986 : vector<16xf32>
    %get3A_1988 = arith.constant 7 : i32
    %get3A_1989 = arith.index_cast %get3A_1988 : i32 to index
    %get3A_1990 = arith.constant 80 : index
    %get3A_1991 = tpu.vector_load %arg12[%get3A_1989, %get3A_1990] {strides = array<i32>} : memref<8x128xf32, #tpu.memory_space<vmem>>, vector<1x16xf32>,
    %get3A_1992 = vector.shape_cast %get3A_1991 : vector<1x16xf32> to vector<16xf32>
    %get3A_1993 = arith.constant 7 : i32
    %get3A_1994 = arith.index_cast %get3A_1993 : i32 to index
    %get3A_1995 = arith.constant 80 : index
    %get3A_1996 = tpu.vector_load %arg14[%get3A_1994, %get3A_1995] {strides = array<i32>} : memref<8x128xf32, #tpu.memory_space<vmem>>, vector<1x16xf32>,
    %get3A_1997 = vector.shape_cast %get3A_1996 : vector<1x16xf32> to vector<16xf32>
    %mul3A_1998 = arith.mulf %get3A_1992, %get3A_1997 : vector<16xf32>
    %add3A_1999 = arith.addf %add3A_1987, %mul3A_1998 : vector<16xf32>
    %get3A_2000 = arith.constant 7 : i32
    %get3A_2001 = arith.index_cast %get3A_2000 : i32 to index
    %get3A_2002 = arith.constant 96 : index
    %get3A_2003 = tpu.vector_load %arg11[%get3A_2001, %get3A_2002] {strides = array<i32>} : memref<8x128xf32, #tpu.memory_space<vmem>>, vector<1x16xf32>,
    %get3A_2004 = vector.shape_cast %get3A_2003 : vector<1x16xf32> to vector<16xf32>
    %get3A_2005 = arith.constant 7 : i32
    %get3A_2006 = arith.index_cast %get3A_2005 : i32 to index
    %get3A_2007 = arith.constant 96 : index
    %get3A_2008 = tpu.vector_load %arg13[%get3A_2006, %get3A_2007] {strides = array<i32>} : memref<8x128xf32, #tpu.memory_space<vmem>>, vector<1x16xf32>,
    %get3A_2009 = vector.shape_cast %get3A_2008 : vector<1x16xf32> to vector<16xf32>
    %mul3A_2010 = arith.mulf %get3A_2004, %get3A_2009 : vector<16xf32>
    %add3A_2011 = arith.addf %add3A_1999, %mul3A_2010 : vector<16xf32>
    %get3A_2012 = arith.constant 7 : i32
    %get3A_2013 = arith.index_cast %get3A_2012 : i32 to index
    %get3A_2014 = arith.constant 96 : index
    %get3A_2015 = tpu.vector_load %arg12[%get3A_2013, %get3A_2014] {strides = array<i32>} : memref<8x128xf32, #tpu.memory_space<vmem>>, vector<1x16xf32>,
    %get3A_2016 = vector.shape_cast %get3A_2015 : vector<1x16xf32> to vector<16xf32>
    %get3A_2017 = arith.constant 7 : i32
    %get3A_2018 = arith.index_cast %get3A_2017 : i32 to index
    %get3A_2019 = arith.constant 96 : index
    %get3A_2020 = tpu.vector_load %arg14[%get3A_2018, %get3A_2019] {strides = array<i32>} : memref<8x128xf32, #tpu.memory_space<vmem>>, vector<1x16xf32>,
    %get3A_2021 = vector.shape_cast %get3A_2020 : vector<1x16xf32> to vector<16xf32>
    %mul3A_2022 = arith.mulf %get3A_2016, %get3A_2021 : vector<16xf32>
    %add3A_2023 = arith.addf %add3A_2011, %mul3A_2022 : vector<16xf32>
    %get3A_2024 = arith.constant 7 : i32
    %get3A_2025 = arith.index_cast %get3A_2024 : i32 to index
    %get3A_2026 = arith.constant 112 : index
    %get3A_2027 = tpu.vector_load %arg11[%get3A_2025, %get3A_2026] {strides = array<i32>} : memref<8x128xf32, #tpu.memory_space<vmem>>, vector<1x16xf32>,
    %get3A_2028 = vector.shape_cast %get3A_2027 : vector<1x16xf32> to vector<16xf32>
    %get3A_2029 = arith.constant 7 : i32
    %get3A_2030 = arith.index_cast %get3A_2029 : i32 to index
    %get3A_2031 = arith.constant 112 : index
    %get3A_2032 = tpu.vector_load %arg13[%get3A_2030, %get3A_2031] {strides = array<i32>} : memref<8x128xf32, #tpu.memory_space<vmem>>, vector<1x16xf32>,
    %get3A_2033 = vector.shape_cast %get3A_2032 : vector<1x16xf32> to vector<16xf32>
    %mul3A_2034 = arith.mulf %get3A_2028, %get3A_2033 : vector<16xf32>
    %add3A_2035 = arith.addf %add3A_2023, %mul3A_2034 : vector<16xf32>
    %get3A_2036 = arith.constant 7 : i32
    %get3A_2037 = arith.index_cast %get3A_2036 : i32 to index
    %get3A_2038 = arith.constant 112 : index
    %get3A_2039 = tpu.vector_load %arg12[%get3A_2037, %get3A_2038] {strides = array<i32>} : memref<8x128xf32, #tpu.memory_space<vmem>>, vector<1x16xf32>,
    %get3A_2040 = vector.shape_cast %get3A_2039 : vector<1x16xf32> to vector<16xf32>
    %get3A_2041 = arith.constant 7 : i32
    %get3A_2042 = arith.index_cast %get3A_2041 : i32 to index
    %get3A_2043 = arith.constant 112 : index
    %get3A_2044 = tpu.vector_load %arg14[%get3A_2042, %get3A_2043] {strides = array<i32>} : memref<8x128xf32, #tpu.memory_space<vmem>>, vector<1x16xf32>,
    %get3A_2045 = vector.shape_cast %get3A_2044 : vector<1x16xf32> to vector<16xf32>
    %mul3A_2046 = arith.mulf %get3A_2040, %get3A_2045 : vector<16xf32>
    %add3A_2047 = arith.addf %add3A_2035, %mul3A_2046 : vector<16xf32>
    %swap3A = arith.constant 0 : index
    %swap3A_2048 = tpu.vector_load %arg15[%swap3A] {strides = array<i32>} : memref<16xf32, #tpu.memory_space<vmem>>, vector<16xf32>,
    %swap3A_2049 = vector.shape_cast %swap3A_2048 : vector<16xf32> to vector<16xf32>
    %swap3A_2050 = vector.shape_cast %add3A_2047 : vector<16xf32> to vector<16xf32>
    tpu.vector_store %arg15[%swap3A], %swap3A_2050 {strides = array<i32>} : memref<16xf32, #tpu.memory_space<vmem>>, vector<16xf32>,
    %mul3A_2051 = arith.constant 16 : i32
    %mul3A_2052 = arith.muli %arg1, %mul3A_2051 : i32
    "tpu.region"() ({
      %run_scoped3A = tpu.sem_alloc : memref<!tpu.dma_semaphore, #tpu.memory_space<semaphore_mem>>
      %dma_start3A_2055 = tpu.memref_slice %arg8[%mul3A_2052] : memref<272xf32, #tpu.memory_space<hbm>> -> memref<16xf32, #tpu.memory_space<hbm>>
      %dma_start3A_2056 = tpu.memref_slice %arg8[%mul3A_2052] : memref<272xf32, #tpu.memory_space<hbm>> -> memref<16xf32, #tpu.memory_space<hbm>>
      tpu.enqueue_dma source(%arg15 : memref<16xf32, #tpu.memory_space<vmem>>) target(%dma_start3A_2056 : memref<16xf32, #tpu.memory_space<hbm>>) target_semaphore(%run_scoped3A : memref<!tpu.dma_semaphore, #tpu.memory_space<semaphore_mem>>)
      %dma_wait3A_2057 = tpu.memref_slice %arg8[%mul3A_2052] : memref<272xf32, #tpu.memory_space<hbm>> -> memref<16xf32, #tpu.memory_space<hbm>>
      %dma_wait3A_2058 = tpu.memref_slice %arg8[%mul3A_2052] : memref<272xf32, #tpu.memory_space<hbm>> -> memref<16xf32, #tpu.memory_space<hbm>>
      tpu.wait_dma2 semaphore(%run_scoped3A : memref<!tpu.dma_semaphore, #tpu.memory_space<semaphore_mem>>) src(%arg15 : memref<16xf32, #tpu.memory_space<vmem>>) dst(%dma_wait3A_2058 : memref<16xf32, #tpu.memory_space<hbm>>)
      tpu.yield
    }) : () -> ()
    %barrier3A = arith.constant 0 : index
    tpu.barrier barrier_id(%barrier3A)
    %eq3A = arith.constant 0 : i32
    %eq3A_2053 = arith.cmpi eq, %arg1, %eq3A : i32
    %convert_element_type3A = arith.extui %eq3A_2053 : i1 to i32
    %cond3A = arith.constant 0 : i32
    %cond3A_2054 = arith.cmpi ne, %convert_element_type3A, %cond3A : i32
    scf.if %cond3A_2054 {
      "tpu.region"() ({
        %run_scoped3A = tpu.sem_alloc : memref<!tpu.dma_semaphore, #tpu.memory_space<semaphore_mem>>
        %dma_start3A_2171 = arith.constant 0 : i32
        %dma_start3A_2172 = tpu.memref_slice %arg8[%dma_start3A_2171] : memref<272xf32, #tpu.memory_space<hbm>> -> memref<256xf32, #tpu.memory_space<hbm>>
        %dma_start3A_2173 = arith.constant 0 : i32
        %dma_start3A_2174 = tpu.memref_slice %arg8[%dma_start3A_2173] : memref<272xf32, #tpu.memory_space<hbm>> -> memref<256xf32, #tpu.memory_space<hbm>>
        tpu.enqueue_dma source(%dma_start3A_2174 : memref<256xf32, #tpu.memory_space<hbm>>) target(%arg16 : memref<256xf32, #tpu.memory_space<vmem>>) target_semaphore(%run_scoped3A : memref<!tpu.dma_semaphore, #tpu.memory_space<semaphore_mem>>)
        %dma_wait3A_2175 = arith.constant 0 : i32
        %dma_wait3A_2176 = tpu.memref_slice %arg8[%dma_wait3A_2175] : memref<272xf32, #tpu.memory_space<hbm>> -> memref<256xf32, #tpu.memory_space<hbm>>
        %dma_wait3A_2177 = arith.constant 0 : i32
        %dma_wait3A_2178 = tpu.memref_slice %arg8[%dma_wait3A_2177] : memref<272xf32, #tpu.memory_space<hbm>> -> memref<256xf32, #tpu.memory_space<hbm>>
        tpu.wait_dma2 semaphore(%run_scoped3A : memref<!tpu.dma_semaphore, #tpu.memory_space<semaphore_mem>>) src(%dma_wait3A_2178 : memref<256xf32, #tpu.memory_space<hbm>>) dst(%arg16 : memref<256xf32, #tpu.memory_space<vmem>>)
        tpu.yield
      }) : () -> ()
      %broadcast_in_dim3A_2055 = arith.constant 0.000000e+00 : f32
      %broadcast_in_dim3A_2056 = vector.broadcast %broadcast_in_dim3A_2055 : f32 to vector<16xf32>
      %get3A_2057 = arith.constant 0 : index
      %get3A_2058 = tpu.vector_load %arg16[%get3A_2057] {strides = array<i32>} : memref<256xf32, #tpu.memory_space<vmem>>, vector<16xf32>,
      %get3A_2059 = vector.shape_cast %get3A_2058 : vector<16xf32> to vector<16xf32>
      %add3A_2060 = arith.addf %broadcast_in_dim3A_2056, %get3A_2059 : vector<16xf32>
      %get3A_2061 = arith.constant 16 : index
      %get3A_2062 = tpu.vector_load %arg16[%get3A_2061] {strides = array<i32>} : memref<256xf32, #tpu.memory_space<vmem>>, vector<16xf32>,
      %get3A_2063 = vector.shape_cast %get3A_2062 : vector<16xf32> to vector<16xf32>
      %add3A_2064 = arith.addf %add3A_2060, %get3A_2063 : vector<16xf32>
      %get3A_2065 = arith.constant 32 : index
      %get3A_2066 = tpu.vector_load %arg16[%get3A_2065] {strides = array<i32>} : memref<256xf32, #tpu.memory_space<vmem>>, vector<16xf32>,
      %get3A_2067 = vector.shape_cast %get3A_2066 : vector<16xf32> to vector<16xf32>
      %add3A_2068 = arith.addf %add3A_2064, %get3A_2067 : vector<16xf32>
      %get3A_2069 = arith.constant 48 : index
      %get3A_2070 = tpu.vector_load %arg16[%get3A_2069] {strides = array<i32>} : memref<256xf32, #tpu.memory_space<vmem>>, vector<16xf32>,
      %get3A_2071 = vector.shape_cast %get3A_2070 : vector<16xf32> to vector<16xf32>
      %add3A_2072 = arith.addf %add3A_2068, %get3A_2071 : vector<16xf32>
      %get3A_2073 = arith.constant 64 : index
      %get3A_2074 = tpu.vector_load %arg16[%get3A_2073] {strides = array<i32>} : memref<256xf32, #tpu.memory_space<vmem>>, vector<16xf32>,
      %get3A_2075 = vector.shape_cast %get3A_2074 : vector<16xf32> to vector<16xf32>
      %add3A_2076 = arith.addf %add3A_2072, %get3A_2075 : vector<16xf32>
      %get3A_2077 = arith.constant 80 : index
      %get3A_2078 = tpu.vector_load %arg16[%get3A_2077] {strides = array<i32>} : memref<256xf32, #tpu.memory_space<vmem>>, vector<16xf32>,
      %get3A_2079 = vector.shape_cast %get3A_2078 : vector<16xf32> to vector<16xf32>
      %add3A_2080 = arith.addf %add3A_2076, %get3A_2079 : vector<16xf32>
      %get3A_2081 = arith.constant 96 : index
      %get3A_2082 = tpu.vector_load %arg16[%get3A_2081] {strides = array<i32>} : memref<256xf32, #tpu.memory_space<vmem>>, vector<16xf32>,
      %get3A_2083 = vector.shape_cast %get3A_2082 : vector<16xf32> to vector<16xf32>
      %add3A_2084 = arith.addf %add3A_2080, %get3A_2083 : vector<16xf32>
      %get3A_2085 = arith.constant 112 : index
      %get3A_2086 = tpu.vector_load %arg16[%get3A_2085] {strides = array<i32>} : memref<256xf32, #tpu.memory_space<vmem>>, vector<16xf32>,
      %get3A_2087 = vector.shape_cast %get3A_2086 : vector<16xf32> to vector<16xf32>
      %add3A_2088 = arith.addf %add3A_2084, %get3A_2087 : vector<16xf32>
      %get3A_2089 = arith.constant 128 : index
      %get3A_2090 = tpu.vector_load %arg16[%get3A_2089] {strides = array<i32>} : memref<256xf32, #tpu.memory_space<vmem>>, vector<16xf32>,
      %get3A_2091 = vector.shape_cast %get3A_2090 : vector<16xf32> to vector<16xf32>
      %add3A_2092 = arith.addf %add3A_2088, %get3A_2091 : vector<16xf32>
      %get3A_2093 = arith.constant 144 : index
      %get3A_2094 = tpu.vector_load %arg16[%get3A_2093] {strides = array<i32>} : memref<256xf32, #tpu.memory_space<vmem>>, vector<16xf32>,
      %get3A_2095 = vector.shape_cast %get3A_2094 : vector<16xf32> to vector<16xf32>
      %add3A_2096 = arith.addf %add3A_2092, %get3A_2095 : vector<16xf32>
      %get3A_2097 = arith.constant 160 : index
      %get3A_2098 = tpu.vector_load %arg16[%get3A_2097] {strides = array<i32>} : memref<256xf32, #tpu.memory_space<vmem>>, vector<16xf32>,
      %get3A_2099 = vector.shape_cast %get3A_2098 : vector<16xf32> to vector<16xf32>
      %add3A_2100 = arith.addf %add3A_2096, %get3A_2099 : vector<16xf32>
      %get3A_2101 = arith.constant 176 : index
      %get3A_2102 = tpu.vector_load %arg16[%get3A_2101] {strides = array<i32>} : memref<256xf32, #tpu.memory_space<vmem>>, vector<16xf32>,
      %get3A_2103 = vector.shape_cast %get3A_2102 : vector<16xf32> to vector<16xf32>
      %add3A_2104 = arith.addf %add3A_2100, %get3A_2103 : vector<16xf32>
      %get3A_2105 = arith.constant 192 : index
      %get3A_2106 = tpu.vector_load %arg16[%get3A_2105] {strides = array<i32>} : memref<256xf32, #tpu.memory_space<vmem>>, vector<16xf32>,
      %get3A_2107 = vector.shape_cast %get3A_2106 : vector<16xf32> to vector<16xf32>
      %add3A_2108 = arith.addf %add3A_2104, %get3A_2107 : vector<16xf32>
      %get3A_2109 = arith.constant 208 : index
      %get3A_2110 = tpu.vector_load %arg16[%get3A_2109] {strides = array<i32>} : memref<256xf32, #tpu.memory_space<vmem>>, vector<16xf32>,
      %get3A_2111 = vector.shape_cast %get3A_2110 : vector<16xf32> to vector<16xf32>
      %add3A_2112 = arith.addf %add3A_2108, %get3A_2111 : vector<16xf32>
      %get3A_2113 = arith.constant 224 : index
      %get3A_2114 = tpu.vector_load %arg16[%get3A_2113] {strides = array<i32>} : memref<256xf32, #tpu.memory_space<vmem>>, vector<16xf32>,
      %get3A_2115 = vector.shape_cast %get3A_2114 : vector<16xf32> to vector<16xf32>
      %add3A_2116 = arith.addf %add3A_2112, %get3A_2115 : vector<16xf32>
      %get3A_2117 = arith.constant 240 : index
      %get3A_2118 = tpu.vector_load %arg16[%get3A_2117] {strides = array<i32>} : memref<256xf32, #tpu.memory_space<vmem>>, vector<16xf32>,
      %get3A_2119 = vector.shape_cast %get3A_2118 : vector<16xf32> to vector<16xf32>
      %add3A_2120 = arith.addf %add3A_2116, %get3A_2119 : vector<16xf32>
      %slice3A = vector.extract_strided_slice %add3A_2120 {offsets = [0], sizes = [1], strides = [1]} : vector<16xf32> to vector<1xf32>
      %squeeze3A = vector.extract %slice3A[0] : f32 from vector<1xf32>
      %slice3A_2121 = vector.extract_strided_slice %add3A_2120 {offsets = [1], sizes = [1], strides = [1]} : vector<16xf32> to vector<1xf32>
      %squeeze3A_2122 = vector.extract %slice3A_2121[0] : f32 from vector<1xf32>
      %add3A_2123 = arith.addf %squeeze3A, %squeeze3A_2122 : f32
      %slice3A_2124 = vector.extract_strided_slice %add3A_2120 {offsets = [2], sizes = [1], strides = [1]} : vector<16xf32> to vector<1xf32>
      %squeeze3A_2125 = vector.extract %slice3A_2124[0] : f32 from vector<1xf32>
      %add3A_2126 = arith.addf %add3A_2123, %squeeze3A_2125 : f32
      %slice3A_2127 = vector.extract_strided_slice %add3A_2120 {offsets = [3], sizes = [1], strides = [1]} : vector<16xf32> to vector<1xf32>
      %squeeze3A_2128 = vector.extract %slice3A_2127[0] : f32 from vector<1xf32>
      %add3A_2129 = arith.addf %add3A_2126, %squeeze3A_2128 : f32
      %slice3A_2130 = vector.extract_strided_slice %add3A_2120 {offsets = [4], sizes = [1], strides = [1]} : vector<16xf32> to vector<1xf32>
      %squeeze3A_2131 = vector.extract %slice3A_2130[0] : f32 from vector<1xf32>
      %add3A_2132 = arith.addf %add3A_2129, %squeeze3A_2131 : f32
      %slice3A_2133 = vector.extract_strided_slice %add3A_2120 {offsets = [5], sizes = [1], strides = [1]} : vector<16xf32> to vector<1xf32>
      %squeeze3A_2134 = vector.extract %slice3A_2133[0] : f32 from vector<1xf32>
      %add3A_2135 = arith.addf %add3A_2132, %squeeze3A_2134 : f32
      %slice3A_2136 = vector.extract_strided_slice %add3A_2120 {offsets = [6], sizes = [1], strides = [1]} : vector<16xf32> to vector<1xf32>
      %squeeze3A_2137 = vector.extract %slice3A_2136[0] : f32 from vector<1xf32>
      %add3A_2138 = arith.addf %add3A_2135, %squeeze3A_2137 : f32
      %slice3A_2139 = vector.extract_strided_slice %add3A_2120 {offsets = [7], sizes = [1], strides = [1]} : vector<16xf32> to vector<1xf32>
      %squeeze3A_2140 = vector.extract %slice3A_2139[0] : f32 from vector<1xf32>
      %add3A_2141 = arith.addf %add3A_2138, %squeeze3A_2140 : f32
      %slice3A_2142 = vector.extract_strided_slice %add3A_2120 {offsets = [8], sizes = [1], strides = [1]} : vector<16xf32> to vector<1xf32>
      %squeeze3A_2143 = vector.extract %slice3A_2142[0] : f32 from vector<1xf32>
      %add3A_2144 = arith.addf %add3A_2141, %squeeze3A_2143 : f32
      %slice3A_2145 = vector.extract_strided_slice %add3A_2120 {offsets = [9], sizes = [1], strides = [1]} : vector<16xf32> to vector<1xf32>
      %squeeze3A_2146 = vector.extract %slice3A_2145[0] : f32 from vector<1xf32>
      %add3A_2147 = arith.addf %add3A_2144, %squeeze3A_2146 : f32
      %slice3A_2148 = vector.extract_strided_slice %add3A_2120 {offsets = [10], sizes = [1], strides = [1]} : vector<16xf32> to vector<1xf32>
      %squeeze3A_2149 = vector.extract %slice3A_2148[0] : f32 from vector<1xf32>
      %add3A_2150 = arith.addf %add3A_2147, %squeeze3A_2149 : f32
      %slice3A_2151 = vector.extract_strided_slice %add3A_2120 {offsets = [11], sizes = [1], strides = [1]} : vector<16xf32> to vector<1xf32>
      %squeeze3A_2152 = vector.extract %slice3A_2151[0] : f32 from vector<1xf32>
      %add3A_2153 = arith.addf %add3A_2150, %squeeze3A_2152 : f32
      %slice3A_2154 = vector.extract_strided_slice %add3A_2120 {offsets = [12], sizes = [1], strides = [1]} : vector<16xf32> to vector<1xf32>
      %squeeze3A_2155 = vector.extract %slice3A_2154[0] : f32 from vector<1xf32>
      %add3A_2156 = arith.addf %add3A_2153, %squeeze3A_2155 : f32
      %slice3A_2157 = vector.extract_strided_slice %add3A_2120 {offsets = [13], sizes = [1], strides = [1]} : vector<16xf32> to vector<1xf32>
      %squeeze3A_2158 = vector.extract %slice3A_2157[0] : f32 from vector<1xf32>
      %add3A_2159 = arith.addf %add3A_2156, %squeeze3A_2158 : f32
      %slice3A_2160 = vector.extract_strided_slice %add3A_2120 {offsets = [14], sizes = [1], strides = [1]} : vector<16xf32> to vector<1xf32>
      %squeeze3A_2161 = vector.extract %slice3A_2160[0] : f32 from vector<1xf32>
      %add3A_2162 = arith.addf %add3A_2159, %squeeze3A_2161 : f32
      %slice3A_2163 = vector.extract_strided_slice %add3A_2120 {offsets = [15], sizes = [1], strides = [1]} : vector<16xf32> to vector<1xf32>
      %squeeze3A_2164 = vector.extract %slice3A_2163[0] : f32 from vector<1xf32>
      %add3A_2165 = arith.addf %add3A_2162, %squeeze3A_2164 : f32
      %broadcast_in_dim3A_2166 = vector.broadcast %add3A_2165 : f32 to vector<16xf32>
      %swap3A_2167 = arith.constant 0 : index
      %swap3A_2168 = tpu.vector_load %arg17[%swap3A_2167] {strides = array<i32>} : memref<16xf32, #tpu.memory_space<vmem>>, vector<16xf32>,
      %swap3A_2169 = vector.shape_cast %swap3A_2168 : vector<16xf32> to vector<16xf32>
      %swap3A_2170 = vector.shape_cast %broadcast_in_dim3A_2166 : vector<16xf32> to vector<16xf32>
      tpu.vector_store %arg17[%swap3A_2167], %swap3A_2170 {strides = array<i32>} : memref<16xf32, #tpu.memory_space<vmem>>, vector<16xf32>,
      "tpu.region"() ({
        %run_scoped3A = tpu.sem_alloc : memref<!tpu.dma_semaphore, #tpu.memory_space<semaphore_mem>>
        %dma_start3A_2171 = arith.constant 256 : i32
        %dma_start3A_2172 = tpu.memref_slice %arg8[%dma_start3A_2171] : memref<272xf32, #tpu.memory_space<hbm>> -> memref<16xf32, #tpu.memory_space<hbm>>
        %dma_start3A_2173 = arith.constant 256 : i32
        %dma_start3A_2174 = tpu.memref_slice %arg8[%dma_start3A_2173] : memref<272xf32, #tpu.memory_space<hbm>> -> memref<16xf32, #tpu.memory_space<hbm>>
        tpu.enqueue_dma source(%arg17 : memref<16xf32, #tpu.memory_space<vmem>>) target(%dma_start3A_2174 : memref<16xf32, #tpu.memory_space<hbm>>) target_semaphore(%run_scoped3A : memref<!tpu.dma_semaphore, #tpu.memory_space<semaphore_mem>>)
        %dma_wait3A_2175 = arith.constant 256 : i32
        %dma_wait3A_2176 = tpu.memref_slice %arg8[%dma_wait3A_2175] : memref<272xf32, #tpu.memory_space<hbm>> -> memref<16xf32, #tpu.memory_space<hbm>>
        %dma_wait3A_2177 = arith.constant 256 : i32
        %dma_wait3A_2178 = tpu.memref_slice %arg8[%dma_wait3A_2177] : memref<272xf32, #tpu.memory_space<hbm>> -> memref<16xf32, #tpu.memory_space<hbm>>
        tpu.wait_dma2 semaphore(%run_scoped3A : memref<!tpu.dma_semaphore, #tpu.memory_space<semaphore_mem>>) src(%arg17 : memref<16xf32, #tpu.memory_space<vmem>>) dst(%dma_wait3A_2178 : memref<16xf32, #tpu.memory_space<hbm>>)
        tpu.yield
      }) : () -> ()
    } else {
    }
    return
  }
}

</mosaic_0001>

<sc_bundles>
// kernel: kernel.3.cloned.1.call-start
scs
__scs_entry_jumppad:
0x0: {  	(pc) =	sbr.rel $0x88, $3  }
0x1: {  	(tag) =	ssettag $0x0;
	lr =	simm.s32 $0x1  }
0x2: {  	[smem:$0x3F9D] =	sst lr;
	_ =	strace $0xD0000000  }
0x3: {  	_ = 	snop  }
0x4: {  	_ = 	snop  }
0x5: {  	_ = 	snop  }
0x6: {  	_ = 	snop  }
0x7: {  	_ = 	snop  }
__scs_overlays_trampoline_lowered:
0x8: {  	[smem:$0x3FAC] =	sst s0  }
0x9: {  	[smem:$0x3FAD] =	sst s1  }
0xa: {  	[smem:$0x3FAE] =	sst s2  }
0xb: {  	[smem:$0x3FAF] =	sst s3  }
0xc: {  	[smem:$0x3FB0] =	sst s4  }
0xd: {  	[smem:$0x3FB1] =	sst s5  }
0xe: {  	[smem:$0x3FB2] =	sst s6  }
0xf: {  	[smem:$0x3FB3] =	sst s7  }
0x10: {  	[smem:$0x3FB4] =	sst s8  }
0x11: {  	[smem:$0x3FB5] =	sst s9;
	s0 =	simm.s32 @!p0 $0x0  }
0x12: {  	s1 =	sld [smem:$0x3F9B];
	s0 =	simm.s32 @p0 $0x1  }
0x13: {  	[smem:$0x3FB6] =	sst s0;
	s0 =	simm.s32 @!p1 $0x0  }
0x14: {  	s2 =	sld [smem:$0x3F9A];
	s0 =	simm.s32 @p1 $0x1  }
0x15: {  	[smem:$0x3FB7] =	sst s0;
	s0 =	simm.s32 @!p2 $0x0  }
0x16: {  	s3 =	sld [smem:$0x3FDB];
	s0 =	simm.s32 @p2 $0x1  }
0x17: {  	s4 =	simm.s32 $0x1BF5;
	[smem:$0x3FB9] =	sst s0  }
0x18: {  	s0 =	sld [smem:$0x3F9C];
	_ =	swait.ge [sflag:s4], $0x0  }
0x19: {  	s7 =	sld [smem:$0x3F9D]  }
0x1a: {  	s8 =	sadd.s32 $0xFFFFE003, lr  }
0x1b: {  	s9 =	sadd.s32 $0xFFFFFEF7, lr;
	s5 =	simm.s32 $0xFFFFFFFF;
	p2 =	slt.u32 s8, $0xFFFFF086  }
0x1c: {  	p1 =	slt.u32 s9, $0xF7A;
	s5 =	simm.s32 @!p2 $0x0  }
0x1d: {  	s5 =	simm.s32 @p1 $0x1;
	p0 =	seq.s32 s7, s2  }
0x1e: {  	s7 =	smul.u32 @!p0 $0xF7A, s2;
	p2 =	seq.s32 @!p0 s5, $0x0  }
0x1f: {  	s9 =	smul.u32 $0xF7A, s1;
	s8 =	simm.s32 @!p0 $0x1BF5;
	p2 =	por !p2, p0  }
0x20: {  	[sflag:s8] =	ssyncset.s32 @!p0 $0xFFFFF086;
	s6 =	sadd.s32 @!p0 s3, s7;
	s7 =	simm.s32 @!p0 $0x108  }
0x21: {  	s3 =	sadd.s32 s3, s9;
	s6 =	sadd.s32 @!p0 $0x88, s6;
	s7 =	simm.s32 @p2 $0x1082  }
0x22: {  	[simem:s7], [sflag:s8] =	dma.local @!p0 [hbm:s6], $0xF7A  }
0x23: {  	s9 =	sor.u32 $0xD0000000, s2;
	s6 =	simm.s32 $0x108;
	_ =	swait.ge @!p0 [sflag:s8], $0x0  }
0x24: {  	s3 =	sadd.s32 $0x88, s3;
	s6 =	simm.s32 @!p1 $0x1082;
	[sflag:s4] =	ssyncset.s32 $0xFFFFF086  }
0x25: {  	[simem:s6], [sflag:s4] =	dma.local [hbm:s3], $0xF7A  }
0x26: {  	[smem:$0x3F9D] =	sst s1;
	(tag) =	ssettag s2;
	_ =	strace s9  }
0x27: {  	s1 =	sld [smem:$0x3FAD]  }
0x28: {  	s2 =	sld [smem:$0x3FAE]  }
0x29: {  	s4 =	sld [smem:$0x3FB0]  }
0x2a: {  	p0 =	seq.s32 s5, $0x0;
	s5 =	sld [smem:$0x3FB1]  }
0x2b: {  	s6 =	sld [smem:$0x3FB2]  }
0x2c: {  	s7 =	sld [smem:$0x3FB3]  }
0x2d: {  	s3 =	simm.s32 $0x108;
	s8 =	sld [smem:$0x3FB4]  }
0x2e: {  	s3 =	simm.s32 @!p0 $0x1082;
	s9 =	sld [smem:$0x3FB5]  }
0x2f: {  	lr =	sadd.s32 s0, s3;
	s0 =	sld [smem:$0x3FAC]  }
0x30: {  	s3 =	sld [smem:$0x3FAF]  }
0x31: {  	[smem:$0x3FB8] =	sst s10  }
0x32: {  	s10 =	sld [smem:$0x3FB6];
	_ =	sdelay $0x3  }
0x33: {  	p0 =	seq.s32 s10, $0x1;
	s10 =	sld [smem:$0x3FB8];
	_ =	sdelay $0x3  }
0x34: {  	[smem:$0x3FB8] =	sst s10  }
0x35: {  	s10 =	sld [smem:$0x3FB7];
	_ =	sdelay $0x3  }
0x36: {  	p1 =	seq.s32 s10, $0x1;
	s10 =	sld [smem:$0x3FB8];
	_ =	sdelay $0x3  }
0x37: {  	[smem:$0x3FB8] =	sst s10  }
0x38: {  	s10 =	sld [smem:$0x3FB9]  }
0x39: {  	_ = 	snop;
	(pc) =	sbr.ind lr, $3  }
0x3a: {  	_ = 	snop  }
0x3b: {  	_ = 	snop  }
0x3c: {  	p2 =	seq.s32 s10, $0x1;
	s10 =	sld [smem:$0x3FB8]  }
0x3d: {  	_ =	shalt  }
0x3e: {  	_ =	shalt  }
0x3f: {  	_ =	shalt  }
0x40: {  	_ =	shalt  }
0x41: {  	_ =	shalt  }
0x42: {  	_ =	shalt  }
0x43: {  	_ =	shalt  }
0x44: {  	_ =	shalt  }
0x45: {  	_ =	shalt  }
0x46: {  	_ =	shalt  }
0x47: {  	_ =	shalt  }
0x48: {  	_ =	shalt  }
0x49: {  	_ =	shalt  }
0x4a: {  	_ =	shalt  }
0x4b: {  	_ =	shalt  }
0x4c: {  	_ =	shalt  }
0x4d: {  	_ =	shalt  }
0x4e: {  	_ =	shalt  }
0x4f: {  	_ =	shalt  }
0x50: {  	_ =	shalt  }
0x51: {  	_ =	shalt  }
0x52: {  	_ =	shalt  }
0x53: {  	_ =	shalt  }
0x54: {  	_ =	shalt  }
0x55: {  	_ =	shalt  }
0x56: {  	_ =	shalt  }
0x57: {  	_ =	shalt  }
0x58: {  	_ =	shalt  }
0x59: {  	_ =	shalt  }
0x5a: {  	_ =	shalt  }
0x5b: {  	_ =	shalt  }
0x5c: {  	_ =	shalt  }
0x5d: {  	_ =	shalt  }
0x5e: {  	_ =	shalt  }
0x5f: {  	_ =	shalt  }
0x60: {  	_ =	shalt  }
0x61: {  	_ =	shalt  }
0x62: {  	_ =	shalt  }
0x63: {  	_ =	shalt  }
0x64: {  	_ =	shalt  }
0x65: {  	_ =	shalt  }
0x66: {  	_ =	shalt  }
0x67: {  	_ =	shalt  }
0x68: {  	_ =	shalt  }
0x69: {  	_ =	shalt  }
0x6a: {  	_ =	shalt  }
0x6b: {  	_ =	shalt  }
0x6c: {  	_ =	shalt  }
0x6d: {  	_ =	shalt  }
0x6e: {  	_ =	shalt  }
0x6f: {  	_ =	shalt  }
0x70: {  	_ =	shalt  }
0x71: {  	_ =	shalt  }
0x72: {  	_ =	shalt  }
0x73: {  	_ =	shalt  }
0x74: {  	_ =	shalt  }
0x75: {  	_ =	shalt  }
0x76: {  	_ =	shalt  }
0x77: {  	_ =	shalt  }
0x78: {  	_ =	shalt  }
0x79: {  	_ =	shalt  }
0x7a: {  	_ =	shalt  }
0x7b: {  	_ =	shalt  }
0x7c: {  	_ =	shalt  }
0x7d: {  	_ =	shalt  }
0x7e: {  	_ =	shalt  }
0x7f: {  	_ =	shalt  }
0x80: {  	_ =	shalt  }
0x81: {  	_ =	shalt  }
0x82: {  	_ =	shalt  }
0x83: {  	_ =	shalt  }
0x84: {  	_ =	shalt  }
0x85: {  	_ =	shalt  }
0x86: {  	_ =	shalt  }
0x87: {  	_ =	shalt  }
.Lfunc_end0:
.L_simem_size_0:
called_computation_lowered:
.L_overlay_start_0:
0x88: {  	s0 =	sld [smem:$0x3FD9]  }
0x89: {  	s1 =	sld [smem:$0x3FFE];
	_ =	sdelay $0x3  }
0x8a: {  	s0 =	sadd.s32 s1, s0  }
0x8b: {  	[smem:$0x3FC4] =	sst s0  }
0x8c: {  	_ = 	snop  }
0x8d: {  	s0 =	sld [smem:$0x3FC9]  }
0x8e: {  	s16 =	sld [smem:$0x3FC8];
	(tm) =	ssettm $0x1  }
0x8f: {  	s2 =	sld [smem:$0x3FFB];
	_ =	sdelay $0x3  }
0x90: {  	_ =	strace s2  }
0x91: {  	s2 =	sld [smem:$0x3FFC];
	_ =	sdelay $0x3  }
0x92: {  	_ =	strace s2  }
0x93: {  	s2 =	sld [smem:$0x3FFD];
	_ =	sdelay $0x3  }
0x94: {  	_ =	strace s2  }
0x95: {  	_ =	strace $0x8FFFFFFF  }
0x96: {  	s17 =	sld [smem:$0x3FDB];
	_ =	sdelay $0x1  }
0x97: {  	s3 =	simm.s32 $_scs_section_size  }
0x98: {  	s4 =	simm.s32 $_size__tile_overlayer_lowered;
	s5 =	simm.s32 $_tile_overlayer_lowered  }
0x99: {  	s20 =	simm.s32 $0x1BFF;
	s19 =	sshll.u32 s5, $0x1;
	s2 =	sadd.s32 s3, s17  }
0x9a: {  	s6 =	simm.s32 $0x0;
	s18 =	sshll.u32 s4, $0x1;
	s4 =	sadd.s32 s19, s2  }
0x9b: {  	[timem:s6], [sflag:s20] =	dma.local [hbm:s4], s18  }
0x9c: {  	_ =	swait.ge [sflag:s20], s18  }
0x9d: {  	s3 =	ssub.s32 $0x0, s18;
	[sflag:s20] =	ssyncset.done $0x0  }
0x9e: {  	[sflag:s20] =	ssyncadd.s32 s3;
	_ =	sdelay $0x1  }
0x9f: {  	s21 =	simm.s32 $0x1B8B  }
0xa0: {  	_ =	swait.ge [sflag:s21], $0x1  }
0xa1: {  	[sflag:s21] =	ssyncset.done $0x0  }
0xa2: {  	s23 =	simm.s32 $0x1B8E;
	s22 =	sld [smem:$0x3FFE];
	[sflag:s21] =	ssyncadd.s32 $0xFFFFFFFF  }
0xa3: {  	s24 =	simm.s32 $execute0_lowered;
	[smem:$0x3FD2] =	sst s23  }
0xa4: {  	s4 =	sshll.u32 s24, $0x1;
	_ =	strace $0x80000046;
	[dreg:$0x1] =	wrdreg $0xFFFFFFFF  }
0xa5: {  	s25 =	simm.s32 $_size_execute0_lowered;
	s2 =	sadd.s32 s2, s4;
	[dreg:$0x0] =	wrdreg $0x0  }
0xa6: {  	s4 =	sshll.u32 s25, $0x1;
	[dreg:$0x2] =	wrdreg s2  }
0xa7: {  	[dreg:$0x3] =	wrdreg s4  }
0xa8: {  	[dreg:$0x4] =	wrdreg $0xC0  }
0xa9: {  	_ =	task [dreg:s6], $0x5FFFF  }
0xaa: {  	[dreg:$0x1] =	wrdreg $0xFFFFFFFF  }
0xab: {  	[dreg:$0x0] =	wrdreg $0x60  }
0xac: {  	[dreg:$0x2] =	wrdreg s0  }
0xad: {  	[dreg:$0x3] =	wrdreg s16  }
0xae: {  	[dreg:$0x4] =	wrdreg s22  }
0xaf: {  	[dreg:$0x5] =	wrdreg $0x9  }
0xb0: {  	_ =	task.clear_ibuf [dreg:s6], $0x6FFFF;
	_ =	strace $0x90000046  }
0xb1: {  	s26 =	simm.s32 $0x9;
	_ =	strace $0x80000048  }
0xb2: {  	_ =	swait.ge [sflag:s26], $0x1  }
0xb3: {  	[sflag:s26] =	ssyncadd.s32 $0xFFFFFFFF  }
0xb4: {  	_ =	strace $0x90000048  }
0xb5: {  	_ =	sfence  }
0xb6: {  	s28 =	sld [smem:$0x0];
	_ =	sdelay $0x1  }
0xb7: {  	s29 =	srdreg.scid  }
0xb8: {  	s30 =	sshll.u32 s29, $0xD;
	s31 =	sshrl.u32 s29, $0x2  }
0xb9: {  	s1 =	sand.u32 $0x1, s29;
	s2 =	sand.u32 $0x4000, s30;
	s0 =	sadd.s32 s31, s28  }
0xba: {  	s1 =	sor.u32 s2, s1;
	s0 =	sshll.u32 s0, $0x11  }
0xbb: {  	s0 =	sor.u32 s0, s1  }
0xbc: {  	s0 =	sadd.s32 $0x8F2B, s0  }
0xbd: {  	[sflag:s0] =	ssyncadd.remote.s32 $0x1  }
0xbe: {  	_ =	sfence.sel $0xFFFF  }
0xbf: {  	[dreg:$0x0] =	wrdreg $0xFFFFFFFF;
	(pc) =	sbr.abs _section_cstart, $3  }
0xc0: {  	[dreg:$0x1] =	wrdreg $0xFFFFFFFF  }
0xc1: {  	_ =	task.clear_ibuf [dreg:s6], $0x2FFFF;
	_ =	strace $0x9FFFFFFF  }
0xc2: {  	(tm) =	ssettm $0x7FFFFFFF  }
0xc3: {  	_ =	shalt  }
tec
execute0_lowered:
.L_overlay_start_1:
0x0: {  	(tag) =	ssettag $0x1  }
0x1: {  	s2 =	rddreg [dreg:$0x0]  }
0x2: {  	s5 =	rddreg [dreg:$0x1]  }
0x3: {  	s4 =	rddreg [dreg:$0x2];
	s1 =	simm.s32 $0x0;
	s3 =	stileid.u32  }
0x4: {  	[smem:$0x7FF] =	sst s1;
	s6 =	sshll.u32 s3, $0x7  }
0x5: {  	s0 =	rddreg [dreg:$0x3];
	_ =	strace $0x80000047;
	s2 =	sadd.s32 s2, s6  }
0x6: {  	[tilespmem:s1], [sflag:$0x3] =	stream.linear.gather [hbm4b:s2+s1], $0x400, $0x38;
	[tilespmem:$0x1A00] =	vst v63  }
0x7: {  	s2 =	simm.s32 $0x3  }
0x8: {  	_ =	swait.ge [sflag:s2], $0x400  }
0x9: {  	[sflag:s2] =	ssyncset.done $0x0  }
0xa: {  	s9 =	simm.s32 $0x400;
	s5 =	sadd.s32 s5, s6;
	[sflag:s2] =	ssyncadd.s32 $0xFFFFFC00  }
0xb: {  	[tilespmem:s9], [sflag:$0x3] =	stream.linear.gather [hbm4b:s5+s1], $0x400, $0x38;
	[tilespmem:$0x1A00] =	vst v63  }
0xc: {  	_ =	swait.ge [sflag:s2], $0x400  }
0xd: {  	s7 =	simm.s32 $0x800;
	[sflag:s2] =	ssyncset.done $0x0  }
0xe: {  	s6 =	sadd.s32 $0x24E00, s4;
	s5 =	simm.s32 $0x80;
	[sflag:s2] =	ssyncadd.s32 $0xFFFFFC00  }
0xf: {  	[tilespmem:s7], [sflag:$0x1] =	stream.indirect.gather [hbm4b:s6+s5], $0x1, s1, s5, $0xb8;
	[tilespmem:$0x1A00] =	vst v63  }
0x10: {  	s8 =	simm.s32 $0xC00;
	s7 =	sadd.s32 $0x6400, s4  }
0x11: {  	[tilespmem:s8], [sflag:$0x1] =	stream.indirect.gather [hbm4b:s7+s5], $0x1, s1, s5, $0xb8;
	[tilespmem:$0x1A00] =	vst v63  }
0x12: {  	s10 =	simm.s32 $0x1000;
	s8 =	sadd.s32 $0x3200, s4  }
0x13: {  	[tilespmem:s10], [sflag:$0x2] =	stream.indirect.gather [hbm4b:s8+s5], $0x1, s9, s5, $0xb8;
	[tilespmem:$0x1A00] =	vst v63  }
0x14: {  	s25 =	simm.s32 $0x1400  }
0x15: {  	[tilespmem:s25], [sflag:$0x2] =	stream.indirect.gather [hbm4b:s4+s5], $0x1, s9, s5, $0xb8;
	[tilespmem:$0x1A00] =	vst v63  }
0x16: {  	s26 =	simm.s32 $0x880  }
0x17: {  	[tilespmem:s26], [sflag:$0x1] =	stream.indirect.gather [hbm4b:s6+s5], $0x1, s5, s5, $0xb8;
	[tilespmem:$0x1A00] =	vst v63  }
0x18: {  	s28 =	simm.s32 $0xC80  }
0x19: {  	[tilespmem:s28], [sflag:$0x1] =	stream.indirect.gather [hbm4b:s7+s5], $0x1, s5, s5, $0xb8;
	[tilespmem:$0x1A00] =	vst v63  }
0x1a: {  	s29 =	simm.s32 $0x480;
	s30 =	simm.s32 $0x1080  }
0x1b: {  	[tilespmem:s30], [sflag:$0x2] =	stream.indirect.gather [hbm4b:s8+s5], $0x1, s29, s5, $0xb8;
	[tilespmem:$0x1A00] =	vst v63  }
0x1c: {  	s31 =	simm.s32 $0x1480  }
0x1d: {  	[tilespmem:s31], [sflag:$0x2] =	stream.indirect.gather [hbm4b:s4+s5], $0x1, s29, s5, $0xb8;
	[tilespmem:$0x1A00] =	vst v63  }
0x1e: {  	s11 =	simm.s32 $0x100;
	s12 =	simm.s32 $0x900  }
0x1f: {  	[tilespmem:s12], [sflag:$0x1] =	stream.indirect.gather [hbm4b:s6+s5], $0x1, s11, s5, $0xb8;
	[tilespmem:$0x1A00] =	vst v63  }
0x20: {  	s13 =	simm.s32 $0xD00  }
0x21: {  	[tilespmem:s13], [sflag:$0x1] =	stream.indirect.gather [hbm4b:s7+s5], $0x1, s11, s5, $0xb8;
	[tilespmem:$0x1A00] =	vst v63  }
0x22: {  	s14 =	simm.s32 $0x500;
	s15 =	simm.s32 $0x1100  }
0x23: {  	[tilespmem:s15], [sflag:$0x2] =	stream.indirect.gather [hbm4b:s8+s5], $0x1, s14, s5, $0xb8;
	[tilespmem:$0x1A00] =	vst v63  }
0x24: {  	s16 =	simm.s32 $0x1500  }
0x25: {  	[tilespmem:s16], [sflag:$0x2] =	stream.indirect.gather [hbm4b:s4+s5], $0x1, s14, s5, $0xb8;
	[tilespmem:$0x1A00] =	vst v63  }
0x26: {  	s17 =	simm.s32 $0x180;
	s18 =	simm.s32 $0x980  }
0x27: {  	[tilespmem:s18], [sflag:$0x1] =	stream.indirect.gather [hbm4b:s6+s5], $0x1, s17, s5, $0xb8;
	[tilespmem:$0x1A00] =	vst v63  }
0x28: {  	s19 =	simm.s32 $0xD80  }
0x29: {  	[tilespmem:s19], [sflag:$0x1] =	stream.indirect.gather [hbm4b:s7+s5], $0x1, s17, s5, $0xb8;
	[tilespmem:$0x1A00] =	vst v63  }
0x2a: {  	s20 =	simm.s32 $0x580;
	s21 =	simm.s32 $0x1180  }
0x2b: {  	[tilespmem:s21], [sflag:$0x2] =	stream.indirect.gather [hbm4b:s8+s5], $0x1, s20, s5, $0xb8;
	[tilespmem:$0x1A00] =	vst v63  }
0x2c: {  	s22 =	simm.s32 $0x1580  }
0x2d: {  	[tilespmem:s22], [sflag:$0x2] =	stream.indirect.gather [hbm4b:s4+s5], $0x1, s20, s5, $0xb8;
	[tilespmem:$0x1A00] =	vst v63  }
0x2e: {  	s23 =	simm.s32 $0x200;
	s24 =	simm.s32 $0xA00  }
0x2f: {  	[tilespmem:s24], [sflag:$0x1] =	stream.indirect.gather [hbm4b:s6+s5], $0x1, s23, s5, $0xb8;
	[tilespmem:$0x1A00] =	vst v63  }
0x30: {  	s25 =	simm.s32 $0xE00  }
0x31: {  	[tilespmem:s25], [sflag:$0x1] =	stream.indirect.gather [hbm4b:s7+s5], $0x1, s23, s5, $0xb8;
	[tilespmem:$0x1A00] =	vst v63  }
0x32: {  	s26 =	simm.s32 $0x600;
	s28 =	simm.s32 $0x1200  }
0x33: {  	[tilespmem:s28], [sflag:$0x2] =	stream.indirect.gather [hbm4b:s8+s5], $0x1, s26, s5, $0xb8;
	[tilespmem:$0x1A00] =	vst v63  }
0x34: {  	s29 =	simm.s32 $0x1600  }
0x35: {  	[tilespmem:s29], [sflag:$0x2] =	stream.indirect.gather [hbm4b:s4+s5], $0x1, s26, s5, $0xb8;
	[tilespmem:$0x1A00] =	vst v63  }
0x36: {  	s30 =	simm.s32 $0x280;
	s31 =	simm.s32 $0xA80  }
0x37: {  	[tilespmem:s31], [sflag:$0x1] =	stream.indirect.gather [hbm4b:s6+s5], $0x1, s30, s5, $0xb8;
	[tilespmem:$0x1A00] =	vst v63  }
0x38: {  	s11 =	simm.s32 $0xE80  }
0x39: {  	[tilespmem:s11], [sflag:$0x1] =	stream.indirect.gather [hbm4b:s7+s5], $0x1, s30, s5, $0xb8;
	[tilespmem:$0x1A00] =	vst v63  }
0x3a: {  	s12 =	simm.s32 $0x680;
	s13 =	simm.s32 $0x1280  }
0x3b: {  	[tilespmem:s13], [sflag:$0x2] =	stream.indirect.gather [hbm4b:s8+s5], $0x1, s12, s5, $0xb8;
	[tilespmem:$0x1A00] =	vst v63  }
0x3c: {  	s14 =	simm.s32 $0x1680  }
0x3d: {  	[tilespmem:s14], [sflag:$0x2] =	stream.indirect.gather [hbm4b:s4+s5], $0x1, s12, s5, $0xb8;
	[tilespmem:$0x1A00] =	vst v63  }
0x3e: {  	s15 =	simm.s32 $0x300;
	s16 =	simm.s32 $0xB00  }
0x3f: {  	[tilespmem:s16], [sflag:$0x1] =	stream.indirect.gather [hbm4b:s6+s5], $0x1, s15, s5, $0xb8;
	[tilespmem:$0x1A00] =	vst v63  }
0x40: {  	s17 =	simm.s32 $0xF00  }
0x41: {  	[tilespmem:s17], [sflag:$0x1] =	stream.indirect.gather [hbm4b:s7+s5], $0x1, s15, s5, $0xb8;
	[tilespmem:$0x1A00] =	vst v63  }
0x42: {  	s18 =	simm.s32 $0x700;
	s19 =	simm.s32 $0x1300  }
0x43: {  	[tilespmem:s19], [sflag:$0x2] =	stream.indirect.gather [hbm4b:s8+s5], $0x1, s18, s5, $0xb8;
	[tilespmem:$0x1A00] =	vst v63  }
0x44: {  	s20 =	simm.s32 $0x1700  }
0x45: {  	[tilespmem:s20], [sflag:$0x2] =	stream.indirect.gather [hbm4b:s4+s5], $0x1, s18, s5, $0xb8;
	[tilespmem:$0x1A00] =	vst v63  }
0x46: {  	s21 =	simm.s32 $0x380;
	s22 =	simm.s32 $0xB80  }
0x47: {  	[tilespmem:s22], [sflag:$0x1] =	stream.indirect.gather [hbm4b:s6+s5], $0x1, s21, s5, $0xb8;
	[tilespmem:$0x1A00] =	vst v63  }
0x48: {  	s23 =	simm.s32 $0xF80  }
0x49: {  	[tilespmem:s23], [sflag:$0x1] =	stream.indirect.gather [hbm4b:s7+s5], $0x1, s21, s5, $0xb8;
	[tilespmem:$0x1A00] =	vst v63  }
0x4a: {  	s24 =	simm.s32 $0x780;
	s25 =	simm.s32 $0x1380  }
0x4b: {  	[tilespmem:s25], [sflag:$0x2] =	stream.indirect.gather [hbm4b:s8+s5], $0x1, s24, s5, $0xb8;
	[tilespmem:$0x1A00] =	vst v63  }
0x4c: {  	s28 =	simm.s32 $0x1;
	s26 =	simm.s32 $0x1780  }
0x4d: {  	[tilespmem:s26], [sflag:$0x2] =	stream.indirect.gather [hbm4b:s4+s5], $0x1, s24, s5, $0xb8;
	[tilespmem:$0x1A00] =	vst v63  }
0x4e: {  	_ =	swait.ge [sflag:s28], $0x80  }
0x4f: {  	[sflag:s28] =	ssyncset.done $0x0  }
0x50: {  	[sflag:s28] =	ssyncadd.s32 $0xFFFFFF80  }
0x51: {  	_ =	swait.ge [sflag:s28], $0x80  }
0x52: {  	[sflag:s28] =	ssyncset.done $0x0  }
0x53: {  	s29 =	simm.s32 $0x2;
	[sflag:s28] =	ssyncadd.s32 $0xFFFFFF80  }
0x54: {  	_ =	swait.ge [sflag:s29], $0x80  }
0x55: {  	[sflag:s29] =	ssyncset.done $0x0  }
0x56: {  	[sflag:s29] =	ssyncadd.s32 $0xFFFFFF80  }
0x57: {  	_ =	swait.ge [sflag:s29], $0x80  }
0x58: {  	[sflag:s29] =	ssyncset.done $0x0  }
0x59: {  	[sflag:s29] =	ssyncadd.s32 $0xFFFFFF80  }
0x5a: {  	_ =	swait.ge [sflag:s28], $0x80  }
0x5b: {  	[sflag:s28] =	ssyncset.done $0x0  }
0x5c: {  	[sflag:s28] =	ssyncadd.s32 $0xFFFFFF80  }
0x5d: {  	_ =	swait.ge [sflag:s28], $0x80  }
0x5e: {  	[sflag:s28] =	ssyncset.done $0x0  }
0x5f: {  	[sflag:s28] =	ssyncadd.s32 $0xFFFFFF80  }
0x60: {  	_ =	swait.ge [sflag:s29], $0x80  }
0x61: {  	[sflag:s29] =	ssyncset.done $0x0  }
0x62: {  	[sflag:s29] =	ssyncadd.s32 $0xFFFFFF80  }
0x63: {  	_ =	swait.ge [sflag:s29], $0x80  }
0x64: {  	[sflag:s29] =	ssyncset.done $0x0  }
0x65: {  	[sflag:s29] =	ssyncadd.s32 $0xFFFFFF80  }
0x66: {  	_ =	swait.ge [sflag:s28], $0x80  }
0x67: {  	[sflag:s28] =	ssyncset.done $0x0  }
0x68: {  	[sflag:s28] =	ssyncadd.s32 $0xFFFFFF80  }
0x69: {  	_ =	swait.ge [sflag:s28], $0x80  }
0x6a: {  	[sflag:s28] =	ssyncset.done $0x0  }
0x6b: {  	[sflag:s28] =	ssyncadd.s32 $0xFFFFFF80  }
0x6c: {  	_ =	swait.ge [sflag:s29], $0x80  }
0x6d: {  	[sflag:s29] =	ssyncset.done $0x0  }
0x6e: {  	[sflag:s29] =	ssyncadd.s32 $0xFFFFFF80  }
0x6f: {  	_ =	swait.ge [sflag:s29], $0x80  }
0x70: {  	[sflag:s29] =	ssyncset.done $0x0  }
0x71: {  	[sflag:s29] =	ssyncadd.s32 $0xFFFFFF80  }
0x72: {  	_ =	swait.ge [sflag:s28], $0x80  }
0x73: {  	[sflag:s28] =	ssyncset.done $0x0  }
0x74: {  	[sflag:s28] =	ssyncadd.s32 $0xFFFFFF80  }
0x75: {  	_ =	swait.ge [sflag:s28], $0x80  }
0x76: {  	[sflag:s28] =	ssyncset.done $0x0  }
0x77: {  	[sflag:s28] =	ssyncadd.s32 $0xFFFFFF80  }
0x78: {  	_ =	swait.ge [sflag:s29], $0x80  }
0x79: {  	[sflag:s29] =	ssyncset.done $0x0  }
0x7a: {  	[sflag:s29] =	ssyncadd.s32 $0xFFFFFF80  }
0x7b: {  	_ =	swait.ge [sflag:s29], $0x80  }
0x7c: {  	[sflag:s29] =	ssyncset.done $0x0  }
0x7d: {  	[sflag:s29] =	ssyncadd.s32 $0xFFFFFF80  }
0x7e: {  	_ =	swait.ge [sflag:s28], $0x80  }
0x7f: {  	[sflag:s28] =	ssyncset.done $0x0  }
0x80: {  	[sflag:s28] =	ssyncadd.s32 $0xFFFFFF80  }
0x81: {  	_ =	swait.ge [sflag:s28], $0x80  }
0x82: {  	[sflag:s28] =	ssyncset.done $0x0  }
0x83: {  	[sflag:s28] =	ssyncadd.s32 $0xFFFFFF80  }
0x84: {  	_ =	swait.ge [sflag:s29], $0x80  }
0x85: {  	[sflag:s29] =	ssyncset.done $0x0  }
0x86: {  	[sflag:s29] =	ssyncadd.s32 $0xFFFFFF80  }
0x87: {  	_ =	swait.ge [sflag:s29], $0x80  }
0x88: {  	[sflag:s29] =	ssyncset.done $0x0  }
0x89: {  	[sflag:s29] =	ssyncadd.s32 $0xFFFFFF80  }
0x8a: {  	_ =	swait.ge [sflag:s28], $0x80  }
0x8b: {  	[sflag:s28] =	ssyncset.done $0x0  }
0x8c: {  	[sflag:s28] =	ssyncadd.s32 $0xFFFFFF80  }
0x8d: {  	_ =	swait.ge [sflag:s28], $0x80  }
0x8e: {  	[sflag:s28] =	ssyncset.done $0x0  }
0x8f: {  	[sflag:s28] =	ssyncadd.s32 $0xFFFFFF80  }
0x90: {  	_ =	swait.ge [sflag:s29], $0x80  }
0x91: {  	[sflag:s29] =	ssyncset.done $0x0  }
0x92: {  	[sflag:s29] =	ssyncadd.s32 $0xFFFFFF80  }
0x93: {  	_ =	swait.ge [sflag:s29], $0x80  }
0x94: {  	[sflag:s29] =	ssyncset.done $0x0  }
0x95: {  	[sflag:s29] =	ssyncadd.s32 $0xFFFFFF80  }
0x96: {  	_ =	swait.ge [sflag:s28], $0x80  }
0x97: {  	[sflag:s28] =	ssyncset.done $0x0  }
0x98: {  	[sflag:s28] =	ssyncadd.s32 $0xFFFFFF80  }
0x99: {  	_ =	swait.ge [sflag:s28], $0x80  }
0x9a: {  	[sflag:s28] =	ssyncset.done $0x0  }
0x9b: {  	[sflag:s28] =	ssyncadd.s32 $0xFFFFFF80  }
0x9c: {  	_ =	swait.ge [sflag:s29], $0x80  }
0x9d: {  	[sflag:s29] =	ssyncset.done $0x0  }
0x9e: {  	[sflag:s29] =	ssyncadd.s32 $0xFFFFFF80  }
0x9f: {  	_ =	swait.ge [sflag:s29], $0x80  }
0xa0: {  	[sflag:s29] =	ssyncset.done $0x0  }
0xa1: {  	[sflag:s29] =	ssyncadd.s32 $0xFFFFFF80  }
0xa2: {  	_ =	swait.ge [sflag:s28], $0x80  }
0xa3: {  	[sflag:s28] =	ssyncset.done $0x0  }
0xa4: {  	[sflag:s28] =	ssyncadd.s32 $0xFFFFFF80  }
0xa5: {  	_ =	swait.ge [sflag:s28], $0x80  }
0xa6: {  	[sflag:s28] =	ssyncset.done $0x0  }
0xa7: {  	[sflag:s28] =	ssyncadd.s32 $0xFFFFFF80  }
0xa8: {  	_ =	swait.ge [sflag:s29], $0x80  }
0xa9: {  	[sflag:s29] =	ssyncset.done $0x0  }
0xaa: {  	[sflag:s29] =	ssyncadd.s32 $0xFFFFFF80  }
0xab: {  	_ =	swait.ge [sflag:s29], $0x80  }
0xac: {  	[sflag:s29] =	ssyncset.done $0x0  }
0xad: {  	[sflag:s29] =	ssyncadd.s32 $0xFFFFFF80  }
0xae: {  	v0 =	vld [tilespmem:$0x800]  }
0xaf: {  	v1 =	vld [tilespmem:$0x1000]  }
0xb0: {  	v2 =	vld [tilespmem:$0xC00]  }
0xb1: {  	v3 =	vld [tilespmem:$0x1400]  }
0xb2: {  	v4 =	vld [tilespmem:$0x810]  }
0xb3: {  	v5 =	vld [tilespmem:$0x1010]  }
0xb4: {  	v22 =	vld [tilespmem:$0xC10];
	v0 =	vmul.f32 v1, v0  }
0xb5: {  	v6 =	vld [tilespmem:$0x1410]  }
0xb6: {  	v23 =	vld [tilespmem:$0x820];
	v2 =	vmul.f32 v3, v2;
	v0 =	vadd.f32 $0.0e+00, v0  }
0xb7: {  	v7 =	vld [tilespmem:$0x1020]  }
0xb8: {  	v25 =	vld [tilespmem:$0xC20];
	v24 =	vmul.f32 v5, v4;
	v0 =	vadd.f32 v2, v0  }
0xb9: {  	v26 =	vld [tilespmem:$0x1420]  }
0xba: {  	v27 =	vld [tilespmem:$0x830];
	v1 =	vmul.f32 v6, v22;
	v0 =	vadd.f32 v24, v0  }
0xbb: {  	v28 =	vld [tilespmem:$0x1030]  }
0xbc: {  	v30 =	vld [tilespmem:$0xC30];
	v29 =	vmul.f32 v7, v23;
	v0 =	vadd.f32 v1, v0  }
0xbd: {  	v31 =	vld [tilespmem:$0x1430]  }
0xbe: {  	v33 =	vld [tilespmem:$0x840];
	v32 =	vmul.f32 v26, v25;
	v0 =	vadd.f32 v29, v0  }
0xbf: {  	v34 =	vld [tilespmem:$0x1040]  }
0xc0: {  	v36 =	vld [tilespmem:$0xC40];
	v35 =	vmul.f32 v28, v27;
	v0 =	vadd.f32 v32, v0  }
0xc1: {  	v37 =	vld [tilespmem:$0x1440]  }
0xc2: {  	v39 =	vld [tilespmem:$0x850];
	v38 =	vmul.f32 v31, v30;
	v0 =	vadd.f32 v35, v0  }
0xc3: {  	v40 =	vld [tilespmem:$0x1050]  }
0xc4: {  	v42 =	vld [tilespmem:$0xC50];
	v41 =	vmul.f32 v34, v33;
	v0 =	vadd.f32 v38, v0  }
0xc5: {  	v43 =	vld [tilespmem:$0x1450]  }
0xc6: {  	v45 =	vld [tilespmem:$0x860];
	v44 =	vmul.f32 v37, v36;
	v0 =	vadd.f32 v41, v0  }
0xc7: {  	v46 =	vld [tilespmem:$0x1060]  }
0xc8: {  	v48 =	vld [tilespmem:$0xC60];
	v47 =	vmul.f32 v40, v39;
	v0 =	vadd.f32 v44, v0  }
0xc9: {  	v49 =	vld [tilespmem:$0x1460]  }
0xca: {  	v51 =	vld [tilespmem:$0x870];
	v50 =	vmul.f32 v43, v42;
	v0 =	vadd.f32 v47, v0  }
0xcb: {  	v52 =	vld [tilespmem:$0x1070]  }
0xcc: {  	v54 =	vld [tilespmem:$0xC70];
	v53 =	vmul.f32 v46, v45;
	v0 =	vadd.f32 v50, v0  }
0xcd: {  	v55 =	vld [tilespmem:$0x1470]  }
0xce: {  	v57 =	vld [tilespmem:$0x880];
	v56 =	vmul.f32 v49, v48;
	v0 =	vadd.f32 v53, v0  }
0xcf: {  	v58 =	vld [tilespmem:$0x1080]  }
0xd0: {  	v60 =	vld [tilespmem:$0xC80];
	v59 =	vmul.f32 v52, v51;
	v0 =	vadd.f32 v56, v0  }
0xd1: {  	v61 =	vld [tilespmem:$0x1480]  }
0xd2: {  	v63 =	vld [tilespmem:$0x890];
	v62 =	vmul.f32 v55, v54;
	v0 =	vadd.f32 v59, v0  }
0xd3: {  	v9 =	vld [tilespmem:$0x1090]  }
0xd4: {  	v11 =	vld [tilespmem:$0xC90];
	v10 =	vmul.f32 v58, v57;
	v0 =	vadd.f32 v62, v0  }
0xd5: {  	v12 =	vld [tilespmem:$0x1490]  }
0xd6: {  	v14 =	vld [tilespmem:$0x8A0];
	v13 =	vmul.f32 v61, v60;
	v0 =	vadd.f32 v10, v0  }
0xd7: {  	v15 =	vld [tilespmem:$0x10A0]  }
0xd8: {  	v17 =	vld [tilespmem:$0xCA0];
	v16 =	vmul.f32 v9, v63;
	v0 =	vadd.f32 v13, v0  }
0xd9: {  	v18 =	vld [tilespmem:$0x14A0]  }
0xda: {  	v20 =	vld [tilespmem:$0x8B0];
	v19 =	vmul.f32 v12, v11;
	v0 =	vadd.f32 v16, v0  }
0xdb: {  	v21 =	vld [tilespmem:$0x10B0]  }
0xdc: {  	v22 =	vmul.f32 v15, v14;
	v23 =	vld [tilespmem:$0xCB0];
	v0 =	vadd.f32 v19, v0  }
0xdd: {  	v24 =	vld [tilespmem:$0x14B0]  }
0xde: {  	v25 =	vmul.f32 v18, v17;
	v26 =	vld [tilespmem:$0x8C0];
	v0 =	vadd.f32 v22, v0  }
0xdf: {  	v27 =	vld [tilespmem:$0x10C0]  }
0xe0: {  	v28 =	vmul.f32 v21, v20;
	v30 =	vld [tilespmem:$0x14C0];
	v0 =	vadd.f32 v25, v0  }
0xe1: {  	v29 =	vld [tilespmem:$0xCC0]  }
0xe2: {  	v33 =	vld [tilespmem:$0x10D0];
	v31 =	vmul.f32 v24, v23;
	v0 =	vadd.f32 v28, v0  }
0xe3: {  	v32 =	vld [tilespmem:$0x8D0]  }
0xe4: {  	v36 =	vld [tilespmem:$0x14D0];
	v34 =	vmul.f32 v27, v26;
	v0 =	vadd.f32 v31, v0  }
0xe5: {  	v35 =	vld [tilespmem:$0xCD0]  }
0xe6: {  	v39 =	vld [tilespmem:$0x10E0];
	v37 =	vmul.f32 v30, v29;
	v0 =	vadd.f32 v34, v0  }
0xe7: {  	v38 =	vld [tilespmem:$0x8E0]  }
0xe8: {  	v42 =	vld [tilespmem:$0x14E0];
	v40 =	vmul.f32 v33, v32;
	v0 =	vadd.f32 v37, v0  }
0xe9: {  	v41 =	vld [tilespmem:$0xCE0]  }
0xea: {  	v45 =	vld [tilespmem:$0x10F0];
	v43 =	vmul.f32 v36, v35;
	v0 =	vadd.f32 v40, v0  }
0xeb: {  	v44 =	vld [tilespmem:$0x8F0]  }
0xec: {  	v48 =	vld [tilespmem:$0x14F0];
	v46 =	vmul.f32 v39, v38;
	v0 =	vadd.f32 v43, v0  }
0xed: {  	v47 =	vld [tilespmem:$0xCF0]  }
0xee: {  	v51 =	vld [tilespmem:$0x1100];
	v49 =	vmul.f32 v42, v41;
	v0 =	vadd.f32 v46, v0  }
0xef: {  	v50 =	vld [tilespmem:$0x900]  }
0xf0: {  	v54 =	vld [tilespmem:$0x1500];
	v52 =	vmul.f32 v45, v44;
	v0 =	vadd.f32 v49, v0  }
0xf1: {  	v53 =	vld [tilespmem:$0xD00]  }
0xf2: {  	v57 =	vld [tilespmem:$0x1110];
	v55 =	vmul.f32 v48, v47;
	v0 =	vadd.f32 v52, v0  }
0xf3: {  	v56 =	vld [tilespmem:$0x910]  }
0xf4: {  	v60 =	vld [tilespmem:$0x1510];
	v58 =	vmul.f32 v51, v50;
	v0 =	vadd.f32 v55, v0  }
0xf5: {  	v59 =	vld [tilespmem:$0xD10]  }
0xf6: {  	v63 =	vld [tilespmem:$0x1120];
	v61 =	vmul.f32 v54, v53;
	v0 =	vadd.f32 v58, v0  }
0xf7: {  	v62 =	vld [tilespmem:$0x920]  }
0xf8: {  	v11 =	vld [tilespmem:$0x1520];
	v9 =	vmul.f32 v57, v56;
	v0 =	vadd.f32 v61, v0  }
0xf9: {  	v10 =	vld [tilespmem:$0xD20]  }
0xfa: {  	v14 =	vld [tilespmem:$0x1130];
	v12 =	vmul.f32 v60, v59;
	v0 =	vadd.f32 v9, v0  }
0xfb: {  	v13 =	vld [tilespmem:$0x930]  }
0xfc: {  	v17 =	vld [tilespmem:$0x1530];
	v15 =	vmul.f32 v63, v62;
	v0 =	vadd.f32 v12, v0  }
0xfd: {  	v16 =	vld [tilespmem:$0xD30]  }
0xfe: {  	v20 =	vld [tilespmem:$0x1140];
	v18 =	vmul.f32 v11, v10;
	v0 =	vadd.f32 v15, v0  }
0xff: {  	v19 =	vld [tilespmem:$0x940]  }
0x100: {  	v23 =	vld [tilespmem:$0x1540];
	v21 =	vmul.f32 v14, v13;
	v0 =	vadd.f32 v18, v0  }
0x101: {  	v22 =	vld [tilespmem:$0xD40]  }
0x102: {  	v26 =	vld [tilespmem:$0x1150];
	v24 =	vmul.f32 v17, v16;
	v0 =	vadd.f32 v21, v0  }
0x103: {  	v25 =	vld [tilespmem:$0x950]  }
0x104: {  	v29 =	vld [tilespmem:$0x1550];
	v27 =	vmul.f32 v20, v19;
	v0 =	vadd.f32 v24, v0  }
0x105: {  	v28 =	vld [tilespmem:$0xD50]  }
0x106: {  	v32 =	vld [tilespmem:$0x1160];
	v30 =	vmul.f32 v23, v22;
	v0 =	vadd.f32 v27, v0  }
0x107: {  	v31 =	vld [tilespmem:$0x960]  }
0x108: {  	v35 =	vld [tilespmem:$0x1560];
	v33 =	vmul.f32 v26, v25;
	v0 =	vadd.f32 v30, v0  }
0x109: {  	v34 =	vld [tilespmem:$0xD60]  }
0x10a: {  	v38 =	vld [tilespmem:$0x1170];
	v36 =	vmul.f32 v29, v28;
	v0 =	vadd.f32 v33, v0  }
0x10b: {  	v37 =	vld [tilespmem:$0x970]  }
0x10c: {  	v41 =	vld [tilespmem:$0x1570];
	v39 =	vmul.f32 v32, v31;
	v0 =	vadd.f32 v36, v0  }
0x10d: {  	v40 =	vld [tilespmem:$0xD70]  }
0x10e: {  	v44 =	vld [tilespmem:$0x1180];
	v42 =	vmul.f32 v35, v34;
	v0 =	vadd.f32 v39, v0  }
0x10f: {  	v43 =	vld [tilespmem:$0x980]  }
0x110: {  	v47 =	vld [tilespmem:$0x1580];
	v45 =	vmul.f32 v38, v37;
	v0 =	vadd.f32 v42, v0  }
0x111: {  	v46 =	vld [tilespmem:$0xD80]  }
0x112: {  	v50 =	vld [tilespmem:$0x1190];
	v48 =	vmul.f32 v41, v40;
	v0 =	vadd.f32 v45, v0  }
0x113: {  	v49 =	vld [tilespmem:$0x990]  }
0x114: {  	v53 =	vld [tilespmem:$0x1590];
	v51 =	vmul.f32 v44, v43;
	v0 =	vadd.f32 v48, v0  }
0x115: {  	v52 =	vld [tilespmem:$0xD90]  }
0x116: {  	v56 =	vld [tilespmem:$0x11A0];
	v54 =	vmul.f32 v47, v46;
	v0 =	vadd.f32 v51, v0  }
0x117: {  	v55 =	vld [tilespmem:$0x9A0]  }
0x118: {  	v59 =	vld [tilespmem:$0x15A0];
	v57 =	vmul.f32 v50, v49;
	v0 =	vadd.f32 v54, v0  }
0x119: {  	v58 =	vld [tilespmem:$0xDA0]  }
0x11a: {  	v62 =	vld [tilespmem:$0x11B0];
	v60 =	vmul.f32 v53, v52;
	v0 =	vadd.f32 v57, v0  }
0x11b: {  	v61 =	vld [tilespmem:$0x9B0]  }
0x11c: {  	v10 =	vld [tilespmem:$0x15B0];
	v63 =	vmul.f32 v56, v55;
	v0 =	vadd.f32 v60, v0  }
0x11d: {  	v9 =	vld [tilespmem:$0xDB0]  }
0x11e: {  	v13 =	vld [tilespmem:$0x11C0];
	v11 =	vmul.f32 v59, v58;
	v0 =	vadd.f32 v63, v0  }
0x11f: {  	v12 =	vld [tilespmem:$0x9C0]  }
0x120: {  	v16 =	vld [tilespmem:$0x15C0];
	v14 =	vmul.f32 v62, v61;
	v0 =	vadd.f32 v11, v0  }
0x121: {  	v15 =	vld [tilespmem:$0xDC0]  }
0x122: {  	v19 =	vld [tilespmem:$0x11D0];
	v17 =	vmul.f32 v10, v9;
	v0 =	vadd.f32 v14, v0  }
0x123: {  	v18 =	vld [tilespmem:$0x9D0]  }
0x124: {  	v22 =	vld [tilespmem:$0x15D0];
	v20 =	vmul.f32 v13, v12;
	v0 =	vadd.f32 v17, v0  }
0x125: {  	v21 =	vld [tilespmem:$0xDD0]  }
0x126: {  	v25 =	vld [tilespmem:$0x11E0];
	v23 =	vmul.f32 v16, v15;
	v0 =	vadd.f32 v20, v0  }
0x127: {  	v24 =	vld [tilespmem:$0x9E0]  }
0x128: {  	v28 =	vld [tilespmem:$0x15E0];
	v26 =	vmul.f32 v19, v18;
	v0 =	vadd.f32 v23, v0  }
0x129: {  	v27 =	vld [tilespmem:$0xDE0]  }
0x12a: {  	v31 =	vld [tilespmem:$0x11F0];
	v29 =	vmul.f32 v22, v21;
	v0 =	vadd.f32 v26, v0  }
0x12b: {  	v30 =	vld [tilespmem:$0x9F0]  }
0x12c: {  	v34 =	vld [tilespmem:$0x15F0];
	v32 =	vmul.f32 v25, v24;
	v0 =	vadd.f32 v29, v0  }
0x12d: {  	v33 =	vld [tilespmem:$0xDF0]  }
0x12e: {  	v37 =	vld [tilespmem:$0x1200];
	v35 =	vmul.f32 v28, v27;
	v0 =	vadd.f32 v32, v0  }
0x12f: {  	v36 =	vld [tilespmem:$0xA00]  }
0x130: {  	v40 =	vld [tilespmem:$0x1600];
	v38 =	vmul.f32 v31, v30;
	v0 =	vadd.f32 v35, v0  }
0x131: {  	v39 =	vld [tilespmem:$0xE00]  }
0x132: {  	v43 =	vld [tilespmem:$0x1210];
	v41 =	vmul.f32 v34, v33;
	v0 =	vadd.f32 v38, v0  }
0x133: {  	v42 =	vld [tilespmem:$0xA10]  }
0x134: {  	v46 =	vld [tilespmem:$0x1610];
	v44 =	vmul.f32 v37, v36;
	v0 =	vadd.f32 v41, v0  }
0x135: {  	v45 =	vld [tilespmem:$0xE10]  }
0x136: {  	v49 =	vld [tilespmem:$0x1220];
	v47 =	vmul.f32 v40, v39;
	v0 =	vadd.f32 v44, v0  }
0x137: {  	v48 =	vld [tilespmem:$0xA20]  }
0x138: {  	v52 =	vld [tilespmem:$0x1620];
	v50 =	vmul.f32 v43, v42;
	v0 =	vadd.f32 v47, v0  }
0x139: {  	v51 =	vld [tilespmem:$0xE20]  }
0x13a: {  	v55 =	vld [tilespmem:$0x1230];
	v53 =	vmul.f32 v46, v45;
	v0 =	vadd.f32 v50, v0  }
0x13b: {  	v54 =	vld [tilespmem:$0xA30]  }
0x13c: {  	v58 =	vld [tilespmem:$0x1630];
	v56 =	vmul.f32 v49, v48;
	v0 =	vadd.f32 v53, v0  }
0x13d: {  	v57 =	vld [tilespmem:$0xE30]  }
0x13e: {  	v61 =	vld [tilespmem:$0x1240];
	v59 =	vmul.f32 v52, v51;
	v0 =	vadd.f32 v56, v0  }
0x13f: {  	v60 =	vld [tilespmem:$0xA40]  }
0x140: {  	v9 =	vld [tilespmem:$0x1640];
	v62 =	vmul.f32 v55, v54;
	v0 =	vadd.f32 v59, v0  }
0x141: {  	v63 =	vld [tilespmem:$0xE40]  }
0x142: {  	v12 =	vld [tilespmem:$0x1250];
	v10 =	vmul.f32 v58, v57;
	v0 =	vadd.f32 v62, v0  }
0x143: {  	v11 =	vld [tilespmem:$0xA50]  }
0x144: {  	v15 =	vld [tilespmem:$0x1650];
	v13 =	vmul.f32 v61, v60;
	v0 =	vadd.f32 v10, v0  }
0x145: {  	v14 =	vld [tilespmem:$0xE50]  }
0x146: {  	v18 =	vld [tilespmem:$0x1260];
	v16 =	vmul.f32 v9, v63;
	v0 =	vadd.f32 v13, v0  }
0x147: {  	v17 =	vld [tilespmem:$0xA60]  }
0x148: {  	v21 =	vld [tilespmem:$0x1660];
	v19 =	vmul.f32 v12, v11;
	v0 =	vadd.f32 v16, v0  }
0x149: {  	v20 =	vld [tilespmem:$0xE60]  }
0x14a: {  	v24 =	vld [tilespmem:$0x1270];
	v22 =	vmul.f32 v15, v14;
	v0 =	vadd.f32 v19, v0  }
0x14b: {  	v23 =	vld [tilespmem:$0xA70]  }
0x14c: {  	v27 =	vld [tilespmem:$0x1670];
	v25 =	vmul.f32 v18, v17;
	v0 =	vadd.f32 v22, v0  }
0x14d: {  	v26 =	vld [tilespmem:$0xE70]  }
0x14e: {  	v30 =	vld [tilespmem:$0x1280];
	v28 =	vmul.f32 v21, v20;
	v0 =	vadd.f32 v25, v0  }
0x14f: {  	v29 =	vld [tilespmem:$0xA80]  }
0x150: {  	v33 =	vld [tilespmem:$0x1680];
	v31 =	vmul.f32 v24, v23;
	v0 =	vadd.f32 v28, v0  }
0x151: {  	v32 =	vld [tilespmem:$0xE80]  }
0x152: {  	v36 =	vld [tilespmem:$0x1290];
	v34 =	vmul.f32 v27, v26;
	v0 =	vadd.f32 v31, v0  }
0x153: {  	v35 =	vld [tilespmem:$0xA90]  }
0x154: {  	v39 =	vld [tilespmem:$0x1690];
	v37 =	vmul.f32 v30, v29;
	v0 =	vadd.f32 v34, v0  }
0x155: {  	v38 =	vld [tilespmem:$0xE90]  }
0x156: {  	v42 =	vld [tilespmem:$0x12A0];
	v40 =	vmul.f32 v33, v32;
	v0 =	vadd.f32 v37, v0  }
0x157: {  	v41 =	vld [tilespmem:$0xAA0]  }
0x158: {  	v45 =	vld [tilespmem:$0x16A0];
	v43 =	vmul.f32 v36, v35;
	v0 =	vadd.f32 v40, v0  }
0x159: {  	v44 =	vld [tilespmem:$0xEA0]  }
0x15a: {  	v48 =	vld [tilespmem:$0x12B0];
	v46 =	vmul.f32 v39, v38;
	v0 =	vadd.f32 v43, v0  }
0x15b: {  	v47 =	vld [tilespmem:$0xAB0]  }
0x15c: {  	v51 =	vld [tilespmem:$0x16B0];
	v49 =	vmul.f32 v42, v41;
	v0 =	vadd.f32 v46, v0  }
0x15d: {  	v50 =	vld [tilespmem:$0xEB0]  }
0x15e: {  	v54 =	vld [tilespmem:$0x12C0];
	v52 =	vmul.f32 v45, v44;
	v0 =	vadd.f32 v49, v0  }
0x15f: {  	v53 =	vld [tilespmem:$0xAC0]  }
0x160: {  	v57 =	vld [tilespmem:$0x16C0];
	v55 =	vmul.f32 v48, v47;
	v0 =	vadd.f32 v52, v0  }
0x161: {  	v56 =	vld [tilespmem:$0xEC0]  }
0x162: {  	v60 =	vld [tilespmem:$0x12D0];
	v58 =	vmul.f32 v51, v50;
	v0 =	vadd.f32 v55, v0  }
0x163: {  	v59 =	vld [tilespmem:$0xAD0]  }
0x164: {  	v63 =	vld [tilespmem:$0x16D0];
	v61 =	vmul.f32 v54, v53;
	v0 =	vadd.f32 v58, v0  }
0x165: {  	v62 =	vld [tilespmem:$0xED0]  }
0x166: {  	v9 =	vld [tilespmem:$0xAE0];
	v8 =	vmul.f32 v57, v56;
	v0 =	vadd.f32 v61, v0  }
0x167: {  	v10 =	vld [tilespmem:$0x12E0]  }
0x168: {  	v12 =	vld [tilespmem:$0xEE0];
	v11 =	vmul.f32 v60, v59;
	v0 =	vadd.f32 v8, v0  }
0x169: {  	v13 =	vld [tilespmem:$0x16E0]  }
0x16a: {  	v15 =	vld [tilespmem:$0xAF0];
	v14 =	vmul.f32 v63, v62;
	v0 =	vadd.f32 v11, v0  }
0x16b: {  	v16 =	vld [tilespmem:$0x12F0]  }
0x16c: {  	v18 =	vld [tilespmem:$0xEF0];
	v17 =	vmul.f32 v10, v9;
	v0 =	vadd.f32 v14, v0  }
0x16d: {  	v19 =	vld [tilespmem:$0x16F0]  }
0x16e: {  	v21 =	vld [tilespmem:$0xB00];
	v20 =	vmul.f32 v13, v12;
	v0 =	vadd.f32 v17, v0  }
0x16f: {  	v22 =	vld [tilespmem:$0x1300]  }
0x170: {  	v24 =	vld [tilespmem:$0xF00];
	v23 =	vmul.f32 v16, v15;
	v0 =	vadd.f32 v20, v0  }
0x171: {  	v25 =	vld [tilespmem:$0x1700]  }
0x172: {  	v27 =	vld [tilespmem:$0xB10];
	v26 =	vmul.f32 v19, v18;
	v0 =	vadd.f32 v23, v0  }
0x173: {  	v28 =	vld [tilespmem:$0x1310]  }
0x174: {  	v30 =	vld [tilespmem:$0xF10];
	v29 =	vmul.f32 v22, v21;
	v0 =	vadd.f32 v26, v0  }
0x175: {  	v31 =	vld [tilespmem:$0x1710]  }
0x176: {  	v33 =	vld [tilespmem:$0xB20];
	v32 =	vmul.f32 v25, v24;
	v0 =	vadd.f32 v29, v0  }
0x177: {  	v34 =	vld [tilespmem:$0x1320]  }
0x178: {  	v36 =	vld [tilespmem:$0xF20];
	v35 =	vmul.f32 v28, v27;
	v0 =	vadd.f32 v32, v0  }
0x179: {  	v37 =	vld [tilespmem:$0x1720]  }
0x17a: {  	v39 =	vld [tilespmem:$0xB30];
	v38 =	vmul.f32 v31, v30;
	v0 =	vadd.f32 v35, v0  }
0x17b: {  	v40 =	vld [tilespmem:$0x1330]  }
0x17c: {  	v42 =	vld [tilespmem:$0xF30];
	v41 =	vmul.f32 v34, v33;
	v0 =	vadd.f32 v38, v0  }
0x17d: {  	v43 =	vld [tilespmem:$0x1730]  }
0x17e: {  	v45 =	vld [tilespmem:$0xB40];
	v44 =	vmul.f32 v37, v36;
	v0 =	vadd.f32 v41, v0  }
0x17f: {  	v46 =	vld [tilespmem:$0x1340]  }
0x180: {  	v48 =	vld [tilespmem:$0xF40];
	v47 =	vmul.f32 v40, v39;
	v0 =	vadd.f32 v44, v0  }
0x181: {  	v49 =	vld [tilespmem:$0x1740]  }
0x182: {  	v51 =	vld [tilespmem:$0xB50];
	v50 =	vmul.f32 v43, v42;
	v0 =	vadd.f32 v47, v0  }
0x183: {  	v52 =	vld [tilespmem:$0x1350]  }
0x184: {  	v54 =	vld [tilespmem:$0xF50];
	v53 =	vmul.f32 v46, v45;
	v0 =	vadd.f32 v50, v0  }
0x185: {  	v55 =	vld [tilespmem:$0x1750]  }
0x186: {  	v57 =	vld [tilespmem:$0xB60];
	v56 =	vmul.f32 v49, v48;
	v0 =	vadd.f32 v53, v0  }
0x187: {  	v58 =	vld [tilespmem:$0x1360]  }
0x188: {  	v60 =	vld [tilespmem:$0xF60];
	v59 =	vmul.f32 v52, v51;
	v0 =	vadd.f32 v56, v0  }
0x189: {  	v61 =	vld [tilespmem:$0x1760]  }
0x18a: {  	v63 =	vld [tilespmem:$0xB70];
	v62 =	vmul.f32 v55, v54;
	v0 =	vadd.f32 v59, v0  }
0x18b: {  	v9 =	vld [tilespmem:$0x1370]  }
0x18c: {  	v12 =	vld [tilespmem:$0x1770];
	v10 =	vmul.f32 v58, v57;
	v0 =	vadd.f32 v62, v0  }
0x18d: {  	v11 =	vld [tilespmem:$0xF70]  }
0x18e: {  	v15 =	vld [tilespmem:$0x1380];
	v13 =	vmul.f32 v61, v60;
	v0 =	vadd.f32 v10, v0  }
0x18f: {  	v14 =	vld [tilespmem:$0xB80]  }
0x190: {  	v16 =	vmul.f32 v9, v63;
	v18 =	vld [tilespmem:$0x1780];
	v0 =	vadd.f32 v13, v0  }
0x191: {  	v17 =	vld [tilespmem:$0xF80]  }
0x192: {  	v21 =	vld [tilespmem:$0x1390];
	v19 =	vmul.f32 v12, v11;
	v0 =	vadd.f32 v16, v0  }
0x193: {  	v20 =	vld [tilespmem:$0xB90]  }
0x194: {  	v24 =	vld [tilespmem:$0x1790];
	v22 =	vmul.f32 v15, v14;
	v0 =	vadd.f32 v19, v0  }
0x195: {  	v23 =	vld [tilespmem:$0xF90]  }
0x196: {  	v27 =	vld [tilespmem:$0x13A0];
	v25 =	vmul.f32 v18, v17;
	v0 =	vadd.f32 v22, v0  }
0x197: {  	v26 =	vld [tilespmem:$0xBA0]  }
0x198: {  	v30 =	vld [tilespmem:$0x17A0];
	v28 =	vmul.f32 v21, v20;
	v0 =	vadd.f32 v25, v0  }
0x199: {  	v29 =	vld [tilespmem:$0xFA0]  }
0x19a: {  	v33 =	vld [tilespmem:$0x13B0];
	v31 =	vmul.f32 v24, v23;
	v0 =	vadd.f32 v28, v0  }
0x19b: {  	v32 =	vld [tilespmem:$0xBB0]  }
0x19c: {  	v36 =	vld [tilespmem:$0x17B0];
	v34 =	vmul.f32 v27, v26;
	v0 =	vadd.f32 v31, v0  }
0x19d: {  	v35 =	vld [tilespmem:$0xFB0]  }
0x19e: {  	v39 =	vld [tilespmem:$0x13C0];
	v37 =	vmul.f32 v30, v29;
	v0 =	vadd.f32 v34, v0  }
0x19f: {  	v38 =	vld [tilespmem:$0xBC0]  }
0x1a0: {  	v42 =	vld [tilespmem:$0x17C0];
	v40 =	vmul.f32 v33, v32;
	v0 =	vadd.f32 v37, v0  }
0x1a1: {  	v41 =	vld [tilespmem:$0xFC0]  }
0x1a2: {  	v45 =	vld [tilespmem:$0x13D0];
	v43 =	vmul.f32 v36, v35;
	v0 =	vadd.f32 v40, v0  }
0x1a3: {  	v44 =	vld [tilespmem:$0xBD0]  }
0x1a4: {  	v48 =	vld [tilespmem:$0x17D0];
	v46 =	vmul.f32 v39, v38;
	v0 =	vadd.f32 v43, v0  }
0x1a5: {  	v47 =	vld [tilespmem:$0xFD0]  }
0x1a6: {  	v51 =	vld [tilespmem:$0x13E0];
	v49 =	vmul.f32 v42, v41;
	v0 =	vadd.f32 v46, v0  }
0x1a7: {  	v50 =	vld [tilespmem:$0xBE0]  }
0x1a8: {  	v54 =	vld [tilespmem:$0x17E0];
	v52 =	vmul.f32 v45, v44;
	v0 =	vadd.f32 v49, v0  }
0x1a9: {  	v53 =	vld [tilespmem:$0xFE0]  }
0x1aa: {  	v57 =	vld [tilespmem:$0x13F0];
	v55 =	vmul.f32 v48, v47;
	v0 =	vadd.f32 v52, v0  }
0x1ab: {  	v56 =	vld [tilespmem:$0xBF0]  }
0x1ac: {  	v60 =	vld [tilespmem:$0x17F0];
	v58 =	vmul.f32 v51, v50;
	v0 =	vadd.f32 v55, v0  }
0x1ad: {  	v59 =	vld [tilespmem:$0xFF0]  }
0x1ae: {  	v61 =	vmul.f32 v54, v53;
	v0 =	vadd.f32 v58, v0;
	_ =	sdelay $0x1  }
0x1af: {  	v62 =	vmul.f32 v57, v56;
	v0 =	vadd.f32 v61, v0;
	_ =	sdelay $0x1  }
0x1b0: {  	v63 =	vmul.f32 v60, v59;
	v0 =	vadd.f32 v62, v0;
	_ =	sdelay $0x1  }
0x1b1: {  	v0 =	vadd.f32 v63, v0  }
0x1b2: {  	s30 =	sshll.u32 s3, $0x1;
	s4 =	sadd.s32 $0x43800, s4  }
0x1b3: {  	s31 =	simm.s32 $0x1800;
	s5 =	sadd.s32 s4, s30;
	[tilespmem:$0x1800] =	vst v0  }
0x1b4: {  	[hbm4b:s5+s1] =	stream.linear.scatter [tilespmem:s31], [sflag:$0x3], $0x10, $0x38;
	[tilespmem:$0x1A00] =	vst v63  }
0x1b5: {  	_ =	swait.ge [sflag:s2], $0x10  }
0x1b6: {  	[sflag:s2] =	ssyncset.done $0x0  }
0x1b7: {  	[sflag:s2] =	ssyncadd.s32 $0xFFFFFFF0  }
0x1b8: {  	p0 =	sne.s32 s3, $0x0;
	[bflag:$0x0] =	sbarrier.arrive $0xFFFF  }
0x1b9: {  	_ =	sfence.sel @p0 $0x180000  }
0x1ba: {  	[bflag:$0x0] =	sbarrier.arrive @p0 $0xFFFF  }
0x1bb: {  	_ =	strace @p0 $0x90000047  }
0x1bc: {  	[bflag:$0x2] =	sbarrier.arrive @p0 $0xFFFF  }
0x1bd: {  	_ =	shalt @p0  }
.LBB2_1:
0x1be: {  	s3 =	simm.s32 $0x1880  }
0x1bf: {  	[tilespmem:s3], [sflag:$0x3] =	stream.linear.gather [hbm4b:s4+s1], $0x100, $0x38;
	[tilespmem:$0x1A00] =	vst v63  }
0x1c0: {  	_ =	swait.ge [sflag:s2], $0x100  }
0x1c1: {  	[sflag:s2] =	ssyncset.done $0x0  }
0x1c2: {  	[sflag:s2] =	ssyncadd.s32 $0xFFFFFF00  }
0x1c3: {  	v0 =	vld [tilespmem:$0x1880];
	_ =	sdelay $0x1  }
0x1c4: {  	v1 =	vld [tilespmem:$0x1890];
	_ =	sdelay $0x1  }
0x1c5: {  	v2 =	vld [tilespmem:$0x18A0]  }
0x1c6: {  	v0 =	vadd.f32 $0.0e+00, v0  }
0x1c7: {  	v3 =	vld [tilespmem:$0x18B0]  }
0x1c8: {  	v0 =	vadd.f32 v1, v0  }
0x1c9: {  	v51 =	vld [tilespmem:$0x18C0]  }
0x1ca: {  	v0 =	vadd.f32 v2, v0  }
0x1cb: {  	v52 =	vld [tilespmem:$0x18D0]  }
0x1cc: {  	v0 =	vadd.f32 v3, v0  }
0x1cd: {  	v53 =	vld [tilespmem:$0x18E0]  }
0x1ce: {  	v0 =	vadd.f32 v51, v0  }
0x1cf: {  	v54 =	vld [tilespmem:$0x18F0]  }
0x1d0: {  	v0 =	vadd.f32 v52, v0  }
0x1d1: {  	v55 =	vld [tilespmem:$0x1900]  }
0x1d2: {  	v0 =	vadd.f32 v53, v0  }
0x1d3: {  	v56 =	vld [tilespmem:$0x1910]  }
0x1d4: {  	v0 =	vadd.f32 v54, v0  }
0x1d5: {  	v57 =	vld [tilespmem:$0x1920]  }
0x1d6: {  	v0 =	vadd.f32 v55, v0  }
0x1d7: {  	v58 =	vld [tilespmem:$0x1930]  }
0x1d8: {  	v0 =	vadd.f32 v56, v0  }
0x1d9: {  	v59 =	vld [tilespmem:$0x1940]  }
0x1da: {  	v0 =	vadd.f32 v57, v0  }
0x1db: {  	v60 =	vld [tilespmem:$0x1950]  }
0x1dc: {  	v0 =	vadd.f32 v58, v0  }
0x1dd: {  	v61 =	vld [tilespmem:$0x1960]  }
0x1de: {  	v0 =	vadd.f32 v59, v0  }
0x1df: {  	v62 =	vld [tilespmem:$0x1970]  }
0x1e0: {  	v0 =	vadd.f32 v60, v0;
	_ =	sdelay $0x1  }
0x1e1: {  	v0 =	vadd.f32 v61, v0;
	_ =	sdelay $0x1  }
0x1e2: {  	v0 =	vadd.f32 v62, v0;
	_ =	sdelay $0x1  }
0x1e3: {  	(v2sf) =	vpush v0, $0x0  }
0x1e4: {  	(v2sf) =	vpush v0, $0x1;
	_ =	sdelay $0x1  }
0x1e5: {  	(v2sf) =	vpush v0, $0x2;
	_ =	sdelay $0x1  }
0x1e6: {  	(v2sf) =	vpush v0, $0x3;
	_ =	sdelay $0x1  }
0x1e7: {  	(v2sf) =	vpush v0, $0x4;
	_ =	sdelay $0x1  }
0x1e8: {  	(v2sf) =	vpush v0, $0x5;
	_ =	sdelay $0x1  }
0x1e9: {  	(v2sf) =	vpush v0, $0x6;
	_ =	sdelay $0x1  }
0x1ea: {  	(v2sf) =	vpush v0, $0x7;
	_ =	sdelay $0x1  }
0x1eb: {  	s14 =	spop (v2sf);
	(v2sf) =	vpush v0, $0x8  }
0x1ec: {  	s5 =	spop (v2sf)  }
0x1ed: {  	(v2sf) =	vpush v0, $0x9;
	s3 =	sadd.f32 s5, s14  }
0x1ee: {  	s15 =	spop (v2sf)  }
0x1ef: {  	(v2sf) =	vpush v0, $0xA;
	s3 =	sadd.f32 s3, s15  }
0x1f0: {  	s16 =	spop (v2sf)  }
0x1f1: {  	(v2sf) =	vpush v0, $0xB;
	s3 =	sadd.f32 s3, s16  }
0x1f2: {  	s17 =	spop (v2sf)  }
0x1f3: {  	(v2sf) =	vpush v0, $0xC;
	s3 =	sadd.f32 s3, s17  }
0x1f4: {  	s18 =	spop (v2sf)  }
0x1f5: {  	(v2sf) =	vpush v0, $0xD;
	s3 =	sadd.f32 s3, s18  }
0x1f6: {  	s19 =	spop (v2sf)  }
0x1f7: {  	(v2sf) =	vpush v0, $0xE;
	s3 =	sadd.f32 s3, s19  }
0x1f8: {  	s20 =	spop (v2sf)  }
0x1f9: {  	(v2sf) =	vpush v0, $0xF;
	s3 =	sadd.f32 s3, s20  }
0x1fa: {  	s21 =	spop (v2sf)  }
0x1fb: {  	s3 =	sadd.f32 s3, s21  }
0x1fc: {  	s22 =	spop (v2sf)  }
0x1fd: {  	s3 =	sadd.f32 s3, s22  }
0x1fe: {  	s23 =	spop (v2sf)  }
0x1ff: {  	s3 =	sadd.f32 s3, s23  }
0x200: {  	s24 =	spop (v2sf)  }
0x201: {  	s3 =	sadd.f32 s3, s24  }
0x202: {  	s25 =	spop (v2sf)  }
0x203: {  	s3 =	sadd.f32 s3, s25  }
0x204: {  	s26 =	spop (v2sf)  }
0x205: {  	s3 =	sadd.f32 s3, s26  }
0x206: {  	s28 =	spop (v2sf)  }
0x207: {  	s3 =	sadd.f32 s3, s28  }
0x208: {  	s29 =	spop (v2sf)  }
0x209: {  	s3 =	sadd.f32 s3, s29;
	_ =	sdelay $0x1  }
0x20a: {  	v63 =	vmov s3  }
0x20b: {  	s30 =	sadd.s32 $0x20, s4;
	s31 =	simm.s32 $0x1980;
	[tilespmem:$0x1980] =	vst v63  }
0x20c: {  	[hbm4b:s30+s1] =	stream.linear.scatter [tilespmem:s31], [sflag:$0x3], $0x10, $0x38;
	[tilespmem:$0x1A00] =	vst v63  }
0x20d: {  	_ =	swait.ge [sflag:s2], $0x10  }
0x20e: {  	[sflag:s2] =	ssyncset.done $0x0  }
0x20f: {  	[sflag:s2] =	ssyncadd.s32 $0xFFFFFFF0  }
0x210: {  	_ =	sfence.sel $0x180000  }
0x211: {  	[bflag:$0x0] =	sbarrier.arrive $0xFFFF  }
0x212: {  	_ =	strace $0x90000047  }
0x213: {  	s0 =	sadd.s32 $0x100000, s0;
	[bflag:$0x2] =	sbarrier.arrive $0xFFFF  }
0x214: {  	[sflag:s0] =	ssyncadd.tile.s32 $0x1;
	_ =	shalt  }
.Lfunc_end2:
_tile_overlayer_lowered:
.L_overlay_start_2:
0x215: {  	(tag) =	ssettag $0x2  }
0x216: {  	s0 =	rddreg [dreg:$0x0];
	s2 =	stileid.u32  }
0x217: {  	s1 =	rddreg [dreg:$0x1];
	p0 =	sne.s32 s2, $0x0  }
0x218: {  	s3 =	rddreg [dreg:$0x2];
	[bflag:$0x3] =	sbarrier.arrive $0xFFFF;
	s2 =	simm.s32 @!p0 $0x1C03  }
0x219: {  	[timem:s3], [sflag:s2] =	dma.local @!p0 [hbm:s0], s1  }
0x21a: {  	s0 =	simm.s32 @!p0 $0x3  }
0x21b: {  	_ =	swait.ge @!p0 [sflag:s0], s1  }
0x21c: {  	s1 =	ssub.s32 @!p0 $0x0, s1;
	[sflag:s0] =	ssyncset.done @!p0 $0x0  }
0x21d: {  	[sflag:s0] =	ssyncadd.s32 @!p0 s1  }
0x21e: {  	[bflag:$0x3] =	sbarrier.arrive $0xFFFF  }
0x21f: {  	_ =	shalt  }

</sc_bundles>
